<compile_context>
chip_gen: v7x
topology: tpu7x:2x2x1
jax: 0.10.2.dev20260603
libtpu: 0.0.44.dev20260713+nightly
codegen_flags: <defaults>
</compile_context>

<pallas_src>
import functools

import jax
import jax.numpy as jnp
from jax import lax
from jax.experimental import pallas as pl
from jax.experimental.pallas import tpu as pltpu
from jax.experimental.pallas import tpu_sc as plsc


def _build_lookup(BQ, H, V, D, NBUF):
    info = plsc.get_sparse_core_info()
    NC, NS, L = info.num_cores, info.num_subcores, info.num_lanes
    NW = NC * NS
    assert BQ == NW * 128 and D == 32 and L == 16 and H % NBUF == 0
    SUB = D // 8
    mesh = plsc.VectorSubcoreMesh(core_axis_name="c", subcore_axis_name="s")

    @functools.partial(
        pl.kernel,
        mesh=mesh,
        out_type=jax.ShapeDtypeStruct((H, SUB, BQ // 128, 8, 128), jnp.float32),
        scratch_types=(
            [
                pltpu.VMEM((H, 128), jnp.int32),
                pltpu.VMEM((NBUF, 128, D), jnp.float32),
                pltpu.VMEM((NBUF, D, 129), jnp.float32),
            ]
            + [pltpu.SemaphoreType.DMA] * (2 * NBUF)
        ),
        compiler_params=pltpu.CompilerParams(
            use_tc_tiling_on_sc=False, needs_layout_passes=False
        ),
    )
    def lookup_kernel(table_hbm, idxt_hbm, out_hbm, idx_v, rows_v, tr_v, *sems):
        sg = sems[:NBUF]
        sw = sems[NBUF:]
        wid = lax.axis_index("s") * NC + lax.axis_index("c")
        pltpu.sync_copy(idxt_hbm.at[:, pl.ds(wid * 128, 128)], idx_v)

        base_iota = lax.iota(jnp.int32, 16)
        col_lo = base_iota
        col_hi = base_iota + 16

        def start_gather(h, b):
            pltpu.async_copy(
                table_hbm.at[idx_v.at[h]], rows_v.at[b], sg[b]
            )

        for b in range(NBUF):
            start_gather(b, b)

        def outer(t, carry):
            g = t * NBUF
            for b in range(NBUF):
                h = g + b
                pltpu.make_async_copy(
                    table_hbm.at[pl.ds(0, 128)], rows_v.at[b], sg[b]
                ).wait()
                @pl.when(t > 0)
                def _():
                    for a in range(SUB):
                        pltpu.make_async_copy(
                            tr_v.at[b, pl.ds(0, 8), pl.ds(0, 128)],
                            out_hbm.at[0, a, 0],
                            sw[b],
                        ).wait()
                def tr_body(li, carry):
                    for k in range(16):
                        l = li * 16 + k
                        lane = jnp.full((16,), l, jnp.int32)
                        v0 = rows_v[b, l, pl.ds(0, 16)]
                        plsc.store_scatter(tr_v.at[b], [col_lo, lane], v0)
                        v1 = rows_v[b, l, pl.ds(16, 16)]
                        plsc.store_scatter(tr_v.at[b], [col_hi, lane], v1)
                    return carry

                lax.fori_loop(0, 8, tr_body, 0)
                for a in range(SUB):
                    pltpu.async_copy(
                        tr_v.at[b, pl.ds(a * 8, 8), pl.ds(0, 128)],
                        out_hbm.at[h, a, wid],
                        sw[b],
                    )
                nh = h + NBUF

                @pl.when(nh < H)
                def _():
                    start_gather(nh, b)

            return carry

        lax.fori_loop(0, H // NBUF, outer, 0)
        for b in range(NBUF):
            for a in range(SUB):
                pltpu.make_async_copy(
                    tr_v.at[b, pl.ds(0, 8), pl.ds(0, 128)],
                    out_hbm.at[0, a, 0],
                    sw[b],
                ).wait()

    return lookup_kernel


@jax.jit
def kernel(token_idxs, table):
    BQ, H = token_idxs.shape
    V, D = table.shape
    idxt = jnp.swapaxes(token_idxs, 0, 1)
    out5 = _build_lookup(BQ, H, V, D, 2)(table, idxt)
    return out5.transpose((2, 4, 0, 1, 3)).reshape(BQ, H, D)

# --- scband reference (transcript-rebuilt; emitter-appended) ---
"""Pipeline reference for scband-glove-38027640438893 (READ-ONLY COPY).

The authoritative reference and input builder live on the scoring server;
editing this copy changes nothing except your own understanding.
"""

import jax, jax.numpy as jnp
import numpy as np

VOCAB = 1000000
DIM = 32
PAD = VOCAB  # padding_idx = n_embs
BATCH = 4096
HIST = 200


def setup_inputs(seed: int = 0) -> dict:
    key = jax.random.key(seed)
    k1, k2 = jax.random.split(key)
    token_idxs = jax.random.randint(k1, (BATCH, HIST), 0, VOCAB, dtype=jnp.int32)
    # Embedding table of shape [n_embs + 1, word_embs_dim]; last row is padding row (zeros).
    table = jax.random.normal(k2, (VOCAB + 1, DIM), dtype=jnp.float32) * 0.02
    table = table.at[PAD].set(0.0)
    return {"token_idxs": token_idxs, "table": table}


def reference(token_idxs, table):
    # Glove.forward: repr_list = [self.embs(inputs['token_idxs'])]; single entry -> return it directly.
    out = jnp.take(table, token_idxs, axis=0)
    return out

if __name__ == "__main__":
    import jax
    _d = setup_inputs()
    print(jax.jit(kernel)(*tuple(_d.values())))

</pallas_src>

<mosaic_0001>
#map = affine_map<(d0, d1) -> (0, 0)>
#map1 = affine_map<(d0, d1) -> (0, 0, 0, 0, 0)>
module attributes {stable_mosaic.version = 14 : i64} {
  func.func @lookup_kernel(%arg0: i32, %arg1: i32, %arg2: memref<1000001x32xf32, #tpu.memory_space<hbm>>, %arg3: memref<200x4096xi32, #tpu.memory_space<hbm>>, %arg4: memref<200x4x32x8x128xf32, #tpu.memory_space<hbm>>, %arg5: memref<200x128xi32, #tpu.memory_space<vmem>>, %arg6: memref<2x128x32xf32, #tpu.memory_space<vmem>>, %arg7: memref<2x32x129xf32, #tpu.memory_space<vmem>>, %arg8: memref<!tpu.dma_semaphore, #tpu.memory_space<semaphore_mem>>, %arg9: memref<!tpu.dma_semaphore, #tpu.memory_space<semaphore_mem>>, %arg10: memref<!tpu.dma_semaphore, #tpu.memory_space<semaphore_mem>>, %arg11: memref<!tpu.dma_semaphore, #tpu.memory_space<semaphore_mem>>) attributes {dimension_semantics = [#tpu.dimension_semantics<core_parallel>, #tpu.dimension_semantics<subcore_parallel>], iteration_bounds = array<i64: 2, 16>, scalar_prefetch = 0 : i64, scratch_operands = 7 : i64, tpu.core_type = #tpu.core_type<sc_vector_subcore>, window_params = [{transform_indices = #map}, {transform_indices = #map}, {transform_indices = #map1}]} {
    %mul3A = arith.constant 2 : i32
    %mul3A_0 = arith.muli %arg1, %mul3A : i32
    %add3A = arith.addi %mul3A_0, %arg0 : i32
    %mul3A_1 = arith.constant 128 : i32
    %mul3A_2 = arith.muli %add3A, %mul3A_1 : i32
    "tpu.region"() ({
      %run_scoped3A = tpu.sem_alloc : memref<!tpu.dma_semaphore, #tpu.memory_space<semaphore_mem>>
      %dma_start3A_193 = arith.constant 0 : i32
      %dma_start3A_194 = tpu.memref_slice %arg3[%dma_start3A_193, %mul3A_2] : memref<200x4096xi32, #tpu.memory_space<hbm>> -> memref<200x128xi32, #tpu.memory_space<hbm>>
      %dma_start3A_195 = arith.constant 0 : i32
      %dma_start3A_196 = tpu.memref_slice %arg3[%dma_start3A_195, %mul3A_2] : memref<200x4096xi32, #tpu.memory_space<hbm>> -> memref<200x128xi32, #tpu.memory_space<hbm>>
      tpu.enqueue_dma source(%dma_start3A_196 : memref<200x128xi32, #tpu.memory_space<hbm>>) target(%arg5 : memref<200x128xi32, #tpu.memory_space<vmem>>) target_semaphore(%run_scoped3A : memref<!tpu.dma_semaphore, #tpu.memory_space<semaphore_mem>>)
      %dma_wait3A_197 = arith.constant 0 : i32
      %dma_wait3A_198 = tpu.memref_slice %arg3[%dma_wait3A_197, %mul3A_2] : memref<200x4096xi32, #tpu.memory_space<hbm>> -> memref<200x128xi32, #tpu.memory_space<hbm>>
      %dma_wait3A_199 = arith.constant 0 : i32
      %dma_wait3A_200 = tpu.memref_slice %arg3[%dma_wait3A_199, %mul3A_2] : memref<200x4096xi32, #tpu.memory_space<hbm>> -> memref<200x128xi32, #tpu.memory_space<hbm>>
      tpu.wait_dma2 semaphore(%run_scoped3A : memref<!tpu.dma_semaphore, #tpu.memory_space<semaphore_mem>>) src(%dma_wait3A_200 : memref<200x128xi32, #tpu.memory_space<hbm>>) dst(%arg5 : memref<200x128xi32, #tpu.memory_space<vmem>>)
      tpu.yield
    }) : () -> ()
    %iota3A = tpu.iota {dimensions = array<i32: 0>} : vector<16xi32>
    %add3A_3 = arith.constant 16 : i32
    %add3A_4 = vector.broadcast %add3A_3 : i32 to vector<16xi32>
    %add3A_5 = arith.addi %iota3A, %add3A_4 : vector<16xi32>
    %dma_start3A = arith.constant 0 : i32
    %dma_start3A_6 = arith.constant 0 : i32
    %dma_start3A_7 = arith.constant 0 : i32
    %dma_start3A_8 = arith.constant 0 : i32
    %dma_start3A_9 = tpu.memref_slice %arg6[%dma_start3A_6, %dma_start3A_7, %dma_start3A_8] : memref<2x128x32xf32, #tpu.memory_space<vmem>> -> memref<1x128x32xf32, #tpu.memory_space<vmem>>
    %dma_start3A_10 = tpu.memref_squeeze %dma_start3A_9 : memref<1x128x32xf32, #tpu.memory_space<vmem>> -> memref<128x32xf32, #tpu.memory_space<vmem>>
    %dma_start3A_11 = arith.constant 0 : i32
    %dma_start3A_12 = tpu.memref_slice %arg5[%dma_start3A, %dma_start3A_11] : memref<200x128xi32, #tpu.memory_space<vmem>> -> memref<1x128xi32, #tpu.memory_space<vmem>>
    %dma_start3A_13 = tpu.memref_squeeze %dma_start3A_12 : memref<1x128xi32, #tpu.memory_space<vmem>> -> memref<128xi32, #tpu.memory_space<vmem>>
    %dma_start3A_14 = arith.constant 0 : i32
    %dma_start3A_15 = arith.constant 0 : i32
    %dma_start3A_16 = tpu.memref_slice %arg2[%dma_start3A_14, %dma_start3A_15] : memref<1000001x32xf32, #tpu.memory_space<hbm>> -> memref<1000001x32xf32, #tpu.memory_space<hbm>>
    tpu.enqueue_indirect_dma source(%dma_start3A_16 : memref<1000001x32xf32, #tpu.memory_space<hbm>>) target(%dma_start3A_10 : memref<128x32xf32, #tpu.memory_space<vmem>>) offsets(%dma_start3A_13 : memref<128xi32, #tpu.memory_space<vmem>>) semaphore(%arg8 : memref<!tpu.dma_semaphore, #tpu.memory_space<semaphore_mem>>)
    %dma_start3A_17 = arith.constant 1 : i32
    %dma_start3A_18 = arith.constant 1 : i32
    %dma_start3A_19 = arith.constant 0 : i32
    %dma_start3A_20 = arith.constant 0 : i32
    %dma_start3A_21 = tpu.memref_slice %arg6[%dma_start3A_18, %dma_start3A_19, %dma_start3A_20] : memref<2x128x32xf32, #tpu.memory_space<vmem>> -> memref<1x128x32xf32, #tpu.memory_space<vmem>>
    %dma_start3A_22 = tpu.memref_squeeze %dma_start3A_21 : memref<1x128x32xf32, #tpu.memory_space<vmem>> -> memref<128x32xf32, #tpu.memory_space<vmem>>
    %dma_start3A_23 = arith.constant 0 : i32
    %dma_start3A_24 = tpu.memref_slice %arg5[%dma_start3A_17, %dma_start3A_23] : memref<200x128xi32, #tpu.memory_space<vmem>> -> memref<1x128xi32, #tpu.memory_space<vmem>>
    %dma_start3A_25 = tpu.memref_squeeze %dma_start3A_24 : memref<1x128xi32, #tpu.memory_space<vmem>> -> memref<128xi32, #tpu.memory_space<vmem>>
    %dma_start3A_26 = arith.constant 0 : i32
    %dma_start3A_27 = arith.constant 0 : i32
    %dma_start3A_28 = tpu.memref_slice %arg2[%dma_start3A_26, %dma_start3A_27] : memref<1000001x32xf32, #tpu.memory_space<hbm>> -> memref<1000001x32xf32, #tpu.memory_space<hbm>>
    tpu.enqueue_indirect_dma source(%dma_start3A_28 : memref<1000001x32xf32, #tpu.memory_space<hbm>>) target(%dma_start3A_22 : memref<128x32xf32, #tpu.memory_space<vmem>>) offsets(%dma_start3A_25 : memref<128xi32, #tpu.memory_space<vmem>>) semaphore(%arg9 : memref<!tpu.dma_semaphore, #tpu.memory_space<semaphore_mem>>)
    %scan3A = arith.constant 0 : i32
    %scan3A_29 = arith.constant 0 : i32
    %scan3A_30 = arith.constant 100 : i32
    %scan3A_31 = arith.addi %scan3A_29, %scan3A_30 : i32
    %scan3A_32 = arith.constant 1 : i32
    scf.for %scan3A_193 = %scan3A_29 to %scan3A_31 step %scan3A_32  : i32 {
      %mul3A_194 = arith.constant 2 : i32
      %mul3A_195 = arith.muli %scan3A_193, %mul3A_194 : i32
      %add3A_196 = arith.constant 0 : i32
      %add3A_197 = arith.addi %mul3A_195, %add3A_196 : i32
      %dma_wait3A_198 = arith.constant 0 : i32
      %dma_wait3A_199 = arith.constant 0 : i32
      %dma_wait3A_200 = arith.constant 0 : i32
      %dma_wait3A_201 = tpu.memref_slice %arg6[%dma_wait3A_198, %dma_wait3A_199, %dma_wait3A_200] : memref<2x128x32xf32, #tpu.memory_space<vmem>> -> memref<1x128x32xf32, #tpu.memory_space<vmem>>
      %dma_wait3A_202 = tpu.memref_squeeze %dma_wait3A_201 : memref<1x128x32xf32, #tpu.memory_space<vmem>> -> memref<128x32xf32, #tpu.memory_space<vmem>>
      %dma_wait3A_203 = arith.constant 0 : i32
      %dma_wait3A_204 = arith.constant 0 : i32
      %dma_wait3A_205 = tpu.memref_slice %arg2[%dma_wait3A_203, %dma_wait3A_204] : memref<1000001x32xf32, #tpu.memory_space<hbm>> -> memref<128x32xf32, #tpu.memory_space<hbm>>
      %dma_wait3A_206 = arith.constant 0 : i32
      %dma_wait3A_207 = arith.constant 0 : i32
      %dma_wait3A_208 = tpu.memref_slice %arg6[%dma_wait3A_198, %dma_wait3A_206, %dma_wait3A_207] : memref<2x128x32xf32, #tpu.memory_space<vmem>> -> memref<1x128x32xf32, #tpu.memory_space<vmem>>
      %dma_wait3A_209 = tpu.memref_squeeze %dma_wait3A_208 : memref<1x128x32xf32, #tpu.memory_space<vmem>> -> memref<128x32xf32, #tpu.memory_space<vmem>>
      %dma_wait3A_210 = arith.constant 0 : i32
      %dma_wait3A_211 = arith.constant 0 : i32
      %dma_wait3A_212 = tpu.memref_slice %arg2[%dma_wait3A_210, %dma_wait3A_211] : memref<1000001x32xf32, #tpu.memory_space<hbm>> -> memref<128x32xf32, #tpu.memory_space<hbm>>
      tpu.wait_dma2 semaphore(%arg8 : memref<!tpu.dma_semaphore, #tpu.memory_space<semaphore_mem>>) src(%dma_wait3A_212 : memref<128x32xf32, #tpu.memory_space<hbm>>) dst(%dma_wait3A_209 : memref<128x32xf32, #tpu.memory_space<vmem>>)
      %gt3A = arith.constant 0 : i32
      %gt3A_213 = arith.cmpi sgt, %scan3A_193, %gt3A : i32
      %convert_element_type3A = arith.extui %gt3A_213 : i1 to i32
      %cond3A = arith.constant 0 : i32
      %cond3A_214 = arith.cmpi ne, %convert_element_type3A, %cond3A : i32
      scf.if %cond3A_214 {
        %dma_wait3A_406 = arith.constant 0 : i32
        %dma_wait3A_407 = arith.constant 0 : i32
        %dma_wait3A_408 = arith.constant 0 : i32
        %dma_wait3A_409 = arith.constant 0 : i32
        %dma_wait3A_410 = arith.constant 0 : i32
        %dma_wait3A_411 = arith.constant 0 : i32
        %dma_wait3A_412 = tpu.memref_slice %arg7[%dma_wait3A_406, %dma_wait3A_410, %dma_wait3A_411] : memref<2x32x129xf32, #tpu.memory_space<vmem>> -> memref<1x8x128xf32, #tpu.memory_space<vmem>>
        %dma_wait3A_413 = tpu.memref_squeeze %dma_wait3A_412 : memref<1x8x128xf32, #tpu.memory_space<vmem>> -> memref<8x128xf32, #tpu.memory_space<vmem>>
        %dma_wait3A_414 = arith.constant 0 : i32
        %dma_wait3A_415 = arith.constant 0 : i32
        %dma_wait3A_416 = tpu.memref_slice %arg4[%dma_wait3A_407, %dma_wait3A_408, %dma_wait3A_409, %dma_wait3A_414, %dma_wait3A_415] : memref<200x4x32x8x128xf32, #tpu.memory_space<hbm>> -> memref<1x1x1x8x128xf32, #tpu.memory_space<hbm>>
        %dma_wait3A_417 = tpu.memref_squeeze %dma_wait3A_416 : memref<1x1x1x8x128xf32, #tpu.memory_space<hbm>> -> memref<8x128xf32, #tpu.memory_space<hbm>>
        %dma_wait3A_418 = arith.constant 0 : i32
        %dma_wait3A_419 = arith.constant 0 : i32
        %dma_wait3A_420 = tpu.memref_slice %arg4[%dma_wait3A_407, %dma_wait3A_408, %dma_wait3A_409, %dma_wait3A_418, %dma_wait3A_419] : memref<200x4x32x8x128xf32, #tpu.memory_space<hbm>> -> memref<1x1x1x8x128xf32, #tpu.memory_space<hbm>>
        %dma_wait3A_421 = tpu.memref_squeeze %dma_wait3A_420 : memref<1x1x1x8x128xf32, #tpu.memory_space<hbm>> -> memref<8x128xf32, #tpu.memory_space<hbm>>
        %dma_wait3A_422 = arith.constant 0 : i32
        %dma_wait3A_423 = arith.constant 0 : i32
        %dma_wait3A_424 = tpu.memref_slice %arg7[%dma_wait3A_406, %dma_wait3A_422, %dma_wait3A_423] : memref<2x32x129xf32, #tpu.memory_space<vmem>> -> memref<1x8x128xf32, #tpu.memory_space<vmem>>
        %dma_wait3A_425 = tpu.memref_squeeze %dma_wait3A_424 : memref<1x8x128xf32, #tpu.memory_space<vmem>> -> memref<8x128xf32, #tpu.memory_space<vmem>>
        tpu.wait_dma2 semaphore(%arg10 : memref<!tpu.dma_semaphore, #tpu.memory_space<semaphore_mem>>) src(%dma_wait3A_425 : memref<8x128xf32, #tpu.memory_space<vmem>>) dst(%dma_wait3A_421 : memref<8x128xf32, #tpu.memory_space<hbm>>)
        %dma_wait3A_426 = arith.constant 0 : i32
        %dma_wait3A_427 = arith.constant 0 : i32
        %dma_wait3A_428 = arith.constant 1 : i32
        %dma_wait3A_429 = arith.constant 0 : i32
        %dma_wait3A_430 = arith.constant 0 : i32
        %dma_wait3A_431 = arith.constant 0 : i32
        %dma_wait3A_432 = tpu.memref_slice %arg7[%dma_wait3A_426, %dma_wait3A_430, %dma_wait3A_431] : memref<2x32x129xf32, #tpu.memory_space<vmem>> -> memref<1x8x128xf32, #tpu.memory_space<vmem>>
        %dma_wait3A_433 = tpu.memref_squeeze %dma_wait3A_432 : memref<1x8x128xf32, #tpu.memory_space<vmem>> -> memref<8x128xf32, #tpu.memory_space<vmem>>
        %dma_wait3A_434 = arith.constant 0 : i32
        %dma_wait3A_435 = arith.constant 0 : i32
        %dma_wait3A_436 = tpu.memref_slice %arg4[%dma_wait3A_427, %dma_wait3A_428, %dma_wait3A_429, %dma_wait3A_434, %dma_wait3A_435] : memref<200x4x32x8x128xf32, #tpu.memory_space<hbm>> -> memref<1x1x1x8x128xf32, #tpu.memory_space<hbm>>
        %dma_wait3A_437 = tpu.memref_squeeze %dma_wait3A_436 : memref<1x1x1x8x128xf32, #tpu.memory_space<hbm>> -> memref<8x128xf32, #tpu.memory_space<hbm>>
        %dma_wait3A_438 = arith.constant 0 : i32
        %dma_wait3A_439 = arith.constant 0 : i32
        %dma_wait3A_440 = tpu.memref_slice %arg4[%dma_wait3A_427, %dma_wait3A_428, %dma_wait3A_429, %dma_wait3A_438, %dma_wait3A_439] : memref<200x4x32x8x128xf32, #tpu.memory_space<hbm>> -> memref<1x1x1x8x128xf32, #tpu.memory_space<hbm>>
        %dma_wait3A_441 = tpu.memref_squeeze %dma_wait3A_440 : memref<1x1x1x8x128xf32, #tpu.memory_space<hbm>> -> memref<8x128xf32, #tpu.memory_space<hbm>>
        %dma_wait3A_442 = arith.constant 0 : i32
        %dma_wait3A_443 = arith.constant 0 : i32
        %dma_wait3A_444 = tpu.memref_slice %arg7[%dma_wait3A_426, %dma_wait3A_442, %dma_wait3A_443] : memref<2x32x129xf32, #tpu.memory_space<vmem>> -> memref<1x8x128xf32, #tpu.memory_space<vmem>>
        %dma_wait3A_445 = tpu.memref_squeeze %dma_wait3A_444 : memref<1x8x128xf32, #tpu.memory_space<vmem>> -> memref<8x128xf32, #tpu.memory_space<vmem>>
        tpu.wait_dma2 semaphore(%arg10 : memref<!tpu.dma_semaphore, #tpu.memory_space<semaphore_mem>>) src(%dma_wait3A_445 : memref<8x128xf32, #tpu.memory_space<vmem>>) dst(%dma_wait3A_441 : memref<8x128xf32, #tpu.memory_space<hbm>>)
        %dma_wait3A_446 = arith.constant 0 : i32
        %dma_wait3A_447 = arith.constant 0 : i32
        %dma_wait3A_448 = arith.constant 2 : i32
        %dma_wait3A_449 = arith.constant 0 : i32
        %dma_wait3A_450 = arith.constant 0 : i32
        %dma_wait3A_451 = arith.constant 0 : i32
        %dma_wait3A_452 = tpu.memref_slice %arg7[%dma_wait3A_446, %dma_wait3A_450, %dma_wait3A_451] : memref<2x32x129xf32, #tpu.memory_space<vmem>> -> memref<1x8x128xf32, #tpu.memory_space<vmem>>
        %dma_wait3A_453 = tpu.memref_squeeze %dma_wait3A_452 : memref<1x8x128xf32, #tpu.memory_space<vmem>> -> memref<8x128xf32, #tpu.memory_space<vmem>>
        %dma_wait3A_454 = arith.constant 0 : i32
        %dma_wait3A_455 = arith.constant 0 : i32
        %dma_wait3A_456 = tpu.memref_slice %arg4[%dma_wait3A_447, %dma_wait3A_448, %dma_wait3A_449, %dma_wait3A_454, %dma_wait3A_455] : memref<200x4x32x8x128xf32, #tpu.memory_space<hbm>> -> memref<1x1x1x8x128xf32, #tpu.memory_space<hbm>>
        %dma_wait3A_457 = tpu.memref_squeeze %dma_wait3A_456 : memref<1x1x1x8x128xf32, #tpu.memory_space<hbm>> -> memref<8x128xf32, #tpu.memory_space<hbm>>
        %dma_wait3A_458 = arith.constant 0 : i32
        %dma_wait3A_459 = arith.constant 0 : i32
        %dma_wait3A_460 = tpu.memref_slice %arg4[%dma_wait3A_447, %dma_wait3A_448, %dma_wait3A_449, %dma_wait3A_458, %dma_wait3A_459] : memref<200x4x32x8x128xf32, #tpu.memory_space<hbm>> -> memref<1x1x1x8x128xf32, #tpu.memory_space<hbm>>
        %dma_wait3A_461 = tpu.memref_squeeze %dma_wait3A_460 : memref<1x1x1x8x128xf32, #tpu.memory_space<hbm>> -> memref<8x128xf32, #tpu.memory_space<hbm>>
        %dma_wait3A_462 = arith.constant 0 : i32
        %dma_wait3A_463 = arith.constant 0 : i32
        %dma_wait3A_464 = tpu.memref_slice %arg7[%dma_wait3A_446, %dma_wait3A_462, %dma_wait3A_463] : memref<2x32x129xf32, #tpu.memory_space<vmem>> -> memref<1x8x128xf32, #tpu.memory_space<vmem>>
        %dma_wait3A_465 = tpu.memref_squeeze %dma_wait3A_464 : memref<1x8x128xf32, #tpu.memory_space<vmem>> -> memref<8x128xf32, #tpu.memory_space<vmem>>
        tpu.wait_dma2 semaphore(%arg10 : memref<!tpu.dma_semaphore, #tpu.memory_space<semaphore_mem>>) src(%dma_wait3A_465 : memref<8x128xf32, #tpu.memory_space<vmem>>) dst(%dma_wait3A_461 : memref<8x128xf32, #tpu.memory_space<hbm>>)
        %dma_wait3A_466 = arith.constant 0 : i32
        %dma_wait3A_467 = arith.constant 0 : i32
        %dma_wait3A_468 = arith.constant 3 : i32
        %dma_wait3A_469 = arith.constant 0 : i32
        %dma_wait3A_470 = arith.constant 0 : i32
        %dma_wait3A_471 = arith.constant 0 : i32
        %dma_wait3A_472 = tpu.memref_slice %arg7[%dma_wait3A_466, %dma_wait3A_470, %dma_wait3A_471] : memref<2x32x129xf32, #tpu.memory_space<vmem>> -> memref<1x8x128xf32, #tpu.memory_space<vmem>>
        %dma_wait3A_473 = tpu.memref_squeeze %dma_wait3A_472 : memref<1x8x128xf32, #tpu.memory_space<vmem>> -> memref<8x128xf32, #tpu.memory_space<vmem>>
        %dma_wait3A_474 = arith.constant 0 : i32
        %dma_wait3A_475 = arith.constant 0 : i32
        %dma_wait3A_476 = tpu.memref_slice %arg4[%dma_wait3A_467, %dma_wait3A_468, %dma_wait3A_469, %dma_wait3A_474, %dma_wait3A_475] : memref<200x4x32x8x128xf32, #tpu.memory_space<hbm>> -> memref<1x1x1x8x128xf32, #tpu.memory_space<hbm>>
        %dma_wait3A_477 = tpu.memref_squeeze %dma_wait3A_476 : memref<1x1x1x8x128xf32, #tpu.memory_space<hbm>> -> memref<8x128xf32, #tpu.memory_space<hbm>>
        %dma_wait3A_478 = arith.constant 0 : i32
        %dma_wait3A_479 = arith.constant 0 : i32
        %dma_wait3A_480 = tpu.memref_slice %arg4[%dma_wait3A_467, %dma_wait3A_468, %dma_wait3A_469, %dma_wait3A_478, %dma_wait3A_479] : memref<200x4x32x8x128xf32, #tpu.memory_space<hbm>> -> memref<1x1x1x8x128xf32, #tpu.memory_space<hbm>>
        %dma_wait3A_481 = tpu.memref_squeeze %dma_wait3A_480 : memref<1x1x1x8x128xf32, #tpu.memory_space<hbm>> -> memref<8x128xf32, #tpu.memory_space<hbm>>
        %dma_wait3A_482 = arith.constant 0 : i32
        %dma_wait3A_483 = arith.constant 0 : i32
        %dma_wait3A_484 = tpu.memref_slice %arg7[%dma_wait3A_466, %dma_wait3A_482, %dma_wait3A_483] : memref<2x32x129xf32, #tpu.memory_space<vmem>> -> memref<1x8x128xf32, #tpu.memory_space<vmem>>
        %dma_wait3A_485 = tpu.memref_squeeze %dma_wait3A_484 : memref<1x8x128xf32, #tpu.memory_space<vmem>> -> memref<8x128xf32, #tpu.memory_space<vmem>>
        tpu.wait_dma2 semaphore(%arg10 : memref<!tpu.dma_semaphore, #tpu.memory_space<semaphore_mem>>) src(%dma_wait3A_485 : memref<8x128xf32, #tpu.memory_space<vmem>>) dst(%dma_wait3A_481 : memref<8x128xf32, #tpu.memory_space<hbm>>)
      } else {
      }
      %scan3A_215 = arith.constant 0 : i32
      %scan3A_216 = arith.constant 0 : i32
      %scan3A_217 = arith.constant 8 : i32
      %scan3A_218 = arith.addi %scan3A_216, %scan3A_217 : i32
      %scan3A_219 = arith.constant 1 : i32
      scf.for %scan3A_406 = %scan3A_216 to %scan3A_218 step %scan3A_219  : i32 {
        %mul3A_407 = arith.constant 16 : i32
        %mul3A_408 = arith.muli %scan3A_406, %mul3A_407 : i32
        %add3A_409 = arith.constant 0 : i32
        %add3A_410 = arith.addi %mul3A_408, %add3A_409 : i32
        %broadcast_in_dim3A = vector.broadcast %add3A_410 : i32 to vector<16xi32>
        %get3A = arith.constant 0 : i32
        %get3A_411 = arith.index_cast %get3A : i32 to index
        %get3A_412 = arith.index_cast %add3A_410 : i32 to index
        %get3A_413 = arith.constant 0 : index
        %get3A_414 = tpu.vector_load %arg6[%get3A_411, %get3A_412, %get3A_413] {strides = array<i32>} : memref<2x128x32xf32, #tpu.memory_space<vmem>>, vector<16xf32>,
        %scatter3A = arith.constant 0 : i32
        %scatter3A_415 = arith.constant 0 : i32
        %scatter3A_416 = arith.constant 0 : i32
        %scatter3A_417 = tpu.memref_slice %arg7[%scatter3A, %scatter3A_415, %scatter3A_416] : memref<2x32x129xf32, #tpu.memory_space<vmem>> -> memref<1x32x129xf32, #tpu.memory_space<vmem>>
        %scatter3A_418 = tpu.memref_squeeze %scatter3A_417 : memref<1x32x129xf32, #tpu.memory_space<vmem>> -> memref<32x129xf32, #tpu.memory_space<vmem>>
        tpu.vector_store_idx %scatter3A_418[%iota3A, %broadcast_in_dim3A], %get3A_414 : memref<32x129xf32, #tpu.memory_space<vmem>>[vector<16xi32>, vector<16xi32>], vector<16xf32>,
        %get3A_419 = arith.constant 0 : i32
        %get3A_420 = arith.index_cast %get3A_419 : i32 to index
        %get3A_421 = arith.index_cast %add3A_410 : i32 to index
        %get3A_422 = arith.constant 16 : index
        %get3A_423 = tpu.vector_load %arg6[%get3A_420, %get3A_421, %get3A_422] {strides = array<i32>} : memref<2x128x32xf32, #tpu.memory_space<vmem>>, vector<16xf32>,
        %scatter3A_424 = arith.constant 0 : i32
        %scatter3A_425 = arith.constant 0 : i32
        %scatter3A_426 = arith.constant 0 : i32
        %scatter3A_427 = tpu.memref_slice %arg7[%scatter3A_424, %scatter3A_425, %scatter3A_426] : memref<2x32x129xf32, #tpu.memory_space<vmem>> -> memref<1x32x129xf32, #tpu.memory_space<vmem>>
        %scatter3A_428 = tpu.memref_squeeze %scatter3A_427 : memref<1x32x129xf32, #tpu.memory_space<vmem>> -> memref<32x129xf32, #tpu.memory_space<vmem>>
        tpu.vector_store_idx %scatter3A_428[%add3A_5, %broadcast_in_dim3A], %get3A_423 : memref<32x129xf32, #tpu.memory_space<vmem>>[vector<16xi32>, vector<16xi32>], vector<16xf32>,
        %mul3A_429 = arith.constant 16 : i32
        %mul3A_430 = arith.muli %scan3A_406, %mul3A_429 : i32
        %add3A_431 = arith.constant 1 : i32
        %add3A_432 = arith.addi %mul3A_430, %add3A_431 : i32
        %broadcast_in_dim3A_433 = vector.broadcast %add3A_432 : i32 to vector<16xi32>
        %get3A_434 = arith.constant 0 : i32
        %get3A_435 = arith.index_cast %get3A_434 : i32 to index
        %get3A_436 = arith.index_cast %add3A_432 : i32 to index
        %get3A_437 = arith.constant 0 : index
        %get3A_438 = tpu.vector_load %arg6[%get3A_435, %get3A_436, %get3A_437] {strides = array<i32>} : memref<2x128x32xf32, #tpu.memory_space<vmem>>, vector<16xf32>,
        %scatter3A_439 = arith.constant 0 : i32
        %scatter3A_440 = arith.constant 0 : i32
        %scatter3A_441 = arith.constant 0 : i32
        %scatter3A_442 = tpu.memref_slice %arg7[%scatter3A_439, %scatter3A_440, %scatter3A_441] : memref<2x32x129xf32, #tpu.memory_space<vmem>> -> memref<1x32x129xf32, #tpu.memory_space<vmem>>
        %scatter3A_443 = tpu.memref_squeeze %scatter3A_442 : memref<1x32x129xf32, #tpu.memory_space<vmem>> -> memref<32x129xf32, #tpu.memory_space<vmem>>
        tpu.vector_store_idx %scatter3A_443[%iota3A, %broadcast_in_dim3A_433], %get3A_438 : memref<32x129xf32, #tpu.memory_space<vmem>>[vector<16xi32>, vector<16xi32>], vector<16xf32>,
        %get3A_444 = arith.constant 0 : i32
        %get3A_445 = arith.index_cast %get3A_444 : i32 to index
        %get3A_446 = arith.index_cast %add3A_432 : i32 to index
        %get3A_447 = arith.constant 16 : index
        %get3A_448 = tpu.vector_load %arg6[%get3A_445, %get3A_446, %get3A_447] {strides = array<i32>} : memref<2x128x32xf32, #tpu.memory_space<vmem>>, vector<16xf32>,
        %scatter3A_449 = arith.constant 0 : i32
        %scatter3A_450 = arith.constant 0 : i32
        %scatter3A_451 = arith.constant 0 : i32
        %scatter3A_452 = tpu.memref_slice %arg7[%scatter3A_449, %scatter3A_450, %scatter3A_451] : memref<2x32x129xf32, #tpu.memory_space<vmem>> -> memref<1x32x129xf32, #tpu.memory_space<vmem>>
        %scatter3A_453 = tpu.memref_squeeze %scatter3A_452 : memref<1x32x129xf32, #tpu.memory_space<vmem>> -> memref<32x129xf32, #tpu.memory_space<vmem>>
        tpu.vector_store_idx %scatter3A_453[%add3A_5, %broadcast_in_dim3A_433], %get3A_448 : memref<32x129xf32, #tpu.memory_space<vmem>>[vector<16xi32>, vector<16xi32>], vector<16xf32>,
        %mul3A_454 = arith.constant 16 : i32
        %mul3A_455 = arith.muli %scan3A_406, %mul3A_454 : i32
        %add3A_456 = arith.constant 2 : i32
        %add3A_457 = arith.addi %mul3A_455, %add3A_456 : i32
        %broadcast_in_dim3A_458 = vector.broadcast %add3A_457 : i32 to vector<16xi32>
        %get3A_459 = arith.constant 0 : i32
        %get3A_460 = arith.index_cast %get3A_459 : i32 to index
        %get3A_461 = arith.index_cast %add3A_457 : i32 to index
        %get3A_462 = arith.constant 0 : index
        %get3A_463 = tpu.vector_load %arg6[%get3A_460, %get3A_461, %get3A_462] {strides = array<i32>} : memref<2x128x32xf32, #tpu.memory_space<vmem>>, vector<16xf32>,
        %scatter3A_464 = arith.constant 0 : i32
        %scatter3A_465 = arith.constant 0 : i32
        %scatter3A_466 = arith.constant 0 : i32
        %scatter3A_467 = tpu.memref_slice %arg7[%scatter3A_464, %scatter3A_465, %scatter3A_466] : memref<2x32x129xf32, #tpu.memory_space<vmem>> -> memref<1x32x129xf32, #tpu.memory_space<vmem>>
        %scatter3A_468 = tpu.memref_squeeze %scatter3A_467 : memref<1x32x129xf32, #tpu.memory_space<vmem>> -> memref<32x129xf32, #tpu.memory_space<vmem>>
        tpu.vector_store_idx %scatter3A_468[%iota3A, %broadcast_in_dim3A_458], %get3A_463 : memref<32x129xf32, #tpu.memory_space<vmem>>[vector<16xi32>, vector<16xi32>], vector<16xf32>,
        %get3A_469 = arith.constant 0 : i32
        %get3A_470 = arith.index_cast %get3A_469 : i32 to index
        %get3A_471 = arith.index_cast %add3A_457 : i32 to index
        %get3A_472 = arith.constant 16 : index
        %get3A_473 = tpu.vector_load %arg6[%get3A_470, %get3A_471, %get3A_472] {strides = array<i32>} : memref<2x128x32xf32, #tpu.memory_space<vmem>>, vector<16xf32>,
        %scatter3A_474 = arith.constant 0 : i32
        %scatter3A_475 = arith.constant 0 : i32
        %scatter3A_476 = arith.constant 0 : i32
        %scatter3A_477 = tpu.memref_slice %arg7[%scatter3A_474, %scatter3A_475, %scatter3A_476] : memref<2x32x129xf32, #tpu.memory_space<vmem>> -> memref<1x32x129xf32, #tpu.memory_space<vmem>>
        %scatter3A_478 = tpu.memref_squeeze %scatter3A_477 : memref<1x32x129xf32, #tpu.memory_space<vmem>> -> memref<32x129xf32, #tpu.memory_space<vmem>>
        tpu.vector_store_idx %scatter3A_478[%add3A_5, %broadcast_in_dim3A_458], %get3A_473 : memref<32x129xf32, #tpu.memory_space<vmem>>[vector<16xi32>, vector<16xi32>], vector<16xf32>,
        %mul3A_479 = arith.constant 16 : i32
        %mul3A_480 = arith.muli %scan3A_406, %mul3A_479 : i32
        %add3A_481 = arith.constant 3 : i32
        %add3A_482 = arith.addi %mul3A_480, %add3A_481 : i32
        %broadcast_in_dim3A_483 = vector.broadcast %add3A_482 : i32 to vector<16xi32>
        %get3A_484 = arith.constant 0 : i32
        %get3A_485 = arith.index_cast %get3A_484 : i32 to index
        %get3A_486 = arith.index_cast %add3A_482 : i32 to index
        %get3A_487 = arith.constant 0 : index
        %get3A_488 = tpu.vector_load %arg6[%get3A_485, %get3A_486, %get3A_487] {strides = array<i32>} : memref<2x128x32xf32, #tpu.memory_space<vmem>>, vector<16xf32>,
        %scatter3A_489 = arith.constant 0 : i32
        %scatter3A_490 = arith.constant 0 : i32
        %scatter3A_491 = arith.constant 0 : i32
        %scatter3A_492 = tpu.memref_slice %arg7[%scatter3A_489, %scatter3A_490, %scatter3A_491] : memref<2x32x129xf32, #tpu.memory_space<vmem>> -> memref<1x32x129xf32, #tpu.memory_space<vmem>>
        %scatter3A_493 = tpu.memref_squeeze %scatter3A_492 : memref<1x32x129xf32, #tpu.memory_space<vmem>> -> memref<32x129xf32, #tpu.memory_space<vmem>>
        tpu.vector_store_idx %scatter3A_493[%iota3A, %broadcast_in_dim3A_483], %get3A_488 : memref<32x129xf32, #tpu.memory_space<vmem>>[vector<16xi32>, vector<16xi32>], vector<16xf32>,
        %get3A_494 = arith.constant 0 : i32
        %get3A_495 = arith.index_cast %get3A_494 : i32 to index
        %get3A_496 = arith.index_cast %add3A_482 : i32 to index
        %get3A_497 = arith.constant 16 : index
        %get3A_498 = tpu.vector_load %arg6[%get3A_495, %get3A_496, %get3A_497] {strides = array<i32>} : memref<2x128x32xf32, #tpu.memory_space<vmem>>, vector<16xf32>,
        %scatter3A_499 = arith.constant 0 : i32
        %scatter3A_500 = arith.constant 0 : i32
        %scatter3A_501 = arith.constant 0 : i32
        %scatter3A_502 = tpu.memref_slice %arg7[%scatter3A_499, %scatter3A_500, %scatter3A_501] : memref<2x32x129xf32, #tpu.memory_space<vmem>> -> memref<1x32x129xf32, #tpu.memory_space<vmem>>
        %scatter3A_503 = tpu.memref_squeeze %scatter3A_502 : memref<1x32x129xf32, #tpu.memory_space<vmem>> -> memref<32x129xf32, #tpu.memory_space<vmem>>
        tpu.vector_store_idx %scatter3A_503[%add3A_5, %broadcast_in_dim3A_483], %get3A_498 : memref<32x129xf32, #tpu.memory_space<vmem>>[vector<16xi32>, vector<16xi32>], vector<16xf32>,
        %mul3A_504 = arith.constant 16 : i32
        %mul3A_505 = arith.muli %scan3A_406, %mul3A_504 : i32
        %add3A_506 = arith.constant 4 : i32
        %add3A_507 = arith.addi %mul3A_505, %add3A_506 : i32
        %broadcast_in_dim3A_508 = vector.broadcast %add3A_507 : i32 to vector<16xi32>
        %get3A_509 = arith.constant 0 : i32
        %get3A_510 = arith.index_cast %get3A_509 : i32 to index
        %get3A_511 = arith.index_cast %add3A_507 : i32 to index
        %get3A_512 = arith.constant 0 : index
        %get3A_513 = tpu.vector_load %arg6[%get3A_510, %get3A_511, %get3A_512] {strides = array<i32>} : memref<2x128x32xf32, #tpu.memory_space<vmem>>, vector<16xf32>,
        %scatter3A_514 = arith.constant 0 : i32
        %scatter3A_515 = arith.constant 0 : i32
        %scatter3A_516 = arith.constant 0 : i32
        %scatter3A_517 = tpu.memref_slice %arg7[%scatter3A_514, %scatter3A_515, %scatter3A_516] : memref<2x32x129xf32, #tpu.memory_space<vmem>> -> memref<1x32x129xf32, #tpu.memory_space<vmem>>
        %scatter3A_518 = tpu.memref_squeeze %scatter3A_517 : memref<1x32x129xf32, #tpu.memory_space<vmem>> -> memref<32x129xf32, #tpu.memory_space<vmem>>
        tpu.vector_store_idx %scatter3A_518[%iota3A, %broadcast_in_dim3A_508], %get3A_513 : memref<32x129xf32, #tpu.memory_space<vmem>>[vector<16xi32>, vector<16xi32>], vector<16xf32>,
        %get3A_519 = arith.constant 0 : i32
        %get3A_520 = arith.index_cast %get3A_519 : i32 to index
        %get3A_521 = arith.index_cast %add3A_507 : i32 to index
        %get3A_522 = arith.constant 16 : index
        %get3A_523 = tpu.vector_load %arg6[%get3A_520, %get3A_521, %get3A_522] {strides = array<i32>} : memref<2x128x32xf32, #tpu.memory_space<vmem>>, vector<16xf32>,
        %scatter3A_524 = arith.constant 0 : i32
        %scatter3A_525 = arith.constant 0 : i32
        %scatter3A_526 = arith.constant 0 : i32
        %scatter3A_527 = tpu.memref_slice %arg7[%scatter3A_524, %scatter3A_525, %scatter3A_526] : memref<2x32x129xf32, #tpu.memory_space<vmem>> -> memref<1x32x129xf32, #tpu.memory_space<vmem>>
        %scatter3A_528 = tpu.memref_squeeze %scatter3A_527 : memref<1x32x129xf32, #tpu.memory_space<vmem>> -> memref<32x129xf32, #tpu.memory_space<vmem>>
        tpu.vector_store_idx %scatter3A_528[%add3A_5, %broadcast_in_dim3A_508], %get3A_523 : memref<32x129xf32, #tpu.memory_space<vmem>>[vector<16xi32>, vector<16xi32>], vector<16xf32>,
        %mul3A_529 = arith.constant 16 : i32
        %mul3A_530 = arith.muli %scan3A_406, %mul3A_529 : i32
        %add3A_531 = arith.constant 5 : i32
        %add3A_532 = arith.addi %mul3A_530, %add3A_531 : i32
        %broadcast_in_dim3A_533 = vector.broadcast %add3A_532 : i32 to vector<16xi32>
        %get3A_534 = arith.constant 0 : i32
        %get3A_535 = arith.index_cast %get3A_534 : i32 to index
        %get3A_536 = arith.index_cast %add3A_532 : i32 to index
        %get3A_537 = arith.constant 0 : index
        %get3A_538 = tpu.vector_load %arg6[%get3A_535, %get3A_536, %get3A_537] {strides = array<i32>} : memref<2x128x32xf32, #tpu.memory_space<vmem>>, vector<16xf32>,
        %scatter3A_539 = arith.constant 0 : i32
        %scatter3A_540 = arith.constant 0 : i32
        %scatter3A_541 = arith.constant 0 : i32
        %scatter3A_542 = tpu.memref_slice %arg7[%scatter3A_539, %scatter3A_540, %scatter3A_541] : memref<2x32x129xf32, #tpu.memory_space<vmem>> -> memref<1x32x129xf32, #tpu.memory_space<vmem>>
        %scatter3A_543 = tpu.memref_squeeze %scatter3A_542 : memref<1x32x129xf32, #tpu.memory_space<vmem>> -> memref<32x129xf32, #tpu.memory_space<vmem>>
        tpu.vector_store_idx %scatter3A_543[%iota3A, %broadcast_in_dim3A_533], %get3A_538 : memref<32x129xf32, #tpu.memory_space<vmem>>[vector<16xi32>, vector<16xi32>], vector<16xf32>,
        %get3A_544 = arith.constant 0 : i32
        %get3A_545 = arith.index_cast %get3A_544 : i32 to index
        %get3A_546 = arith.index_cast %add3A_532 : i32 to index
        %get3A_547 = arith.constant 16 : index
        %get3A_548 = tpu.vector_load %arg6[%get3A_545, %get3A_546, %get3A_547] {strides = array<i32>} : memref<2x128x32xf32, #tpu.memory_space<vmem>>, vector<16xf32>,
        %scatter3A_549 = arith.constant 0 : i32
        %scatter3A_550 = arith.constant 0 : i32
        %scatter3A_551 = arith.constant 0 : i32
        %scatter3A_552 = tpu.memref_slice %arg7[%scatter3A_549, %scatter3A_550, %scatter3A_551] : memref<2x32x129xf32, #tpu.memory_space<vmem>> -> memref<1x32x129xf32, #tpu.memory_space<vmem>>
        %scatter3A_553 = tpu.memref_squeeze %scatter3A_552 : memref<1x32x129xf32, #tpu.memory_space<vmem>> -> memref<32x129xf32, #tpu.memory_space<vmem>>
        tpu.vector_store_idx %scatter3A_553[%add3A_5, %broadcast_in_dim3A_533], %get3A_548 : memref<32x129xf32, #tpu.memory_space<vmem>>[vector<16xi32>, vector<16xi32>], vector<16xf32>,
        %mul3A_554 = arith.constant 16 : i32
        %mul3A_555 = arith.muli %scan3A_406, %mul3A_554 : i32
        %add3A_556 = arith.constant 6 : i32
        %add3A_557 = arith.addi %mul3A_555, %add3A_556 : i32
        %broadcast_in_dim3A_558 = vector.broadcast %add3A_557 : i32 to vector<16xi32>
        %get3A_559 = arith.constant 0 : i32
        %get3A_560 = arith.index_cast %get3A_559 : i32 to index
        %get3A_561 = arith.index_cast %add3A_557 : i32 to index
        %get3A_562 = arith.constant 0 : index
        %get3A_563 = tpu.vector_load %arg6[%get3A_560, %get3A_561, %get3A_562] {strides = array<i32>} : memref<2x128x32xf32, #tpu.memory_space<vmem>>, vector<16xf32>,
        %scatter3A_564 = arith.constant 0 : i32
        %scatter3A_565 = arith.constant 0 : i32
        %scatter3A_566 = arith.constant 0 : i32
        %scatter3A_567 = tpu.memref_slice %arg7[%scatter3A_564, %scatter3A_565, %scatter3A_566] : memref<2x32x129xf32, #tpu.memory_space<vmem>> -> memref<1x32x129xf32, #tpu.memory_space<vmem>>
        %scatter3A_568 = tpu.memref_squeeze %scatter3A_567 : memref<1x32x129xf32, #tpu.memory_space<vmem>> -> memref<32x129xf32, #tpu.memory_space<vmem>>
        tpu.vector_store_idx %scatter3A_568[%iota3A, %broadcast_in_dim3A_558], %get3A_563 : memref<32x129xf32, #tpu.memory_space<vmem>>[vector<16xi32>, vector<16xi32>], vector<16xf32>,
        %get3A_569 = arith.constant 0 : i32
        %get3A_570 = arith.index_cast %get3A_569 : i32 to index
        %get3A_571 = arith.index_cast %add3A_557 : i32 to index
        %get3A_572 = arith.constant 16 : index
        %get3A_573 = tpu.vector_load %arg6[%get3A_570, %get3A_571, %get3A_572] {strides = array<i32>} : memref<2x128x32xf32, #tpu.memory_space<vmem>>, vector<16xf32>,
        %scatter3A_574 = arith.constant 0 : i32
        %scatter3A_575 = arith.constant 0 : i32
        %scatter3A_576 = arith.constant 0 : i32
        %scatter3A_577 = tpu.memref_slice %arg7[%scatter3A_574, %scatter3A_575, %scatter3A_576] : memref<2x32x129xf32, #tpu.memory_space<vmem>> -> memref<1x32x129xf32, #tpu.memory_space<vmem>>
        %scatter3A_578 = tpu.memref_squeeze %scatter3A_577 : memref<1x32x129xf32, #tpu.memory_space<vmem>> -> memref<32x129xf32, #tpu.memory_space<vmem>>
        tpu.vector_store_idx %scatter3A_578[%add3A_5, %broadcast_in_dim3A_558], %get3A_573 : memref<32x129xf32, #tpu.memory_space<vmem>>[vector<16xi32>, vector<16xi32>], vector<16xf32>,
        %mul3A_579 = arith.constant 16 : i32
        %mul3A_580 = arith.muli %scan3A_406, %mul3A_579 : i32
        %add3A_581 = arith.constant 7 : i32
        %add3A_582 = arith.addi %mul3A_580, %add3A_581 : i32
        %broadcast_in_dim3A_583 = vector.broadcast %add3A_582 : i32 to vector<16xi32>
        %get3A_584 = arith.constant 0 : i32
        %get3A_585 = arith.index_cast %get3A_584 : i32 to index
        %get3A_586 = arith.index_cast %add3A_582 : i32 to index
        %get3A_587 = arith.constant 0 : index
        %get3A_588 = tpu.vector_load %arg6[%get3A_585, %get3A_586, %get3A_587] {strides = array<i32>} : memref<2x128x32xf32, #tpu.memory_space<vmem>>, vector<16xf32>,
        %scatter3A_589 = arith.constant 0 : i32
        %scatter3A_590 = arith.constant 0 : i32
        %scatter3A_591 = arith.constant 0 : i32
        %scatter3A_592 = tpu.memref_slice %arg7[%scatter3A_589, %scatter3A_590, %scatter3A_591] : memref<2x32x129xf32, #tpu.memory_space<vmem>> -> memref<1x32x129xf32, #tpu.memory_space<vmem>>
        %scatter3A_593 = tpu.memref_squeeze %scatter3A_592 : memref<1x32x129xf32, #tpu.memory_space<vmem>> -> memref<32x129xf32, #tpu.memory_space<vmem>>
        tpu.vector_store_idx %scatter3A_593[%iota3A, %broadcast_in_dim3A_583], %get3A_588 : memref<32x129xf32, #tpu.memory_space<vmem>>[vector<16xi32>, vector<16xi32>], vector<16xf32>,
        %get3A_594 = arith.constant 0 : i32
        %get3A_595 = arith.index_cast %get3A_594 : i32 to index
        %get3A_596 = arith.index_cast %add3A_582 : i32 to index
        %get3A_597 = arith.constant 16 : index
        %get3A_598 = tpu.vector_load %arg6[%get3A_595, %get3A_596, %get3A_597] {strides = array<i32>} : memref<2x128x32xf32, #tpu.memory_space<vmem>>, vector<16xf32>,
        %scatter3A_599 = arith.constant 0 : i32
        %scatter3A_600 = arith.constant 0 : i32
        %scatter3A_601 = arith.constant 0 : i32
        %scatter3A_602 = tpu.memref_slice %arg7[%scatter3A_599, %scatter3A_600, %scatter3A_601] : memref<2x32x129xf32, #tpu.memory_space<vmem>> -> memref<1x32x129xf32, #tpu.memory_space<vmem>>
        %scatter3A_603 = tpu.memref_squeeze %scatter3A_602 : memref<1x32x129xf32, #tpu.memory_space<vmem>> -> memref<32x129xf32, #tpu.memory_space<vmem>>
        tpu.vector_store_idx %scatter3A_603[%add3A_5, %broadcast_in_dim3A_583], %get3A_598 : memref<32x129xf32, #tpu.memory_space<vmem>>[vector<16xi32>, vector<16xi32>], vector<16xf32>,
        %mul3A_604 = arith.constant 16 : i32
        %mul3A_605 = arith.muli %scan3A_406, %mul3A_604 : i32
        %add3A_606 = arith.constant 8 : i32
        %add3A_607 = arith.addi %mul3A_605, %add3A_606 : i32
        %broadcast_in_dim3A_608 = vector.broadcast %add3A_607 : i32 to vector<16xi32>
        %get3A_609 = arith.constant 0 : i32
        %get3A_610 = arith.index_cast %get3A_609 : i32 to index
        %get3A_611 = arith.index_cast %add3A_607 : i32 to index
        %get3A_612 = arith.constant 0 : index
        %get3A_613 = tpu.vector_load %arg6[%get3A_610, %get3A_611, %get3A_612] {strides = array<i32>} : memref<2x128x32xf32, #tpu.memory_space<vmem>>, vector<16xf32>,
        %scatter3A_614 = arith.constant 0 : i32
        %scatter3A_615 = arith.constant 0 : i32
        %scatter3A_616 = arith.constant 0 : i32
        %scatter3A_617 = tpu.memref_slice %arg7[%scatter3A_614, %scatter3A_615, %scatter3A_616] : memref<2x32x129xf32, #tpu.memory_space<vmem>> -> memref<1x32x129xf32, #tpu.memory_space<vmem>>
        %scatter3A_618 = tpu.memref_squeeze %scatter3A_617 : memref<1x32x129xf32, #tpu.memory_space<vmem>> -> memref<32x129xf32, #tpu.memory_space<vmem>>
        tpu.vector_store_idx %scatter3A_618[%iota3A, %broadcast_in_dim3A_608], %get3A_613 : memref<32x129xf32, #tpu.memory_space<vmem>>[vector<16xi32>, vector<16xi32>], vector<16xf32>,
        %get3A_619 = arith.constant 0 : i32
        %get3A_620 = arith.index_cast %get3A_619 : i32 to index
        %get3A_621 = arith.index_cast %add3A_607 : i32 to index
        %get3A_622 = arith.constant 16 : index
        %get3A_623 = tpu.vector_load %arg6[%get3A_620, %get3A_621, %get3A_622] {strides = array<i32>} : memref<2x128x32xf32, #tpu.memory_space<vmem>>, vector<16xf32>,
        %scatter3A_624 = arith.constant 0 : i32
        %scatter3A_625 = arith.constant 0 : i32
        %scatter3A_626 = arith.constant 0 : i32
        %scatter3A_627 = tpu.memref_slice %arg7[%scatter3A_624, %scatter3A_625, %scatter3A_626] : memref<2x32x129xf32, #tpu.memory_space<vmem>> -> memref<1x32x129xf32, #tpu.memory_space<vmem>>
        %scatter3A_628 = tpu.memref_squeeze %scatter3A_627 : memref<1x32x129xf32, #tpu.memory_space<vmem>> -> memref<32x129xf32, #tpu.memory_space<vmem>>
        tpu.vector_store_idx %scatter3A_628[%add3A_5, %broadcast_in_dim3A_608], %get3A_623 : memref<32x129xf32, #tpu.memory_space<vmem>>[vector<16xi32>, vector<16xi32>], vector<16xf32>,
        %mul3A_629 = arith.constant 16 : i32
        %mul3A_630 = arith.muli %scan3A_406, %mul3A_629 : i32
        %add3A_631 = arith.constant 9 : i32
        %add3A_632 = arith.addi %mul3A_630, %add3A_631 : i32
        %broadcast_in_dim3A_633 = vector.broadcast %add3A_632 : i32 to vector<16xi32>
        %get3A_634 = arith.constant 0 : i32
        %get3A_635 = arith.index_cast %get3A_634 : i32 to index
        %get3A_636 = arith.index_cast %add3A_632 : i32 to index
        %get3A_637 = arith.constant 0 : index
        %get3A_638 = tpu.vector_load %arg6[%get3A_635, %get3A_636, %get3A_637] {strides = array<i32>} : memref<2x128x32xf32, #tpu.memory_space<vmem>>, vector<16xf32>,
        %scatter3A_639 = arith.constant 0 : i32
        %scatter3A_640 = arith.constant 0 : i32
        %scatter3A_641 = arith.constant 0 : i32
        %scatter3A_642 = tpu.memref_slice %arg7[%scatter3A_639, %scatter3A_640, %scatter3A_641] : memref<2x32x129xf32, #tpu.memory_space<vmem>> -> memref<1x32x129xf32, #tpu.memory_space<vmem>>
        %scatter3A_643 = tpu.memref_squeeze %scatter3A_642 : memref<1x32x129xf32, #tpu.memory_space<vmem>> -> memref<32x129xf32, #tpu.memory_space<vmem>>
        tpu.vector_store_idx %scatter3A_643[%iota3A, %broadcast_in_dim3A_633], %get3A_638 : memref<32x129xf32, #tpu.memory_space<vmem>>[vector<16xi32>, vector<16xi32>], vector<16xf32>,
        %get3A_644 = arith.constant 0 : i32
        %get3A_645 = arith.index_cast %get3A_644 : i32 to index
        %get3A_646 = arith.index_cast %add3A_632 : i32 to index
        %get3A_647 = arith.constant 16 : index
        %get3A_648 = tpu.vector_load %arg6[%get3A_645, %get3A_646, %get3A_647] {strides = array<i32>} : memref<2x128x32xf32, #tpu.memory_space<vmem>>, vector<16xf32>,
        %scatter3A_649 = arith.constant 0 : i32
        %scatter3A_650 = arith.constant 0 : i32
        %scatter3A_651 = arith.constant 0 : i32
        %scatter3A_652 = tpu.memref_slice %arg7[%scatter3A_649, %scatter3A_650, %scatter3A_651] : memref<2x32x129xf32, #tpu.memory_space<vmem>> -> memref<1x32x129xf32, #tpu.memory_space<vmem>>
        %scatter3A_653 = tpu.memref_squeeze %scatter3A_652 : memref<1x32x129xf32, #tpu.memory_space<vmem>> -> memref<32x129xf32, #tpu.memory_space<vmem>>
        tpu.vector_store_idx %scatter3A_653[%add3A_5, %broadcast_in_dim3A_633], %get3A_648 : memref<32x129xf32, #tpu.memory_space<vmem>>[vector<16xi32>, vector<16xi32>], vector<16xf32>,
        %mul3A_654 = arith.constant 16 : i32
        %mul3A_655 = arith.muli %scan3A_406, %mul3A_654 : i32
        %add3A_656 = arith.constant 10 : i32
        %add3A_657 = arith.addi %mul3A_655, %add3A_656 : i32
        %broadcast_in_dim3A_658 = vector.broadcast %add3A_657 : i32 to vector<16xi32>
        %get3A_659 = arith.constant 0 : i32
        %get3A_660 = arith.index_cast %get3A_659 : i32 to index
        %get3A_661 = arith.index_cast %add3A_657 : i32 to index
        %get3A_662 = arith.constant 0 : index
        %get3A_663 = tpu.vector_load %arg6[%get3A_660, %get3A_661, %get3A_662] {strides = array<i32>} : memref<2x128x32xf32, #tpu.memory_space<vmem>>, vector<16xf32>,
        %scatter3A_664 = arith.constant 0 : i32
        %scatter3A_665 = arith.constant 0 : i32
        %scatter3A_666 = arith.constant 0 : i32
        %scatter3A_667 = tpu.memref_slice %arg7[%scatter3A_664, %scatter3A_665, %scatter3A_666] : memref<2x32x129xf32, #tpu.memory_space<vmem>> -> memref<1x32x129xf32, #tpu.memory_space<vmem>>
        %scatter3A_668 = tpu.memref_squeeze %scatter3A_667 : memref<1x32x129xf32, #tpu.memory_space<vmem>> -> memref<32x129xf32, #tpu.memory_space<vmem>>
        tpu.vector_store_idx %scatter3A_668[%iota3A, %broadcast_in_dim3A_658], %get3A_663 : memref<32x129xf32, #tpu.memory_space<vmem>>[vector<16xi32>, vector<16xi32>], vector<16xf32>,
        %get3A_669 = arith.constant 0 : i32
        %get3A_670 = arith.index_cast %get3A_669 : i32 to index
        %get3A_671 = arith.index_cast %add3A_657 : i32 to index
        %get3A_672 = arith.constant 16 : index
        %get3A_673 = tpu.vector_load %arg6[%get3A_670, %get3A_671, %get3A_672] {strides = array<i32>} : memref<2x128x32xf32, #tpu.memory_space<vmem>>, vector<16xf32>,
        %scatter3A_674 = arith.constant 0 : i32
        %scatter3A_675 = arith.constant 0 : i32
        %scatter3A_676 = arith.constant 0 : i32
        %scatter3A_677 = tpu.memref_slice %arg7[%scatter3A_674, %scatter3A_675, %scatter3A_676] : memref<2x32x129xf32, #tpu.memory_space<vmem>> -> memref<1x32x129xf32, #tpu.memory_space<vmem>>
        %scatter3A_678 = tpu.memref_squeeze %scatter3A_677 : memref<1x32x129xf32, #tpu.memory_space<vmem>> -> memref<32x129xf32, #tpu.memory_space<vmem>>
        tpu.vector_store_idx %scatter3A_678[%add3A_5, %broadcast_in_dim3A_658], %get3A_673 : memref<32x129xf32, #tpu.memory_space<vmem>>[vector<16xi32>, vector<16xi32>], vector<16xf32>,
        %mul3A_679 = arith.constant 16 : i32
        %mul3A_680 = arith.muli %scan3A_406, %mul3A_679 : i32
        %add3A_681 = arith.constant 11 : i32
        %add3A_682 = arith.addi %mul3A_680, %add3A_681 : i32
        %broadcast_in_dim3A_683 = vector.broadcast %add3A_682 : i32 to vector<16xi32>
        %get3A_684 = arith.constant 0 : i32
        %get3A_685 = arith.index_cast %get3A_684 : i32 to index
        %get3A_686 = arith.index_cast %add3A_682 : i32 to index
        %get3A_687 = arith.constant 0 : index
        %get3A_688 = tpu.vector_load %arg6[%get3A_685, %get3A_686, %get3A_687] {strides = array<i32>} : memref<2x128x32xf32, #tpu.memory_space<vmem>>, vector<16xf32>,
        %scatter3A_689 = arith.constant 0 : i32
        %scatter3A_690 = arith.constant 0 : i32
        %scatter3A_691 = arith.constant 0 : i32
        %scatter3A_692 = tpu.memref_slice %arg7[%scatter3A_689, %scatter3A_690, %scatter3A_691] : memref<2x32x129xf32, #tpu.memory_space<vmem>> -> memref<1x32x129xf32, #tpu.memory_space<vmem>>
        %scatter3A_693 = tpu.memref_squeeze %scatter3A_692 : memref<1x32x129xf32, #tpu.memory_space<vmem>> -> memref<32x129xf32, #tpu.memory_space<vmem>>
        tpu.vector_store_idx %scatter3A_693[%iota3A, %broadcast_in_dim3A_683], %get3A_688 : memref<32x129xf32, #tpu.memory_space<vmem>>[vector<16xi32>, vector<16xi32>], vector<16xf32>,
        %get3A_694 = arith.constant 0 : i32
        %get3A_695 = arith.index_cast %get3A_694 : i32 to index
        %get3A_696 = arith.index_cast %add3A_682 : i32 to index
        %get3A_697 = arith.constant 16 : index
        %get3A_698 = tpu.vector_load %arg6[%get3A_695, %get3A_696, %get3A_697] {strides = array<i32>} : memref<2x128x32xf32, #tpu.memory_space<vmem>>, vector<16xf32>,
        %scatter3A_699 = arith.constant 0 : i32
        %scatter3A_700 = arith.constant 0 : i32
        %scatter3A_701 = arith.constant 0 : i32
        %scatter3A_702 = tpu.memref_slice %arg7[%scatter3A_699, %scatter3A_700, %scatter3A_701] : memref<2x32x129xf32, #tpu.memory_space<vmem>> -> memref<1x32x129xf32, #tpu.memory_space<vmem>>
        %scatter3A_703 = tpu.memref_squeeze %scatter3A_702 : memref<1x32x129xf32, #tpu.memory_space<vmem>> -> memref<32x129xf32, #tpu.memory_space<vmem>>
        tpu.vector_store_idx %scatter3A_703[%add3A_5, %broadcast_in_dim3A_683], %get3A_698 : memref<32x129xf32, #tpu.memory_space<vmem>>[vector<16xi32>, vector<16xi32>], vector<16xf32>,
        %mul3A_704 = arith.constant 16 : i32
        %mul3A_705 = arith.muli %scan3A_406, %mul3A_704 : i32
        %add3A_706 = arith.constant 12 : i32
        %add3A_707 = arith.addi %mul3A_705, %add3A_706 : i32
        %broadcast_in_dim3A_708 = vector.broadcast %add3A_707 : i32 to vector<16xi32>
        %get3A_709 = arith.constant 0 : i32
        %get3A_710 = arith.index_cast %get3A_709 : i32 to index
        %get3A_711 = arith.index_cast %add3A_707 : i32 to index
        %get3A_712 = arith.constant 0 : index
        %get3A_713 = tpu.vector_load %arg6[%get3A_710, %get3A_711, %get3A_712] {strides = array<i32>} : memref<2x128x32xf32, #tpu.memory_space<vmem>>, vector<16xf32>,
        %scatter3A_714 = arith.constant 0 : i32
        %scatter3A_715 = arith.constant 0 : i32
        %scatter3A_716 = arith.constant 0 : i32
        %scatter3A_717 = tpu.memref_slice %arg7[%scatter3A_714, %scatter3A_715, %scatter3A_716] : memref<2x32x129xf32, #tpu.memory_space<vmem>> -> memref<1x32x129xf32, #tpu.memory_space<vmem>>
        %scatter3A_718 = tpu.memref_squeeze %scatter3A_717 : memref<1x32x129xf32, #tpu.memory_space<vmem>> -> memref<32x129xf32, #tpu.memory_space<vmem>>
        tpu.vector_store_idx %scatter3A_718[%iota3A, %broadcast_in_dim3A_708], %get3A_713 : memref<32x129xf32, #tpu.memory_space<vmem>>[vector<16xi32>, vector<16xi32>], vector<16xf32>,
        %get3A_719 = arith.constant 0 : i32
        %get3A_720 = arith.index_cast %get3A_719 : i32 to index
        %get3A_721 = arith.index_cast %add3A_707 : i32 to index
        %get3A_722 = arith.constant 16 : index
        %get3A_723 = tpu.vector_load %arg6[%get3A_720, %get3A_721, %get3A_722] {strides = array<i32>} : memref<2x128x32xf32, #tpu.memory_space<vmem>>, vector<16xf32>,
        %scatter3A_724 = arith.constant 0 : i32
        %scatter3A_725 = arith.constant 0 : i32
        %scatter3A_726 = arith.constant 0 : i32
        %scatter3A_727 = tpu.memref_slice %arg7[%scatter3A_724, %scatter3A_725, %scatter3A_726] : memref<2x32x129xf32, #tpu.memory_space<vmem>> -> memref<1x32x129xf32, #tpu.memory_space<vmem>>
        %scatter3A_728 = tpu.memref_squeeze %scatter3A_727 : memref<1x32x129xf32, #tpu.memory_space<vmem>> -> memref<32x129xf32, #tpu.memory_space<vmem>>
        tpu.vector_store_idx %scatter3A_728[%add3A_5, %broadcast_in_dim3A_708], %get3A_723 : memref<32x129xf32, #tpu.memory_space<vmem>>[vector<16xi32>, vector<16xi32>], vector<16xf32>,
        %mul3A_729 = arith.constant 16 : i32
        %mul3A_730 = arith.muli %scan3A_406, %mul3A_729 : i32
        %add3A_731 = arith.constant 13 : i32
        %add3A_732 = arith.addi %mul3A_730, %add3A_731 : i32
        %broadcast_in_dim3A_733 = vector.broadcast %add3A_732 : i32 to vector<16xi32>
        %get3A_734 = arith.constant 0 : i32
        %get3A_735 = arith.index_cast %get3A_734 : i32 to index
        %get3A_736 = arith.index_cast %add3A_732 : i32 to index
        %get3A_737 = arith.constant 0 : index
        %get3A_738 = tpu.vector_load %arg6[%get3A_735, %get3A_736, %get3A_737] {strides = array<i32>} : memref<2x128x32xf32, #tpu.memory_space<vmem>>, vector<16xf32>,
        %scatter3A_739 = arith.constant 0 : i32
        %scatter3A_740 = arith.constant 0 : i32
        %scatter3A_741 = arith.constant 0 : i32
        %scatter3A_742 = tpu.memref_slice %arg7[%scatter3A_739, %scatter3A_740, %scatter3A_741] : memref<2x32x129xf32, #tpu.memory_space<vmem>> -> memref<1x32x129xf32, #tpu.memory_space<vmem>>
        %scatter3A_743 = tpu.memref_squeeze %scatter3A_742 : memref<1x32x129xf32, #tpu.memory_space<vmem>> -> memref<32x129xf32, #tpu.memory_space<vmem>>
        tpu.vector_store_idx %scatter3A_743[%iota3A, %broadcast_in_dim3A_733], %get3A_738 : memref<32x129xf32, #tpu.memory_space<vmem>>[vector<16xi32>, vector<16xi32>], vector<16xf32>,
        %get3A_744 = arith.constant 0 : i32
        %get3A_745 = arith.index_cast %get3A_744 : i32 to index
        %get3A_746 = arith.index_cast %add3A_732 : i32 to index
        %get3A_747 = arith.constant 16 : index
        %get3A_748 = tpu.vector_load %arg6[%get3A_745, %get3A_746, %get3A_747] {strides = array<i32>} : memref<2x128x32xf32, #tpu.memory_space<vmem>>, vector<16xf32>,
        %scatter3A_749 = arith.constant 0 : i32
        %scatter3A_750 = arith.constant 0 : i32
        %scatter3A_751 = arith.constant 0 : i32
        %scatter3A_752 = tpu.memref_slice %arg7[%scatter3A_749, %scatter3A_750, %scatter3A_751] : memref<2x32x129xf32, #tpu.memory_space<vmem>> -> memref<1x32x129xf32, #tpu.memory_space<vmem>>
        %scatter3A_753 = tpu.memref_squeeze %scatter3A_752 : memref<1x32x129xf32, #tpu.memory_space<vmem>> -> memref<32x129xf32, #tpu.memory_space<vmem>>
        tpu.vector_store_idx %scatter3A_753[%add3A_5, %broadcast_in_dim3A_733], %get3A_748 : memref<32x129xf32, #tpu.memory_space<vmem>>[vector<16xi32>, vector<16xi32>], vector<16xf32>,
        %mul3A_754 = arith.constant 16 : i32
        %mul3A_755 = arith.muli %scan3A_406, %mul3A_754 : i32
        %add3A_756 = arith.constant 14 : i32
        %add3A_757 = arith.addi %mul3A_755, %add3A_756 : i32
        %broadcast_in_dim3A_758 = vector.broadcast %add3A_757 : i32 to vector<16xi32>
        %get3A_759 = arith.constant 0 : i32
        %get3A_760 = arith.index_cast %get3A_759 : i32 to index
        %get3A_761 = arith.index_cast %add3A_757 : i32 to index
        %get3A_762 = arith.constant 0 : index
        %get3A_763 = tpu.vector_load %arg6[%get3A_760, %get3A_761, %get3A_762] {strides = array<i32>} : memref<2x128x32xf32, #tpu.memory_space<vmem>>, vector<16xf32>,
        %scatter3A_764 = arith.constant 0 : i32
        %scatter3A_765 = arith.constant 0 : i32
        %scatter3A_766 = arith.constant 0 : i32
        %scatter3A_767 = tpu.memref_slice %arg7[%scatter3A_764, %scatter3A_765, %scatter3A_766] : memref<2x32x129xf32, #tpu.memory_space<vmem>> -> memref<1x32x129xf32, #tpu.memory_space<vmem>>
        %scatter3A_768 = tpu.memref_squeeze %scatter3A_767 : memref<1x32x129xf32, #tpu.memory_space<vmem>> -> memref<32x129xf32, #tpu.memory_space<vmem>>
        tpu.vector_store_idx %scatter3A_768[%iota3A, %broadcast_in_dim3A_758], %get3A_763 : memref<32x129xf32, #tpu.memory_space<vmem>>[vector<16xi32>, vector<16xi32>], vector<16xf32>,
        %get3A_769 = arith.constant 0 : i32
        %get3A_770 = arith.index_cast %get3A_769 : i32 to index
        %get3A_771 = arith.index_cast %add3A_757 : i32 to index
        %get3A_772 = arith.constant 16 : index
        %get3A_773 = tpu.vector_load %arg6[%get3A_770, %get3A_771, %get3A_772] {strides = array<i32>} : memref<2x128x32xf32, #tpu.memory_space<vmem>>, vector<16xf32>,
        %scatter3A_774 = arith.constant 0 : i32
        %scatter3A_775 = arith.constant 0 : i32
        %scatter3A_776 = arith.constant 0 : i32
        %scatter3A_777 = tpu.memref_slice %arg7[%scatter3A_774, %scatter3A_775, %scatter3A_776] : memref<2x32x129xf32, #tpu.memory_space<vmem>> -> memref<1x32x129xf32, #tpu.memory_space<vmem>>
        %scatter3A_778 = tpu.memref_squeeze %scatter3A_777 : memref<1x32x129xf32, #tpu.memory_space<vmem>> -> memref<32x129xf32, #tpu.memory_space<vmem>>
        tpu.vector_store_idx %scatter3A_778[%add3A_5, %broadcast_in_dim3A_758], %get3A_773 : memref<32x129xf32, #tpu.memory_space<vmem>>[vector<16xi32>, vector<16xi32>], vector<16xf32>,
        %mul3A_779 = arith.constant 16 : i32
        %mul3A_780 = arith.muli %scan3A_406, %mul3A_779 : i32
        %add3A_781 = arith.constant 15 : i32
        %add3A_782 = arith.addi %mul3A_780, %add3A_781 : i32
        %broadcast_in_dim3A_783 = vector.broadcast %add3A_782 : i32 to vector<16xi32>
        %get3A_784 = arith.constant 0 : i32
        %get3A_785 = arith.index_cast %get3A_784 : i32 to index
        %get3A_786 = arith.index_cast %add3A_782 : i32 to index
        %get3A_787 = arith.constant 0 : index
        %get3A_788 = tpu.vector_load %arg6[%get3A_785, %get3A_786, %get3A_787] {strides = array<i32>} : memref<2x128x32xf32, #tpu.memory_space<vmem>>, vector<16xf32>,
        %scatter3A_789 = arith.constant 0 : i32
        %scatter3A_790 = arith.constant 0 : i32
        %scatter3A_791 = arith.constant 0 : i32
        %scatter3A_792 = tpu.memref_slice %arg7[%scatter3A_789, %scatter3A_790, %scatter3A_791] : memref<2x32x129xf32, #tpu.memory_space<vmem>> -> memref<1x32x129xf32, #tpu.memory_space<vmem>>
        %scatter3A_793 = tpu.memref_squeeze %scatter3A_792 : memref<1x32x129xf32, #tpu.memory_space<vmem>> -> memref<32x129xf32, #tpu.memory_space<vmem>>
        tpu.vector_store_idx %scatter3A_793[%iota3A, %broadcast_in_dim3A_783], %get3A_788 : memref<32x129xf32, #tpu.memory_space<vmem>>[vector<16xi32>, vector<16xi32>], vector<16xf32>,
        %get3A_794 = arith.constant 0 : i32
        %get3A_795 = arith.index_cast %get3A_794 : i32 to index
        %get3A_796 = arith.index_cast %add3A_782 : i32 to index
        %get3A_797 = arith.constant 16 : index
        %get3A_798 = tpu.vector_load %arg6[%get3A_795, %get3A_796, %get3A_797] {strides = array<i32>} : memref<2x128x32xf32, #tpu.memory_space<vmem>>, vector<16xf32>,
        %scatter3A_799 = arith.constant 0 : i32
        %scatter3A_800 = arith.constant 0 : i32
        %scatter3A_801 = arith.constant 0 : i32
        %scatter3A_802 = tpu.memref_slice %arg7[%scatter3A_799, %scatter3A_800, %scatter3A_801] : memref<2x32x129xf32, #tpu.memory_space<vmem>> -> memref<1x32x129xf32, #tpu.memory_space<vmem>>
        %scatter3A_803 = tpu.memref_squeeze %scatter3A_802 : memref<1x32x129xf32, #tpu.memory_space<vmem>> -> memref<32x129xf32, #tpu.memory_space<vmem>>
        tpu.vector_store_idx %scatter3A_803[%add3A_5, %broadcast_in_dim3A_783], %get3A_798 : memref<32x129xf32, #tpu.memory_space<vmem>>[vector<16xi32>, vector<16xi32>], vector<16xf32>,
      }
      %scan3A_220 = arith.constant 8 : i32
      %dma_start3A_221 = arith.constant 0 : i32
      %dma_start3A_222 = arith.constant 0 : i32
      %dma_start3A_223 = arith.constant 0 : i32
      %dma_start3A_224 = arith.constant 0 : i32
      %dma_start3A_225 = tpu.memref_slice %arg7[%dma_start3A_221, %dma_start3A_223, %dma_start3A_224] : memref<2x32x129xf32, #tpu.memory_space<vmem>> -> memref<1x8x128xf32, #tpu.memory_space<vmem>>
      %dma_start3A_226 = tpu.memref_squeeze %dma_start3A_225 : memref<1x8x128xf32, #tpu.memory_space<vmem>> -> memref<8x128xf32, #tpu.memory_space<vmem>>
      %dma_start3A_227 = arith.constant 0 : i32
      %dma_start3A_228 = arith.constant 0 : i32
      %dma_start3A_229 = tpu.memref_slice %arg4[%add3A_197, %dma_start3A_222, %add3A, %dma_start3A_227, %dma_start3A_228] : memref<200x4x32x8x128xf32, #tpu.memory_space<hbm>> -> memref<1x1x1x8x128xf32, #tpu.memory_space<hbm>>
      %dma_start3A_230 = tpu.memref_squeeze %dma_start3A_229 : memref<1x1x1x8x128xf32, #tpu.memory_space<hbm>> -> memref<8x128xf32, #tpu.memory_space<hbm>>
      %dma_start3A_231 = arith.constant 0 : i32
      %dma_start3A_232 = arith.constant 0 : i32
      %dma_start3A_233 = tpu.memref_slice %arg4[%add3A_197, %dma_start3A_222, %add3A, %dma_start3A_231, %dma_start3A_232] : memref<200x4x32x8x128xf32, #tpu.memory_space<hbm>> -> memref<1x1x1x8x128xf32, #tpu.memory_space<hbm>>
      %dma_start3A_234 = tpu.memref_squeeze %dma_start3A_233 : memref<1x1x1x8x128xf32, #tpu.memory_space<hbm>> -> memref<8x128xf32, #tpu.memory_space<hbm>>
      %dma_start3A_235 = arith.constant 0 : i32
      %dma_start3A_236 = arith.constant 0 : i32
      %dma_start3A_237 = tpu.memref_slice %arg7[%dma_start3A_221, %dma_start3A_235, %dma_start3A_236] : memref<2x32x129xf32, #tpu.memory_space<vmem>> -> memref<1x8x128xf32, #tpu.memory_space<vmem>>
      %dma_start3A_238 = tpu.memref_squeeze %dma_start3A_237 : memref<1x8x128xf32, #tpu.memory_space<vmem>> -> memref<8x128xf32, #tpu.memory_space<vmem>>
      tpu.enqueue_dma source(%dma_start3A_238 : memref<8x128xf32, #tpu.memory_space<vmem>>) target(%dma_start3A_234 : memref<8x128xf32, #tpu.memory_space<hbm>>) target_semaphore(%arg10 : memref<!tpu.dma_semaphore, #tpu.memory_space<semaphore_mem>>)
      %dma_start3A_239 = arith.constant 0 : i32
      %dma_start3A_240 = arith.constant 1 : i32
      %dma_start3A_241 = arith.constant 8 : i32
      %dma_start3A_242 = arith.constant 0 : i32
      %dma_start3A_243 = tpu.memref_slice %arg7[%dma_start3A_239, %dma_start3A_241, %dma_start3A_242] : memref<2x32x129xf32, #tpu.memory_space<vmem>> -> memref<1x8x128xf32, #tpu.memory_space<vmem>>
      %dma_start3A_244 = tpu.memref_squeeze %dma_start3A_243 : memref<1x8x128xf32, #tpu.memory_space<vmem>> -> memref<8x128xf32, #tpu.memory_space<vmem>>
      %dma_start3A_245 = arith.constant 0 : i32
      %dma_start3A_246 = arith.constant 0 : i32
      %dma_start3A_247 = tpu.memref_slice %arg4[%add3A_197, %dma_start3A_240, %add3A, %dma_start3A_245, %dma_start3A_246] : memref<200x4x32x8x128xf32, #tpu.memory_space<hbm>> -> memref<1x1x1x8x128xf32, #tpu.memory_space<hbm>>
      %dma_start3A_248 = tpu.memref_squeeze %dma_start3A_247 : memref<1x1x1x8x128xf32, #tpu.memory_space<hbm>> -> memref<8x128xf32, #tpu.memory_space<hbm>>
      %dma_start3A_249 = arith.constant 0 : i32
      %dma_start3A_250 = arith.constant 0 : i32
      %dma_start3A_251 = tpu.memref_slice %arg4[%add3A_197, %dma_start3A_240, %add3A, %dma_start3A_249, %dma_start3A_250] : memref<200x4x32x8x128xf32, #tpu.memory_space<hbm>> -> memref<1x1x1x8x128xf32, #tpu.memory_space<hbm>>
      %dma_start3A_252 = tpu.memref_squeeze %dma_start3A_251 : memref<1x1x1x8x128xf32, #tpu.memory_space<hbm>> -> memref<8x128xf32, #tpu.memory_space<hbm>>
      %dma_start3A_253 = arith.constant 8 : i32
      %dma_start3A_254 = arith.constant 0 : i32
      %dma_start3A_255 = tpu.memref_slice %arg7[%dma_start3A_239, %dma_start3A_253, %dma_start3A_254] : memref<2x32x129xf32, #tpu.memory_space<vmem>> -> memref<1x8x128xf32, #tpu.memory_space<vmem>>
      %dma_start3A_256 = tpu.memref_squeeze %dma_start3A_255 : memref<1x8x128xf32, #tpu.memory_space<vmem>> -> memref<8x128xf32, #tpu.memory_space<vmem>>
      tpu.enqueue_dma source(%dma_start3A_256 : memref<8x128xf32, #tpu.memory_space<vmem>>) target(%dma_start3A_252 : memref<8x128xf32, #tpu.memory_space<hbm>>) target_semaphore(%arg10 : memref<!tpu.dma_semaphore, #tpu.memory_space<semaphore_mem>>)
      %dma_start3A_257 = arith.constant 0 : i32
      %dma_start3A_258 = arith.constant 2 : i32
      %dma_start3A_259 = arith.constant 16 : i32
      %dma_start3A_260 = arith.constant 0 : i32
      %dma_start3A_261 = tpu.memref_slice %arg7[%dma_start3A_257, %dma_start3A_259, %dma_start3A_260] : memref<2x32x129xf32, #tpu.memory_space<vmem>> -> memref<1x8x128xf32, #tpu.memory_space<vmem>>
      %dma_start3A_262 = tpu.memref_squeeze %dma_start3A_261 : memref<1x8x128xf32, #tpu.memory_space<vmem>> -> memref<8x128xf32, #tpu.memory_space<vmem>>
      %dma_start3A_263 = arith.constant 0 : i32
      %dma_start3A_264 = arith.constant 0 : i32
      %dma_start3A_265 = tpu.memref_slice %arg4[%add3A_197, %dma_start3A_258, %add3A, %dma_start3A_263, %dma_start3A_264] : memref<200x4x32x8x128xf32, #tpu.memory_space<hbm>> -> memref<1x1x1x8x128xf32, #tpu.memory_space<hbm>>
      %dma_start3A_266 = tpu.memref_squeeze %dma_start3A_265 : memref<1x1x1x8x128xf32, #tpu.memory_space<hbm>> -> memref<8x128xf32, #tpu.memory_space<hbm>>
      %dma_start3A_267 = arith.constant 0 : i32
      %dma_start3A_268 = arith.constant 0 : i32
      %dma_start3A_269 = tpu.memref_slice %arg4[%add3A_197, %dma_start3A_258, %add3A, %dma_start3A_267, %dma_start3A_268] : memref<200x4x32x8x128xf32, #tpu.memory_space<hbm>> -> memref<1x1x1x8x128xf32, #tpu.memory_space<hbm>>
      %dma_start3A_270 = tpu.memref_squeeze %dma_start3A_269 : memref<1x1x1x8x128xf32, #tpu.memory_space<hbm>> -> memref<8x128xf32, #tpu.memory_space<hbm>>
      %dma_start3A_271 = arith.constant 16 : i32
      %dma_start3A_272 = arith.constant 0 : i32
      %dma_start3A_273 = tpu.memref_slice %arg7[%dma_start3A_257, %dma_start3A_271, %dma_start3A_272] : memref<2x32x129xf32, #tpu.memory_space<vmem>> -> memref<1x8x128xf32, #tpu.memory_space<vmem>>
      %dma_start3A_274 = tpu.memref_squeeze %dma_start3A_273 : memref<1x8x128xf32, #tpu.memory_space<vmem>> -> memref<8x128xf32, #tpu.memory_space<vmem>>
      tpu.enqueue_dma source(%dma_start3A_274 : memref<8x128xf32, #tpu.memory_space<vmem>>) target(%dma_start3A_270 : memref<8x128xf32, #tpu.memory_space<hbm>>) target_semaphore(%arg10 : memref<!tpu.dma_semaphore, #tpu.memory_space<semaphore_mem>>)
      %dma_start3A_275 = arith.constant 0 : i32
      %dma_start3A_276 = arith.constant 3 : i32
      %dma_start3A_277 = arith.constant 24 : i32
      %dma_start3A_278 = arith.constant 0 : i32
      %dma_start3A_279 = tpu.memref_slice %arg7[%dma_start3A_275, %dma_start3A_277, %dma_start3A_278] : memref<2x32x129xf32, #tpu.memory_space<vmem>> -> memref<1x8x128xf32, #tpu.memory_space<vmem>>
      %dma_start3A_280 = tpu.memref_squeeze %dma_start3A_279 : memref<1x8x128xf32, #tpu.memory_space<vmem>> -> memref<8x128xf32, #tpu.memory_space<vmem>>
      %dma_start3A_281 = arith.constant 0 : i32
      %dma_start3A_282 = arith.constant 0 : i32
      %dma_start3A_283 = tpu.memref_slice %arg4[%add3A_197, %dma_start3A_276, %add3A, %dma_start3A_281, %dma_start3A_282] : memref<200x4x32x8x128xf32, #tpu.memory_space<hbm>> -> memref<1x1x1x8x128xf32, #tpu.memory_space<hbm>>
      %dma_start3A_284 = tpu.memref_squeeze %dma_start3A_283 : memref<1x1x1x8x128xf32, #tpu.memory_space<hbm>> -> memref<8x128xf32, #tpu.memory_space<hbm>>
      %dma_start3A_285 = arith.constant 0 : i32
      %dma_start3A_286 = arith.constant 0 : i32
      %dma_start3A_287 = tpu.memref_slice %arg4[%add3A_197, %dma_start3A_276, %add3A, %dma_start3A_285, %dma_start3A_286] : memref<200x4x32x8x128xf32, #tpu.memory_space<hbm>> -> memref<1x1x1x8x128xf32, #tpu.memory_space<hbm>>
      %dma_start3A_288 = tpu.memref_squeeze %dma_start3A_287 : memref<1x1x1x8x128xf32, #tpu.memory_space<hbm>> -> memref<8x128xf32, #tpu.memory_space<hbm>>
      %dma_start3A_289 = arith.constant 24 : i32
      %dma_start3A_290 = arith.constant 0 : i32
      %dma_start3A_291 = tpu.memref_slice %arg7[%dma_start3A_275, %dma_start3A_289, %dma_start3A_290] : memref<2x32x129xf32, #tpu.memory_space<vmem>> -> memref<1x8x128xf32, #tpu.memory_space<vmem>>
      %dma_start3A_292 = tpu.memref_squeeze %dma_start3A_291 : memref<1x8x128xf32, #tpu.memory_space<vmem>> -> memref<8x128xf32, #tpu.memory_space<vmem>>
      tpu.enqueue_dma source(%dma_start3A_292 : memref<8x128xf32, #tpu.memory_space<vmem>>) target(%dma_start3A_288 : memref<8x128xf32, #tpu.memory_space<hbm>>) target_semaphore(%arg10 : memref<!tpu.dma_semaphore, #tpu.memory_space<semaphore_mem>>)
      %add3A_293 = arith.constant 2 : i32
      %add3A_294 = arith.addi %add3A_197, %add3A_293 : i32
      %lt3A = arith.constant 200 : i32
      %lt3A_295 = arith.cmpi slt, %add3A_294, %lt3A : i32
      %convert_element_type3A_296 = arith.extui %lt3A_295 : i1 to i32
      %cond3A_297 = arith.constant 0 : i32
      %cond3A_298 = arith.cmpi ne, %convert_element_type3A_296, %cond3A_297 : i32
      scf.if %cond3A_298 {
        %dma_start3A_406 = arith.constant 0 : i32
        %dma_start3A_407 = arith.constant 0 : i32
        %dma_start3A_408 = arith.constant 0 : i32
        %dma_start3A_409 = tpu.memref_slice %arg6[%dma_start3A_406, %dma_start3A_407, %dma_start3A_408] : memref<2x128x32xf32, #tpu.memory_space<vmem>> -> memref<1x128x32xf32, #tpu.memory_space<vmem>>
        %dma_start3A_410 = tpu.memref_squeeze %dma_start3A_409 : memref<1x128x32xf32, #tpu.memory_space<vmem>> -> memref<128x32xf32, #tpu.memory_space<vmem>>
        %dma_start3A_411 = arith.constant 0 : i32
        %dma_start3A_412 = tpu.memref_slice %arg5[%add3A_294, %dma_start3A_411] : memref<200x128xi32, #tpu.memory_space<vmem>> -> memref<1x128xi32, #tpu.memory_space<vmem>>
        %dma_start3A_413 = tpu.memref_squeeze %dma_start3A_412 : memref<1x128xi32, #tpu.memory_space<vmem>> -> memref<128xi32, #tpu.memory_space<vmem>>
        %dma_start3A_414 = arith.constant 0 : i32
        %dma_start3A_415 = arith.constant 0 : i32
        %dma_start3A_416 = tpu.memref_slice %arg2[%dma_start3A_414, %dma_start3A_415] : memref<1000001x32xf32, #tpu.memory_space<hbm>> -> memref<1000001x32xf32, #tpu.memory_space<hbm>>
        tpu.enqueue_indirect_dma source(%dma_start3A_416 : memref<1000001x32xf32, #tpu.memory_space<hbm>>) target(%dma_start3A_410 : memref<128x32xf32, #tpu.memory_space<vmem>>) offsets(%dma_start3A_413 : memref<128xi32, #tpu.memory_space<vmem>>) semaphore(%arg8 : memref<!tpu.dma_semaphore, #tpu.memory_space<semaphore_mem>>)
      } else {
      }
      %add3A_299 = arith.constant 1 : i32
      %add3A_300 = arith.addi %mul3A_195, %add3A_299 : i32
      %dma_wait3A_301 = arith.constant 1 : i32
      %dma_wait3A_302 = arith.constant 0 : i32
      %dma_wait3A_303 = arith.constant 0 : i32
      %dma_wait3A_304 = tpu.memref_slice %arg6[%dma_wait3A_301, %dma_wait3A_302, %dma_wait3A_303] : memref<2x128x32xf32, #tpu.memory_space<vmem>> -> memref<1x128x32xf32, #tpu.memory_space<vmem>>
      %dma_wait3A_305 = tpu.memref_squeeze %dma_wait3A_304 : memref<1x128x32xf32, #tpu.memory_space<vmem>> -> memref<128x32xf32, #tpu.memory_space<vmem>>
      %dma_wait3A_306 = arith.constant 0 : i32
      %dma_wait3A_307 = arith.constant 0 : i32
      %dma_wait3A_308 = tpu.memref_slice %arg2[%dma_wait3A_306, %dma_wait3A_307] : memref<1000001x32xf32, #tpu.memory_space<hbm>> -> memref<128x32xf32, #tpu.memory_space<hbm>>
      %dma_wait3A_309 = arith.constant 0 : i32
      %dma_wait3A_310 = arith.constant 0 : i32
      %dma_wait3A_311 = tpu.memref_slice %arg6[%dma_wait3A_301, %dma_wait3A_309, %dma_wait3A_310] : memref<2x128x32xf32, #tpu.memory_space<vmem>> -> memref<1x128x32xf32, #tpu.memory_space<vmem>>
      %dma_wait3A_312 = tpu.memref_squeeze %dma_wait3A_311 : memref<1x128x32xf32, #tpu.memory_space<vmem>> -> memref<128x32xf32, #tpu.memory_space<vmem>>
      %dma_wait3A_313 = arith.constant 0 : i32
      %dma_wait3A_314 = arith.constant 0 : i32
      %dma_wait3A_315 = tpu.memref_slice %arg2[%dma_wait3A_313, %dma_wait3A_314] : memref<1000001x32xf32, #tpu.memory_space<hbm>> -> memref<128x32xf32, #tpu.memory_space<hbm>>
      tpu.wait_dma2 semaphore(%arg9 : memref<!tpu.dma_semaphore, #tpu.memory_space<semaphore_mem>>) src(%dma_wait3A_315 : memref<128x32xf32, #tpu.memory_space<hbm>>) dst(%dma_wait3A_312 : memref<128x32xf32, #tpu.memory_space<vmem>>)
      %gt3A_316 = arith.constant 0 : i32
      %gt3A_317 = arith.cmpi sgt, %scan3A_193, %gt3A_316 : i32
      %convert_element_type3A_318 = arith.extui %gt3A_317 : i1 to i32
      %cond3A_319 = arith.constant 0 : i32
      %cond3A_320 = arith.cmpi ne, %convert_element_type3A_318, %cond3A_319 : i32
      scf.if %cond3A_320 {
        %dma_wait3A_406 = arith.constant 1 : i32
        %dma_wait3A_407 = arith.constant 0 : i32
        %dma_wait3A_408 = arith.constant 0 : i32
        %dma_wait3A_409 = arith.constant 0 : i32
        %dma_wait3A_410 = arith.constant 0 : i32
        %dma_wait3A_411 = arith.constant 0 : i32
        %dma_wait3A_412 = tpu.memref_slice %arg7[%dma_wait3A_406, %dma_wait3A_410, %dma_wait3A_411] : memref<2x32x129xf32, #tpu.memory_space<vmem>> -> memref<1x8x128xf32, #tpu.memory_space<vmem>>
        %dma_wait3A_413 = tpu.memref_squeeze %dma_wait3A_412 : memref<1x8x128xf32, #tpu.memory_space<vmem>> -> memref<8x128xf32, #tpu.memory_space<vmem>>
        %dma_wait3A_414 = arith.constant 0 : i32
        %dma_wait3A_415 = arith.constant 0 : i32
        %dma_wait3A_416 = tpu.memref_slice %arg4[%dma_wait3A_407, %dma_wait3A_408, %dma_wait3A_409, %dma_wait3A_414, %dma_wait3A_415] : memref<200x4x32x8x128xf32, #tpu.memory_space<hbm>> -> memref<1x1x1x8x128xf32, #tpu.memory_space<hbm>>
        %dma_wait3A_417 = tpu.memref_squeeze %dma_wait3A_416 : memref<1x1x1x8x128xf32, #tpu.memory_space<hbm>> -> memref<8x128xf32, #tpu.memory_space<hbm>>
        %dma_wait3A_418 = arith.constant 0 : i32
        %dma_wait3A_419 = arith.constant 0 : i32
        %dma_wait3A_420 = tpu.memref_slice %arg4[%dma_wait3A_407, %dma_wait3A_408, %dma_wait3A_409, %dma_wait3A_418, %dma_wait3A_419] : memref<200x4x32x8x128xf32, #tpu.memory_space<hbm>> -> memref<1x1x1x8x128xf32, #tpu.memory_space<hbm>>
        %dma_wait3A_421 = tpu.memref_squeeze %dma_wait3A_420 : memref<1x1x1x8x128xf32, #tpu.memory_space<hbm>> -> memref<8x128xf32, #tpu.memory_space<hbm>>
        %dma_wait3A_422 = arith.constant 0 : i32
        %dma_wait3A_423 = arith.constant 0 : i32
        %dma_wait3A_424 = tpu.memref_slice %arg7[%dma_wait3A_406, %dma_wait3A_422, %dma_wait3A_423] : memref<2x32x129xf32, #tpu.memory_space<vmem>> -> memref<1x8x128xf32, #tpu.memory_space<vmem>>
        %dma_wait3A_425 = tpu.memref_squeeze %dma_wait3A_424 : memref<1x8x128xf32, #tpu.memory_space<vmem>> -> memref<8x128xf32, #tpu.memory_space<vmem>>
        tpu.wait_dma2 semaphore(%arg11 : memref<!tpu.dma_semaphore, #tpu.memory_space<semaphore_mem>>) src(%dma_wait3A_425 : memref<8x128xf32, #tpu.memory_space<vmem>>) dst(%dma_wait3A_421 : memref<8x128xf32, #tpu.memory_space<hbm>>)
        %dma_wait3A_426 = arith.constant 1 : i32
        %dma_wait3A_427 = arith.constant 0 : i32
        %dma_wait3A_428 = arith.constant 1 : i32
        %dma_wait3A_429 = arith.constant 0 : i32
        %dma_wait3A_430 = arith.constant 0 : i32
        %dma_wait3A_431 = arith.constant 0 : i32
        %dma_wait3A_432 = tpu.memref_slice %arg7[%dma_wait3A_426, %dma_wait3A_430, %dma_wait3A_431] : memref<2x32x129xf32, #tpu.memory_space<vmem>> -> memref<1x8x128xf32, #tpu.memory_space<vmem>>
        %dma_wait3A_433 = tpu.memref_squeeze %dma_wait3A_432 : memref<1x8x128xf32, #tpu.memory_space<vmem>> -> memref<8x128xf32, #tpu.memory_space<vmem>>
        %dma_wait3A_434 = arith.constant 0 : i32
        %dma_wait3A_435 = arith.constant 0 : i32
        %dma_wait3A_436 = tpu.memref_slice %arg4[%dma_wait3A_427, %dma_wait3A_428, %dma_wait3A_429, %dma_wait3A_434, %dma_wait3A_435] : memref<200x4x32x8x128xf32, #tpu.memory_space<hbm>> -> memref<1x1x1x8x128xf32, #tpu.memory_space<hbm>>
        %dma_wait3A_437 = tpu.memref_squeeze %dma_wait3A_436 : memref<1x1x1x8x128xf32, #tpu.memory_space<hbm>> -> memref<8x128xf32, #tpu.memory_space<hbm>>
        %dma_wait3A_438 = arith.constant 0 : i32
        %dma_wait3A_439 = arith.constant 0 : i32
        %dma_wait3A_440 = tpu.memref_slice %arg4[%dma_wait3A_427, %dma_wait3A_428, %dma_wait3A_429, %dma_wait3A_438, %dma_wait3A_439] : memref<200x4x32x8x128xf32, #tpu.memory_space<hbm>> -> memref<1x1x1x8x128xf32, #tpu.memory_space<hbm>>
        %dma_wait3A_441 = tpu.memref_squeeze %dma_wait3A_440 : memref<1x1x1x8x128xf32, #tpu.memory_space<hbm>> -> memref<8x128xf32, #tpu.memory_space<hbm>>
        %dma_wait3A_442 = arith.constant 0 : i32
        %dma_wait3A_443 = arith.constant 0 : i32
        %dma_wait3A_444 = tpu.memref_slice %arg7[%dma_wait3A_426, %dma_wait3A_442, %dma_wait3A_443] : memref<2x32x129xf32, #tpu.memory_space<vmem>> -> memref<1x8x128xf32, #tpu.memory_space<vmem>>
        %dma_wait3A_445 = tpu.memref_squeeze %dma_wait3A_444 : memref<1x8x128xf32, #tpu.memory_space<vmem>> -> memref<8x128xf32, #tpu.memory_space<vmem>>
        tpu.wait_dma2 semaphore(%arg11 : memref<!tpu.dma_semaphore, #tpu.memory_space<semaphore_mem>>) src(%dma_wait3A_445 : memref<8x128xf32, #tpu.memory_space<vmem>>) dst(%dma_wait3A_441 : memref<8x128xf32, #tpu.memory_space<hbm>>)
        %dma_wait3A_446 = arith.constant 1 : i32
        %dma_wait3A_447 = arith.constant 0 : i32
        %dma_wait3A_448 = arith.constant 2 : i32
        %dma_wait3A_449 = arith.constant 0 : i32
        %dma_wait3A_450 = arith.constant 0 : i32
        %dma_wait3A_451 = arith.constant 0 : i32
        %dma_wait3A_452 = tpu.memref_slice %arg7[%dma_wait3A_446, %dma_wait3A_450, %dma_wait3A_451] : memref<2x32x129xf32, #tpu.memory_space<vmem>> -> memref<1x8x128xf32, #tpu.memory_space<vmem>>
        %dma_wait3A_453 = tpu.memref_squeeze %dma_wait3A_452 : memref<1x8x128xf32, #tpu.memory_space<vmem>> -> memref<8x128xf32, #tpu.memory_space<vmem>>
        %dma_wait3A_454 = arith.constant 0 : i32
        %dma_wait3A_455 = arith.constant 0 : i32
        %dma_wait3A_456 = tpu.memref_slice %arg4[%dma_wait3A_447, %dma_wait3A_448, %dma_wait3A_449, %dma_wait3A_454, %dma_wait3A_455] : memref<200x4x32x8x128xf32, #tpu.memory_space<hbm>> -> memref<1x1x1x8x128xf32, #tpu.memory_space<hbm>>
        %dma_wait3A_457 = tpu.memref_squeeze %dma_wait3A_456 : memref<1x1x1x8x128xf32, #tpu.memory_space<hbm>> -> memref<8x128xf32, #tpu.memory_space<hbm>>
        %dma_wait3A_458 = arith.constant 0 : i32
        %dma_wait3A_459 = arith.constant 0 : i32
        %dma_wait3A_460 = tpu.memref_slice %arg4[%dma_wait3A_447, %dma_wait3A_448, %dma_wait3A_449, %dma_wait3A_458, %dma_wait3A_459] : memref<200x4x32x8x128xf32, #tpu.memory_space<hbm>> -> memref<1x1x1x8x128xf32, #tpu.memory_space<hbm>>
        %dma_wait3A_461 = tpu.memref_squeeze %dma_wait3A_460 : memref<1x1x1x8x128xf32, #tpu.memory_space<hbm>> -> memref<8x128xf32, #tpu.memory_space<hbm>>
        %dma_wait3A_462 = arith.constant 0 : i32
        %dma_wait3A_463 = arith.constant 0 : i32
        %dma_wait3A_464 = tpu.memref_slice %arg7[%dma_wait3A_446, %dma_wait3A_462, %dma_wait3A_463] : memref<2x32x129xf32, #tpu.memory_space<vmem>> -> memref<1x8x128xf32, #tpu.memory_space<vmem>>
        %dma_wait3A_465 = tpu.memref_squeeze %dma_wait3A_464 : memref<1x8x128xf32, #tpu.memory_space<vmem>> -> memref<8x128xf32, #tpu.memory_space<vmem>>
        tpu.wait_dma2 semaphore(%arg11 : memref<!tpu.dma_semaphore, #tpu.memory_space<semaphore_mem>>) src(%dma_wait3A_465 : memref<8x128xf32, #tpu.memory_space<vmem>>) dst(%dma_wait3A_461 : memref<8x128xf32, #tpu.memory_space<hbm>>)
        %dma_wait3A_466 = arith.constant 1 : i32
        %dma_wait3A_467 = arith.constant 0 : i32
        %dma_wait3A_468 = arith.constant 3 : i32
        %dma_wait3A_469 = arith.constant 0 : i32
        %dma_wait3A_470 = arith.constant 0 : i32
        %dma_wait3A_471 = arith.constant 0 : i32
        %dma_wait3A_472 = tpu.memref_slice %arg7[%dma_wait3A_466, %dma_wait3A_470, %dma_wait3A_471] : memref<2x32x129xf32, #tpu.memory_space<vmem>> -> memref<1x8x128xf32, #tpu.memory_space<vmem>>
        %dma_wait3A_473 = tpu.memref_squeeze %dma_wait3A_472 : memref<1x8x128xf32, #tpu.memory_space<vmem>> -> memref<8x128xf32, #tpu.memory_space<vmem>>
        %dma_wait3A_474 = arith.constant 0 : i32
        %dma_wait3A_475 = arith.constant 0 : i32
        %dma_wait3A_476 = tpu.memref_slice %arg4[%dma_wait3A_467, %dma_wait3A_468, %dma_wait3A_469, %dma_wait3A_474, %dma_wait3A_475] : memref<200x4x32x8x128xf32, #tpu.memory_space<hbm>> -> memref<1x1x1x8x128xf32, #tpu.memory_space<hbm>>
        %dma_wait3A_477 = tpu.memref_squeeze %dma_wait3A_476 : memref<1x1x1x8x128xf32, #tpu.memory_space<hbm>> -> memref<8x128xf32, #tpu.memory_space<hbm>>
        %dma_wait3A_478 = arith.constant 0 : i32
        %dma_wait3A_479 = arith.constant 0 : i32
        %dma_wait3A_480 = tpu.memref_slice %arg4[%dma_wait3A_467, %dma_wait3A_468, %dma_wait3A_469, %dma_wait3A_478, %dma_wait3A_479] : memref<200x4x32x8x128xf32, #tpu.memory_space<hbm>> -> memref<1x1x1x8x128xf32, #tpu.memory_space<hbm>>
        %dma_wait3A_481 = tpu.memref_squeeze %dma_wait3A_480 : memref<1x1x1x8x128xf32, #tpu.memory_space<hbm>> -> memref<8x128xf32, #tpu.memory_space<hbm>>
        %dma_wait3A_482 = arith.constant 0 : i32
        %dma_wait3A_483 = arith.constant 0 : i32
        %dma_wait3A_484 = tpu.memref_slice %arg7[%dma_wait3A_466, %dma_wait3A_482, %dma_wait3A_483] : memref<2x32x129xf32, #tpu.memory_space<vmem>> -> memref<1x8x128xf32, #tpu.memory_space<vmem>>
        %dma_wait3A_485 = tpu.memref_squeeze %dma_wait3A_484 : memref<1x8x128xf32, #tpu.memory_space<vmem>> -> memref<8x128xf32, #tpu.memory_space<vmem>>
        tpu.wait_dma2 semaphore(%arg11 : memref<!tpu.dma_semaphore, #tpu.memory_space<semaphore_mem>>) src(%dma_wait3A_485 : memref<8x128xf32, #tpu.memory_space<vmem>>) dst(%dma_wait3A_481 : memref<8x128xf32, #tpu.memory_space<hbm>>)
      } else {
      }
      %scan3A_321 = arith.constant 0 : i32
      %scan3A_322 = arith.constant 0 : i32
      %scan3A_323 = arith.constant 8 : i32
      %scan3A_324 = arith.addi %scan3A_322, %scan3A_323 : i32
      %scan3A_325 = arith.constant 1 : i32
      scf.for %scan3A_406 = %scan3A_322 to %scan3A_324 step %scan3A_325  : i32 {
        %mul3A_407 = arith.constant 16 : i32
        %mul3A_408 = arith.muli %scan3A_406, %mul3A_407 : i32
        %add3A_409 = arith.constant 0 : i32
        %add3A_410 = arith.addi %mul3A_408, %add3A_409 : i32
        %broadcast_in_dim3A = vector.broadcast %add3A_410 : i32 to vector<16xi32>
        %get3A = arith.constant 1 : i32
        %get3A_411 = arith.index_cast %get3A : i32 to index
        %get3A_412 = arith.index_cast %add3A_410 : i32 to index
        %get3A_413 = arith.constant 0 : index
        %get3A_414 = tpu.vector_load %arg6[%get3A_411, %get3A_412, %get3A_413] {strides = array<i32>} : memref<2x128x32xf32, #tpu.memory_space<vmem>>, vector<16xf32>,
        %scatter3A = arith.constant 1 : i32
        %scatter3A_415 = arith.constant 0 : i32
        %scatter3A_416 = arith.constant 0 : i32
        %scatter3A_417 = tpu.memref_slice %arg7[%scatter3A, %scatter3A_415, %scatter3A_416] : memref<2x32x129xf32, #tpu.memory_space<vmem>> -> memref<1x32x129xf32, #tpu.memory_space<vmem>>
        %scatter3A_418 = tpu.memref_squeeze %scatter3A_417 : memref<1x32x129xf32, #tpu.memory_space<vmem>> -> memref<32x129xf32, #tpu.memory_space<vmem>>
        tpu.vector_store_idx %scatter3A_418[%iota3A, %broadcast_in_dim3A], %get3A_414 : memref<32x129xf32, #tpu.memory_space<vmem>>[vector<16xi32>, vector<16xi32>], vector<16xf32>,
        %get3A_419 = arith.constant 1 : i32
        %get3A_420 = arith.index_cast %get3A_419 : i32 to index
        %get3A_421 = arith.index_cast %add3A_410 : i32 to index
        %get3A_422 = arith.constant 16 : index
        %get3A_423 = tpu.vector_load %arg6[%get3A_420, %get3A_421, %get3A_422] {strides = array<i32>} : memref<2x128x32xf32, #tpu.memory_space<vmem>>, vector<16xf32>,
        %scatter3A_424 = arith.constant 1 : i32
        %scatter3A_425 = arith.constant 0 : i32
        %scatter3A_426 = arith.constant 0 : i32
        %scatter3A_427 = tpu.memref_slice %arg7[%scatter3A_424, %scatter3A_425, %scatter3A_426] : memref<2x32x129xf32, #tpu.memory_space<vmem>> -> memref<1x32x129xf32, #tpu.memory_space<vmem>>
        %scatter3A_428 = tpu.memref_squeeze %scatter3A_427 : memref<1x32x129xf32, #tpu.memory_space<vmem>> -> memref<32x129xf32, #tpu.memory_space<vmem>>
        tpu.vector_store_idx %scatter3A_428[%add3A_5, %broadcast_in_dim3A], %get3A_423 : memref<32x129xf32, #tpu.memory_space<vmem>>[vector<16xi32>, vector<16xi32>], vector<16xf32>,
        %mul3A_429 = arith.constant 16 : i32
        %mul3A_430 = arith.muli %scan3A_406, %mul3A_429 : i32
        %add3A_431 = arith.constant 1 : i32
        %add3A_432 = arith.addi %mul3A_430, %add3A_431 : i32
        %broadcast_in_dim3A_433 = vector.broadcast %add3A_432 : i32 to vector<16xi32>
        %get3A_434 = arith.constant 1 : i32
        %get3A_435 = arith.index_cast %get3A_434 : i32 to index
        %get3A_436 = arith.index_cast %add3A_432 : i32 to index
        %get3A_437 = arith.constant 0 : index
        %get3A_438 = tpu.vector_load %arg6[%get3A_435, %get3A_436, %get3A_437] {strides = array<i32>} : memref<2x128x32xf32, #tpu.memory_space<vmem>>, vector<16xf32>,
        %scatter3A_439 = arith.constant 1 : i32
        %scatter3A_440 = arith.constant 0 : i32
        %scatter3A_441 = arith.constant 0 : i32
        %scatter3A_442 = tpu.memref_slice %arg7[%scatter3A_439, %scatter3A_440, %scatter3A_441] : memref<2x32x129xf32, #tpu.memory_space<vmem>> -> memref<1x32x129xf32, #tpu.memory_space<vmem>>
        %scatter3A_443 = tpu.memref_squeeze %scatter3A_442 : memref<1x32x129xf32, #tpu.memory_space<vmem>> -> memref<32x129xf32, #tpu.memory_space<vmem>>
        tpu.vector_store_idx %scatter3A_443[%iota3A, %broadcast_in_dim3A_433], %get3A_438 : memref<32x129xf32, #tpu.memory_space<vmem>>[vector<16xi32>, vector<16xi32>], vector<16xf32>,
        %get3A_444 = arith.constant 1 : i32
        %get3A_445 = arith.index_cast %get3A_444 : i32 to index
        %get3A_446 = arith.index_cast %add3A_432 : i32 to index
        %get3A_447 = arith.constant 16 : index
        %get3A_448 = tpu.vector_load %arg6[%get3A_445, %get3A_446, %get3A_447] {strides = array<i32>} : memref<2x128x32xf32, #tpu.memory_space<vmem>>, vector<16xf32>,
        %scatter3A_449 = arith.constant 1 : i32
        %scatter3A_450 = arith.constant 0 : i32
        %scatter3A_451 = arith.constant 0 : i32
        %scatter3A_452 = tpu.memref_slice %arg7[%scatter3A_449, %scatter3A_450, %scatter3A_451] : memref<2x32x129xf32, #tpu.memory_space<vmem>> -> memref<1x32x129xf32, #tpu.memory_space<vmem>>
        %scatter3A_453 = tpu.memref_squeeze %scatter3A_452 : memref<1x32x129xf32, #tpu.memory_space<vmem>> -> memref<32x129xf32, #tpu.memory_space<vmem>>
        tpu.vector_store_idx %scatter3A_453[%add3A_5, %broadcast_in_dim3A_433], %get3A_448 : memref<32x129xf32, #tpu.memory_space<vmem>>[vector<16xi32>, vector<16xi32>], vector<16xf32>,
        %mul3A_454 = arith.constant 16 : i32
        %mul3A_455 = arith.muli %scan3A_406, %mul3A_454 : i32
        %add3A_456 = arith.constant 2 : i32
        %add3A_457 = arith.addi %mul3A_455, %add3A_456 : i32
        %broadcast_in_dim3A_458 = vector.broadcast %add3A_457 : i32 to vector<16xi32>
        %get3A_459 = arith.constant 1 : i32
        %get3A_460 = arith.index_cast %get3A_459 : i32 to index
        %get3A_461 = arith.index_cast %add3A_457 : i32 to index
        %get3A_462 = arith.constant 0 : index
        %get3A_463 = tpu.vector_load %arg6[%get3A_460, %get3A_461, %get3A_462] {strides = array<i32>} : memref<2x128x32xf32, #tpu.memory_space<vmem>>, vector<16xf32>,
        %scatter3A_464 = arith.constant 1 : i32
        %scatter3A_465 = arith.constant 0 : i32
        %scatter3A_466 = arith.constant 0 : i32
        %scatter3A_467 = tpu.memref_slice %arg7[%scatter3A_464, %scatter3A_465, %scatter3A_466] : memref<2x32x129xf32, #tpu.memory_space<vmem>> -> memref<1x32x129xf32, #tpu.memory_space<vmem>>
        %scatter3A_468 = tpu.memref_squeeze %scatter3A_467 : memref<1x32x129xf32, #tpu.memory_space<vmem>> -> memref<32x129xf32, #tpu.memory_space<vmem>>
        tpu.vector_store_idx %scatter3A_468[%iota3A, %broadcast_in_dim3A_458], %get3A_463 : memref<32x129xf32, #tpu.memory_space<vmem>>[vector<16xi32>, vector<16xi32>], vector<16xf32>,
        %get3A_469 = arith.constant 1 : i32
        %get3A_470 = arith.index_cast %get3A_469 : i32 to index
        %get3A_471 = arith.index_cast %add3A_457 : i32 to index
        %get3A_472 = arith.constant 16 : index
        %get3A_473 = tpu.vector_load %arg6[%get3A_470, %get3A_471, %get3A_472] {strides = array<i32>} : memref<2x128x32xf32, #tpu.memory_space<vmem>>, vector<16xf32>,
        %scatter3A_474 = arith.constant 1 : i32
        %scatter3A_475 = arith.constant 0 : i32
        %scatter3A_476 = arith.constant 0 : i32
        %scatter3A_477 = tpu.memref_slice %arg7[%scatter3A_474, %scatter3A_475, %scatter3A_476] : memref<2x32x129xf32, #tpu.memory_space<vmem>> -> memref<1x32x129xf32, #tpu.memory_space<vmem>>
        %scatter3A_478 = tpu.memref_squeeze %scatter3A_477 : memref<1x32x129xf32, #tpu.memory_space<vmem>> -> memref<32x129xf32, #tpu.memory_space<vmem>>
        tpu.vector_store_idx %scatter3A_478[%add3A_5, %broadcast_in_dim3A_458], %get3A_473 : memref<32x129xf32, #tpu.memory_space<vmem>>[vector<16xi32>, vector<16xi32>], vector<16xf32>,
        %mul3A_479 = arith.constant 16 : i32
        %mul3A_480 = arith.muli %scan3A_406, %mul3A_479 : i32
        %add3A_481 = arith.constant 3 : i32
        %add3A_482 = arith.addi %mul3A_480, %add3A_481 : i32
        %broadcast_in_dim3A_483 = vector.broadcast %add3A_482 : i32 to vector<16xi32>
        %get3A_484 = arith.constant 1 : i32
        %get3A_485 = arith.index_cast %get3A_484 : i32 to index
        %get3A_486 = arith.index_cast %add3A_482 : i32 to index
        %get3A_487 = arith.constant 0 : index
        %get3A_488 = tpu.vector_load %arg6[%get3A_485, %get3A_486, %get3A_487] {strides = array<i32>} : memref<2x128x32xf32, #tpu.memory_space<vmem>>, vector<16xf32>,
        %scatter3A_489 = arith.constant 1 : i32
        %scatter3A_490 = arith.constant 0 : i32
        %scatter3A_491 = arith.constant 0 : i32
        %scatter3A_492 = tpu.memref_slice %arg7[%scatter3A_489, %scatter3A_490, %scatter3A_491] : memref<2x32x129xf32, #tpu.memory_space<vmem>> -> memref<1x32x129xf32, #tpu.memory_space<vmem>>
        %scatter3A_493 = tpu.memref_squeeze %scatter3A_492 : memref<1x32x129xf32, #tpu.memory_space<vmem>> -> memref<32x129xf32, #tpu.memory_space<vmem>>
        tpu.vector_store_idx %scatter3A_493[%iota3A, %broadcast_in_dim3A_483], %get3A_488 : memref<32x129xf32, #tpu.memory_space<vmem>>[vector<16xi32>, vector<16xi32>], vector<16xf32>,
        %get3A_494 = arith.constant 1 : i32
        %get3A_495 = arith.index_cast %get3A_494 : i32 to index
        %get3A_496 = arith.index_cast %add3A_482 : i32 to index
        %get3A_497 = arith.constant 16 : index
        %get3A_498 = tpu.vector_load %arg6[%get3A_495, %get3A_496, %get3A_497] {strides = array<i32>} : memref<2x128x32xf32, #tpu.memory_space<vmem>>, vector<16xf32>,
        %scatter3A_499 = arith.constant 1 : i32
        %scatter3A_500 = arith.constant 0 : i32
        %scatter3A_501 = arith.constant 0 : i32
        %scatter3A_502 = tpu.memref_slice %arg7[%scatter3A_499, %scatter3A_500, %scatter3A_501] : memref<2x32x129xf32, #tpu.memory_space<vmem>> -> memref<1x32x129xf32, #tpu.memory_space<vmem>>
        %scatter3A_503 = tpu.memref_squeeze %scatter3A_502 : memref<1x32x129xf32, #tpu.memory_space<vmem>> -> memref<32x129xf32, #tpu.memory_space<vmem>>
        tpu.vector_store_idx %scatter3A_503[%add3A_5, %broadcast_in_dim3A_483], %get3A_498 : memref<32x129xf32, #tpu.memory_space<vmem>>[vector<16xi32>, vector<16xi32>], vector<16xf32>,
        %mul3A_504 = arith.constant 16 : i32
        %mul3A_505 = arith.muli %scan3A_406, %mul3A_504 : i32
        %add3A_506 = arith.constant 4 : i32
        %add3A_507 = arith.addi %mul3A_505, %add3A_506 : i32
        %broadcast_in_dim3A_508 = vector.broadcast %add3A_507 : i32 to vector<16xi32>
        %get3A_509 = arith.constant 1 : i32
        %get3A_510 = arith.index_cast %get3A_509 : i32 to index
        %get3A_511 = arith.index_cast %add3A_507 : i32 to index
        %get3A_512 = arith.constant 0 : index
        %get3A_513 = tpu.vector_load %arg6[%get3A_510, %get3A_511, %get3A_512] {strides = array<i32>} : memref<2x128x32xf32, #tpu.memory_space<vmem>>, vector<16xf32>,
        %scatter3A_514 = arith.constant 1 : i32
        %scatter3A_515 = arith.constant 0 : i32
        %scatter3A_516 = arith.constant 0 : i32
        %scatter3A_517 = tpu.memref_slice %arg7[%scatter3A_514, %scatter3A_515, %scatter3A_516] : memref<2x32x129xf32, #tpu.memory_space<vmem>> -> memref<1x32x129xf32, #tpu.memory_space<vmem>>
        %scatter3A_518 = tpu.memref_squeeze %scatter3A_517 : memref<1x32x129xf32, #tpu.memory_space<vmem>> -> memref<32x129xf32, #tpu.memory_space<vmem>>
        tpu.vector_store_idx %scatter3A_518[%iota3A, %broadcast_in_dim3A_508], %get3A_513 : memref<32x129xf32, #tpu.memory_space<vmem>>[vector<16xi32>, vector<16xi32>], vector<16xf32>,
        %get3A_519 = arith.constant 1 : i32
        %get3A_520 = arith.index_cast %get3A_519 : i32 to index
        %get3A_521 = arith.index_cast %add3A_507 : i32 to index
        %get3A_522 = arith.constant 16 : index
        %get3A_523 = tpu.vector_load %arg6[%get3A_520, %get3A_521, %get3A_522] {strides = array<i32>} : memref<2x128x32xf32, #tpu.memory_space<vmem>>, vector<16xf32>,
        %scatter3A_524 = arith.constant 1 : i32
        %scatter3A_525 = arith.constant 0 : i32
        %scatter3A_526 = arith.constant 0 : i32
        %scatter3A_527 = tpu.memref_slice %arg7[%scatter3A_524, %scatter3A_525, %scatter3A_526] : memref<2x32x129xf32, #tpu.memory_space<vmem>> -> memref<1x32x129xf32, #tpu.memory_space<vmem>>
        %scatter3A_528 = tpu.memref_squeeze %scatter3A_527 : memref<1x32x129xf32, #tpu.memory_space<vmem>> -> memref<32x129xf32, #tpu.memory_space<vmem>>
        tpu.vector_store_idx %scatter3A_528[%add3A_5, %broadcast_in_dim3A_508], %get3A_523 : memref<32x129xf32, #tpu.memory_space<vmem>>[vector<16xi32>, vector<16xi32>], vector<16xf32>,
        %mul3A_529 = arith.constant 16 : i32
        %mul3A_530 = arith.muli %scan3A_406, %mul3A_529 : i32
        %add3A_531 = arith.constant 5 : i32
        %add3A_532 = arith.addi %mul3A_530, %add3A_531 : i32
        %broadcast_in_dim3A_533 = vector.broadcast %add3A_532 : i32 to vector<16xi32>
        %get3A_534 = arith.constant 1 : i32
        %get3A_535 = arith.index_cast %get3A_534 : i32 to index
        %get3A_536 = arith.index_cast %add3A_532 : i32 to index
        %get3A_537 = arith.constant 0 : index
        %get3A_538 = tpu.vector_load %arg6[%get3A_535, %get3A_536, %get3A_537] {strides = array<i32>} : memref<2x128x32xf32, #tpu.memory_space<vmem>>, vector<16xf32>,
        %scatter3A_539 = arith.constant 1 : i32
        %scatter3A_540 = arith.constant 0 : i32
        %scatter3A_541 = arith.constant 0 : i32
        %scatter3A_542 = tpu.memref_slice %arg7[%scatter3A_539, %scatter3A_540, %scatter3A_541] : memref<2x32x129xf32, #tpu.memory_space<vmem>> -> memref<1x32x129xf32, #tpu.memory_space<vmem>>
        %scatter3A_543 = tpu.memref_squeeze %scatter3A_542 : memref<1x32x129xf32, #tpu.memory_space<vmem>> -> memref<32x129xf32, #tpu.memory_space<vmem>>
        tpu.vector_store_idx %scatter3A_543[%iota3A, %broadcast_in_dim3A_533], %get3A_538 : memref<32x129xf32, #tpu.memory_space<vmem>>[vector<16xi32>, vector<16xi32>], vector<16xf32>,
        %get3A_544 = arith.constant 1 : i32
        %get3A_545 = arith.index_cast %get3A_544 : i32 to index
        %get3A_546 = arith.index_cast %add3A_532 : i32 to index
        %get3A_547 = arith.constant 16 : index
        %get3A_548 = tpu.vector_load %arg6[%get3A_545, %get3A_546, %get3A_547] {strides = array<i32>} : memref<2x128x32xf32, #tpu.memory_space<vmem>>, vector<16xf32>,
        %scatter3A_549 = arith.constant 1 : i32
        %scatter3A_550 = arith.constant 0 : i32
        %scatter3A_551 = arith.constant 0 : i32
        %scatter3A_552 = tpu.memref_slice %arg7[%scatter3A_549, %scatter3A_550, %scatter3A_551] : memref<2x32x129xf32, #tpu.memory_space<vmem>> -> memref<1x32x129xf32, #tpu.memory_space<vmem>>
        %scatter3A_553 = tpu.memref_squeeze %scatter3A_552 : memref<1x32x129xf32, #tpu.memory_space<vmem>> -> memref<32x129xf32, #tpu.memory_space<vmem>>
        tpu.vector_store_idx %scatter3A_553[%add3A_5, %broadcast_in_dim3A_533], %get3A_548 : memref<32x129xf32, #tpu.memory_space<vmem>>[vector<16xi32>, vector<16xi32>], vector<16xf32>,
        %mul3A_554 = arith.constant 16 : i32
        %mul3A_555 = arith.muli %scan3A_406, %mul3A_554 : i32
        %add3A_556 = arith.constant 6 : i32
        %add3A_557 = arith.addi %mul3A_555, %add3A_556 : i32
        %broadcast_in_dim3A_558 = vector.broadcast %add3A_557 : i32 to vector<16xi32>
        %get3A_559 = arith.constant 1 : i32
        %get3A_560 = arith.index_cast %get3A_559 : i32 to index
        %get3A_561 = arith.index_cast %add3A_557 : i32 to index
        %get3A_562 = arith.constant 0 : index
        %get3A_563 = tpu.vector_load %arg6[%get3A_560, %get3A_561, %get3A_562] {strides = array<i32>} : memref<2x128x32xf32, #tpu.memory_space<vmem>>, vector<16xf32>,
        %scatter3A_564 = arith.constant 1 : i32
        %scatter3A_565 = arith.constant 0 : i32
        %scatter3A_566 = arith.constant 0 : i32
        %scatter3A_567 = tpu.memref_slice %arg7[%scatter3A_564, %scatter3A_565, %scatter3A_566] : memref<2x32x129xf32, #tpu.memory_space<vmem>> -> memref<1x32x129xf32, #tpu.memory_space<vmem>>
        %scatter3A_568 = tpu.memref_squeeze %scatter3A_567 : memref<1x32x129xf32, #tpu.memory_space<vmem>> -> memref<32x129xf32, #tpu.memory_space<vmem>>
        tpu.vector_store_idx %scatter3A_568[%iota3A, %broadcast_in_dim3A_558], %get3A_563 : memref<32x129xf32, #tpu.memory_space<vmem>>[vector<16xi32>, vector<16xi32>], vector<16xf32>,
        %get3A_569 = arith.constant 1 : i32
        %get3A_570 = arith.index_cast %get3A_569 : i32 to index
        %get3A_571 = arith.index_cast %add3A_557 : i32 to index
        %get3A_572 = arith.constant 16 : index
        %get3A_573 = tpu.vector_load %arg6[%get3A_570, %get3A_571, %get3A_572] {strides = array<i32>} : memref<2x128x32xf32, #tpu.memory_space<vmem>>, vector<16xf32>,
        %scatter3A_574 = arith.constant 1 : i32
        %scatter3A_575 = arith.constant 0 : i32
        %scatter3A_576 = arith.constant 0 : i32
        %scatter3A_577 = tpu.memref_slice %arg7[%scatter3A_574, %scatter3A_575, %scatter3A_576] : memref<2x32x129xf32, #tpu.memory_space<vmem>> -> memref<1x32x129xf32, #tpu.memory_space<vmem>>
        %scatter3A_578 = tpu.memref_squeeze %scatter3A_577 : memref<1x32x129xf32, #tpu.memory_space<vmem>> -> memref<32x129xf32, #tpu.memory_space<vmem>>
        tpu.vector_store_idx %scatter3A_578[%add3A_5, %broadcast_in_dim3A_558], %get3A_573 : memref<32x129xf32, #tpu.memory_space<vmem>>[vector<16xi32>, vector<16xi32>], vector<16xf32>,
        %mul3A_579 = arith.constant 16 : i32
        %mul3A_580 = arith.muli %scan3A_406, %mul3A_579 : i32
        %add3A_581 = arith.constant 7 : i32
        %add3A_582 = arith.addi %mul3A_580, %add3A_581 : i32
        %broadcast_in_dim3A_583 = vector.broadcast %add3A_582 : i32 to vector<16xi32>
        %get3A_584 = arith.constant 1 : i32
        %get3A_585 = arith.index_cast %get3A_584 : i32 to index
        %get3A_586 = arith.index_cast %add3A_582 : i32 to index
        %get3A_587 = arith.constant 0 : index
        %get3A_588 = tpu.vector_load %arg6[%get3A_585, %get3A_586, %get3A_587] {strides = array<i32>} : memref<2x128x32xf32, #tpu.memory_space<vmem>>, vector<16xf32>,
        %scatter3A_589 = arith.constant 1 : i32
        %scatter3A_590 = arith.constant 0 : i32
        %scatter3A_591 = arith.constant 0 : i32
        %scatter3A_592 = tpu.memref_slice %arg7[%scatter3A_589, %scatter3A_590, %scatter3A_591] : memref<2x32x129xf32, #tpu.memory_space<vmem>> -> memref<1x32x129xf32, #tpu.memory_space<vmem>>
        %scatter3A_593 = tpu.memref_squeeze %scatter3A_592 : memref<1x32x129xf32, #tpu.memory_space<vmem>> -> memref<32x129xf32, #tpu.memory_space<vmem>>
        tpu.vector_store_idx %scatter3A_593[%iota3A, %broadcast_in_dim3A_583], %get3A_588 : memref<32x129xf32, #tpu.memory_space<vmem>>[vector<16xi32>, vector<16xi32>], vector<16xf32>,
        %get3A_594 = arith.constant 1 : i32
        %get3A_595 = arith.index_cast %get3A_594 : i32 to index
        %get3A_596 = arith.index_cast %add3A_582 : i32 to index
        %get3A_597 = arith.constant 16 : index
        %get3A_598 = tpu.vector_load %arg6[%get3A_595, %get3A_596, %get3A_597] {strides = array<i32>} : memref<2x128x32xf32, #tpu.memory_space<vmem>>, vector<16xf32>,
        %scatter3A_599 = arith.constant 1 : i32
        %scatter3A_600 = arith.constant 0 : i32
        %scatter3A_601 = arith.constant 0 : i32
        %scatter3A_602 = tpu.memref_slice %arg7[%scatter3A_599, %scatter3A_600, %scatter3A_601] : memref<2x32x129xf32, #tpu.memory_space<vmem>> -> memref<1x32x129xf32, #tpu.memory_space<vmem>>
        %scatter3A_603 = tpu.memref_squeeze %scatter3A_602 : memref<1x32x129xf32, #tpu.memory_space<vmem>> -> memref<32x129xf32, #tpu.memory_space<vmem>>
        tpu.vector_store_idx %scatter3A_603[%add3A_5, %broadcast_in_dim3A_583], %get3A_598 : memref<32x129xf32, #tpu.memory_space<vmem>>[vector<16xi32>, vector<16xi32>], vector<16xf32>,
        %mul3A_604 = arith.constant 16 : i32
        %mul3A_605 = arith.muli %scan3A_406, %mul3A_604 : i32
        %add3A_606 = arith.constant 8 : i32
        %add3A_607 = arith.addi %mul3A_605, %add3A_606 : i32
        %broadcast_in_dim3A_608 = vector.broadcast %add3A_607 : i32 to vector<16xi32>
        %get3A_609 = arith.constant 1 : i32
        %get3A_610 = arith.index_cast %get3A_609 : i32 to index
        %get3A_611 = arith.index_cast %add3A_607 : i32 to index
        %get3A_612 = arith.constant 0 : index
        %get3A_613 = tpu.vector_load %arg6[%get3A_610, %get3A_611, %get3A_612] {strides = array<i32>} : memref<2x128x32xf32, #tpu.memory_space<vmem>>, vector<16xf32>,
        %scatter3A_614 = arith.constant 1 : i32
        %scatter3A_615 = arith.constant 0 : i32
        %scatter3A_616 = arith.constant 0 : i32
        %scatter3A_617 = tpu.memref_slice %arg7[%scatter3A_614, %scatter3A_615, %scatter3A_616] : memref<2x32x129xf32, #tpu.memory_space<vmem>> -> memref<1x32x129xf32, #tpu.memory_space<vmem>>
        %scatter3A_618 = tpu.memref_squeeze %scatter3A_617 : memref<1x32x129xf32, #tpu.memory_space<vmem>> -> memref<32x129xf32, #tpu.memory_space<vmem>>
        tpu.vector_store_idx %scatter3A_618[%iota3A, %broadcast_in_dim3A_608], %get3A_613 : memref<32x129xf32, #tpu.memory_space<vmem>>[vector<16xi32>, vector<16xi32>], vector<16xf32>,
        %get3A_619 = arith.constant 1 : i32
        %get3A_620 = arith.index_cast %get3A_619 : i32 to index
        %get3A_621 = arith.index_cast %add3A_607 : i32 to index
        %get3A_622 = arith.constant 16 : index
        %get3A_623 = tpu.vector_load %arg6[%get3A_620, %get3A_621, %get3A_622] {strides = array<i32>} : memref<2x128x32xf32, #tpu.memory_space<vmem>>, vector<16xf32>,
        %scatter3A_624 = arith.constant 1 : i32
        %scatter3A_625 = arith.constant 0 : i32
        %scatter3A_626 = arith.constant 0 : i32
        %scatter3A_627 = tpu.memref_slice %arg7[%scatter3A_624, %scatter3A_625, %scatter3A_626] : memref<2x32x129xf32, #tpu.memory_space<vmem>> -> memref<1x32x129xf32, #tpu.memory_space<vmem>>
        %scatter3A_628 = tpu.memref_squeeze %scatter3A_627 : memref<1x32x129xf32, #tpu.memory_space<vmem>> -> memref<32x129xf32, #tpu.memory_space<vmem>>
        tpu.vector_store_idx %scatter3A_628[%add3A_5, %broadcast_in_dim3A_608], %get3A_623 : memref<32x129xf32, #tpu.memory_space<vmem>>[vector<16xi32>, vector<16xi32>], vector<16xf32>,
        %mul3A_629 = arith.constant 16 : i32
        %mul3A_630 = arith.muli %scan3A_406, %mul3A_629 : i32
        %add3A_631 = arith.constant 9 : i32
        %add3A_632 = arith.addi %mul3A_630, %add3A_631 : i32
        %broadcast_in_dim3A_633 = vector.broadcast %add3A_632 : i32 to vector<16xi32>
        %get3A_634 = arith.constant 1 : i32
        %get3A_635 = arith.index_cast %get3A_634 : i32 to index
        %get3A_636 = arith.index_cast %add3A_632 : i32 to index
        %get3A_637 = arith.constant 0 : index
        %get3A_638 = tpu.vector_load %arg6[%get3A_635, %get3A_636, %get3A_637] {strides = array<i32>} : memref<2x128x32xf32, #tpu.memory_space<vmem>>, vector<16xf32>,
        %scatter3A_639 = arith.constant 1 : i32
        %scatter3A_640 = arith.constant 0 : i32
        %scatter3A_641 = arith.constant 0 : i32
        %scatter3A_642 = tpu.memref_slice %arg7[%scatter3A_639, %scatter3A_640, %scatter3A_641] : memref<2x32x129xf32, #tpu.memory_space<vmem>> -> memref<1x32x129xf32, #tpu.memory_space<vmem>>
        %scatter3A_643 = tpu.memref_squeeze %scatter3A_642 : memref<1x32x129xf32, #tpu.memory_space<vmem>> -> memref<32x129xf32, #tpu.memory_space<vmem>>
        tpu.vector_store_idx %scatter3A_643[%iota3A, %broadcast_in_dim3A_633], %get3A_638 : memref<32x129xf32, #tpu.memory_space<vmem>>[vector<16xi32>, vector<16xi32>], vector<16xf32>,
        %get3A_644 = arith.constant 1 : i32
        %get3A_645 = arith.index_cast %get3A_644 : i32 to index
        %get3A_646 = arith.index_cast %add3A_632 : i32 to index
        %get3A_647 = arith.constant 16 : index
        %get3A_648 = tpu.vector_load %arg6[%get3A_645, %get3A_646, %get3A_647] {strides = array<i32>} : memref<2x128x32xf32, #tpu.memory_space<vmem>>, vector<16xf32>,
        %scatter3A_649 = arith.constant 1 : i32
        %scatter3A_650 = arith.constant 0 : i32
        %scatter3A_651 = arith.constant 0 : i32
        %scatter3A_652 = tpu.memref_slice %arg7[%scatter3A_649, %scatter3A_650, %scatter3A_651] : memref<2x32x129xf32, #tpu.memory_space<vmem>> -> memref<1x32x129xf32, #tpu.memory_space<vmem>>
        %scatter3A_653 = tpu.memref_squeeze %scatter3A_652 : memref<1x32x129xf32, #tpu.memory_space<vmem>> -> memref<32x129xf32, #tpu.memory_space<vmem>>
        tpu.vector_store_idx %scatter3A_653[%add3A_5, %broadcast_in_dim3A_633], %get3A_648 : memref<32x129xf32, #tpu.memory_space<vmem>>[vector<16xi32>, vector<16xi32>], vector<16xf32>,
        %mul3A_654 = arith.constant 16 : i32
        %mul3A_655 = arith.muli %scan3A_406, %mul3A_654 : i32
        %add3A_656 = arith.constant 10 : i32
        %add3A_657 = arith.addi %mul3A_655, %add3A_656 : i32
        %broadcast_in_dim3A_658 = vector.broadcast %add3A_657 : i32 to vector<16xi32>
        %get3A_659 = arith.constant 1 : i32
        %get3A_660 = arith.index_cast %get3A_659 : i32 to index
        %get3A_661 = arith.index_cast %add3A_657 : i32 to index
        %get3A_662 = arith.constant 0 : index
        %get3A_663 = tpu.vector_load %arg6[%get3A_660, %get3A_661, %get3A_662] {strides = array<i32>} : memref<2x128x32xf32, #tpu.memory_space<vmem>>, vector<16xf32>,
        %scatter3A_664 = arith.constant 1 : i32
        %scatter3A_665 = arith.constant 0 : i32
        %scatter3A_666 = arith.constant 0 : i32
        %scatter3A_667 = tpu.memref_slice %arg7[%scatter3A_664, %scatter3A_665, %scatter3A_666] : memref<2x32x129xf32, #tpu.memory_space<vmem>> -> memref<1x32x129xf32, #tpu.memory_space<vmem>>
        %scatter3A_668 = tpu.memref_squeeze %scatter3A_667 : memref<1x32x129xf32, #tpu.memory_space<vmem>> -> memref<32x129xf32, #tpu.memory_space<vmem>>
        tpu.vector_store_idx %scatter3A_668[%iota3A, %broadcast_in_dim3A_658], %get3A_663 : memref<32x129xf32, #tpu.memory_space<vmem>>[vector<16xi32>, vector<16xi32>], vector<16xf32>,
        %get3A_669 = arith.constant 1 : i32
        %get3A_670 = arith.index_cast %get3A_669 : i32 to index
        %get3A_671 = arith.index_cast %add3A_657 : i32 to index
        %get3A_672 = arith.constant 16 : index
        %get3A_673 = tpu.vector_load %arg6[%get3A_670, %get3A_671, %get3A_672] {strides = array<i32>} : memref<2x128x32xf32, #tpu.memory_space<vmem>>, vector<16xf32>,
        %scatter3A_674 = arith.constant 1 : i32
        %scatter3A_675 = arith.constant 0 : i32
        %scatter3A_676 = arith.constant 0 : i32
        %scatter3A_677 = tpu.memref_slice %arg7[%scatter3A_674, %scatter3A_675, %scatter3A_676] : memref<2x32x129xf32, #tpu.memory_space<vmem>> -> memref<1x32x129xf32, #tpu.memory_space<vmem>>
        %scatter3A_678 = tpu.memref_squeeze %scatter3A_677 : memref<1x32x129xf32, #tpu.memory_space<vmem>> -> memref<32x129xf32, #tpu.memory_space<vmem>>
        tpu.vector_store_idx %scatter3A_678[%add3A_5, %broadcast_in_dim3A_658], %get3A_673 : memref<32x129xf32, #tpu.memory_space<vmem>>[vector<16xi32>, vector<16xi32>], vector<16xf32>,
        %mul3A_679 = arith.constant 16 : i32
        %mul3A_680 = arith.muli %scan3A_406, %mul3A_679 : i32
        %add3A_681 = arith.constant 11 : i32
        %add3A_682 = arith.addi %mul3A_680, %add3A_681 : i32
        %broadcast_in_dim3A_683 = vector.broadcast %add3A_682 : i32 to vector<16xi32>
        %get3A_684 = arith.constant 1 : i32
        %get3A_685 = arith.index_cast %get3A_684 : i32 to index
        %get3A_686 = arith.index_cast %add3A_682 : i32 to index
        %get3A_687 = arith.constant 0 : index
        %get3A_688 = tpu.vector_load %arg6[%get3A_685, %get3A_686, %get3A_687] {strides = array<i32>} : memref<2x128x32xf32, #tpu.memory_space<vmem>>, vector<16xf32>,
        %scatter3A_689 = arith.constant 1 : i32
        %scatter3A_690 = arith.constant 0 : i32
        %scatter3A_691 = arith.constant 0 : i32
        %scatter3A_692 = tpu.memref_slice %arg7[%scatter3A_689, %scatter3A_690, %scatter3A_691] : memref<2x32x129xf32, #tpu.memory_space<vmem>> -> memref<1x32x129xf32, #tpu.memory_space<vmem>>
        %scatter3A_693 = tpu.memref_squeeze %scatter3A_692 : memref<1x32x129xf32, #tpu.memory_space<vmem>> -> memref<32x129xf32, #tpu.memory_space<vmem>>
        tpu.vector_store_idx %scatter3A_693[%iota3A, %broadcast_in_dim3A_683], %get3A_688 : memref<32x129xf32, #tpu.memory_space<vmem>>[vector<16xi32>, vector<16xi32>], vector<16xf32>,
        %get3A_694 = arith.constant 1 : i32
        %get3A_695 = arith.index_cast %get3A_694 : i32 to index
        %get3A_696 = arith.index_cast %add3A_682 : i32 to index
        %get3A_697 = arith.constant 16 : index
        %get3A_698 = tpu.vector_load %arg6[%get3A_695, %get3A_696, %get3A_697] {strides = array<i32>} : memref<2x128x32xf32, #tpu.memory_space<vmem>>, vector<16xf32>,
        %scatter3A_699 = arith.constant 1 : i32
        %scatter3A_700 = arith.constant 0 : i32
        %scatter3A_701 = arith.constant 0 : i32
        %scatter3A_702 = tpu.memref_slice %arg7[%scatter3A_699, %scatter3A_700, %scatter3A_701] : memref<2x32x129xf32, #tpu.memory_space<vmem>> -> memref<1x32x129xf32, #tpu.memory_space<vmem>>
        %scatter3A_703 = tpu.memref_squeeze %scatter3A_702 : memref<1x32x129xf32, #tpu.memory_space<vmem>> -> memref<32x129xf32, #tpu.memory_space<vmem>>
        tpu.vector_store_idx %scatter3A_703[%add3A_5, %broadcast_in_dim3A_683], %get3A_698 : memref<32x129xf32, #tpu.memory_space<vmem>>[vector<16xi32>, vector<16xi32>], vector<16xf32>,
        %mul3A_704 = arith.constant 16 : i32
        %mul3A_705 = arith.muli %scan3A_406, %mul3A_704 : i32
        %add3A_706 = arith.constant 12 : i32
        %add3A_707 = arith.addi %mul3A_705, %add3A_706 : i32
        %broadcast_in_dim3A_708 = vector.broadcast %add3A_707 : i32 to vector<16xi32>
        %get3A_709 = arith.constant 1 : i32
        %get3A_710 = arith.index_cast %get3A_709 : i32 to index
        %get3A_711 = arith.index_cast %add3A_707 : i32 to index
        %get3A_712 = arith.constant 0 : index
        %get3A_713 = tpu.vector_load %arg6[%get3A_710, %get3A_711, %get3A_712] {strides = array<i32>} : memref<2x128x32xf32, #tpu.memory_space<vmem>>, vector<16xf32>,
        %scatter3A_714 = arith.constant 1 : i32
        %scatter3A_715 = arith.constant 0 : i32
        %scatter3A_716 = arith.constant 0 : i32
        %scatter3A_717 = tpu.memref_slice %arg7[%scatter3A_714, %scatter3A_715, %scatter3A_716] : memref<2x32x129xf32, #tpu.memory_space<vmem>> -> memref<1x32x129xf32, #tpu.memory_space<vmem>>
        %scatter3A_718 = tpu.memref_squeeze %scatter3A_717 : memref<1x32x129xf32, #tpu.memory_space<vmem>> -> memref<32x129xf32, #tpu.memory_space<vmem>>
        tpu.vector_store_idx %scatter3A_718[%iota3A, %broadcast_in_dim3A_708], %get3A_713 : memref<32x129xf32, #tpu.memory_space<vmem>>[vector<16xi32>, vector<16xi32>], vector<16xf32>,
        %get3A_719 = arith.constant 1 : i32
        %get3A_720 = arith.index_cast %get3A_719 : i32 to index
        %get3A_721 = arith.index_cast %add3A_707 : i32 to index
        %get3A_722 = arith.constant 16 : index
        %get3A_723 = tpu.vector_load %arg6[%get3A_720, %get3A_721, %get3A_722] {strides = array<i32>} : memref<2x128x32xf32, #tpu.memory_space<vmem>>, vector<16xf32>,
        %scatter3A_724 = arith.constant 1 : i32
        %scatter3A_725 = arith.constant 0 : i32
        %scatter3A_726 = arith.constant 0 : i32
        %scatter3A_727 = tpu.memref_slice %arg7[%scatter3A_724, %scatter3A_725, %scatter3A_726] : memref<2x32x129xf32, #tpu.memory_space<vmem>> -> memref<1x32x129xf32, #tpu.memory_space<vmem>>
        %scatter3A_728 = tpu.memref_squeeze %scatter3A_727 : memref<1x32x129xf32, #tpu.memory_space<vmem>> -> memref<32x129xf32, #tpu.memory_space<vmem>>
        tpu.vector_store_idx %scatter3A_728[%add3A_5, %broadcast_in_dim3A_708], %get3A_723 : memref<32x129xf32, #tpu.memory_space<vmem>>[vector<16xi32>, vector<16xi32>], vector<16xf32>,
        %mul3A_729 = arith.constant 16 : i32
        %mul3A_730 = arith.muli %scan3A_406, %mul3A_729 : i32
        %add3A_731 = arith.constant 13 : i32
        %add3A_732 = arith.addi %mul3A_730, %add3A_731 : i32
        %broadcast_in_dim3A_733 = vector.broadcast %add3A_732 : i32 to vector<16xi32>
        %get3A_734 = arith.constant 1 : i32
        %get3A_735 = arith.index_cast %get3A_734 : i32 to index
        %get3A_736 = arith.index_cast %add3A_732 : i32 to index
        %get3A_737 = arith.constant 0 : index
        %get3A_738 = tpu.vector_load %arg6[%get3A_735, %get3A_736, %get3A_737] {strides = array<i32>} : memref<2x128x32xf32, #tpu.memory_space<vmem>>, vector<16xf32>,
        %scatter3A_739 = arith.constant 1 : i32
        %scatter3A_740 = arith.constant 0 : i32
        %scatter3A_741 = arith.constant 0 : i32
        %scatter3A_742 = tpu.memref_slice %arg7[%scatter3A_739, %scatter3A_740, %scatter3A_741] : memref<2x32x129xf32, #tpu.memory_space<vmem>> -> memref<1x32x129xf32, #tpu.memory_space<vmem>>
        %scatter3A_743 = tpu.memref_squeeze %scatter3A_742 : memref<1x32x129xf32, #tpu.memory_space<vmem>> -> memref<32x129xf32, #tpu.memory_space<vmem>>
        tpu.vector_store_idx %scatter3A_743[%iota3A, %broadcast_in_dim3A_733], %get3A_738 : memref<32x129xf32, #tpu.memory_space<vmem>>[vector<16xi32>, vector<16xi32>], vector<16xf32>,
        %get3A_744 = arith.constant 1 : i32
        %get3A_745 = arith.index_cast %get3A_744 : i32 to index
        %get3A_746 = arith.index_cast %add3A_732 : i32 to index
        %get3A_747 = arith.constant 16 : index
        %get3A_748 = tpu.vector_load %arg6[%get3A_745, %get3A_746, %get3A_747] {strides = array<i32>} : memref<2x128x32xf32, #tpu.memory_space<vmem>>, vector<16xf32>,
        %scatter3A_749 = arith.constant 1 : i32
        %scatter3A_750 = arith.constant 0 : i32
        %scatter3A_751 = arith.constant 0 : i32
        %scatter3A_752 = tpu.memref_slice %arg7[%scatter3A_749, %scatter3A_750, %scatter3A_751] : memref<2x32x129xf32, #tpu.memory_space<vmem>> -> memref<1x32x129xf32, #tpu.memory_space<vmem>>
        %scatter3A_753 = tpu.memref_squeeze %scatter3A_752 : memref<1x32x129xf32, #tpu.memory_space<vmem>> -> memref<32x129xf32, #tpu.memory_space<vmem>>
        tpu.vector_store_idx %scatter3A_753[%add3A_5, %broadcast_in_dim3A_733], %get3A_748 : memref<32x129xf32, #tpu.memory_space<vmem>>[vector<16xi32>, vector<16xi32>], vector<16xf32>,
        %mul3A_754 = arith.constant 16 : i32
        %mul3A_755 = arith.muli %scan3A_406, %mul3A_754 : i32
        %add3A_756 = arith.constant 14 : i32
        %add3A_757 = arith.addi %mul3A_755, %add3A_756 : i32
        %broadcast_in_dim3A_758 = vector.broadcast %add3A_757 : i32 to vector<16xi32>
        %get3A_759 = arith.constant 1 : i32
        %get3A_760 = arith.index_cast %get3A_759 : i32 to index
        %get3A_761 = arith.index_cast %add3A_757 : i32 to index
        %get3A_762 = arith.constant 0 : index
        %get3A_763 = tpu.vector_load %arg6[%get3A_760, %get3A_761, %get3A_762] {strides = array<i32>} : memref<2x128x32xf32, #tpu.memory_space<vmem>>, vector<16xf32>,
        %scatter3A_764 = arith.constant 1 : i32
        %scatter3A_765 = arith.constant 0 : i32
        %scatter3A_766 = arith.constant 0 : i32
        %scatter3A_767 = tpu.memref_slice %arg7[%scatter3A_764, %scatter3A_765, %scatter3A_766] : memref<2x32x129xf32, #tpu.memory_space<vmem>> -> memref<1x32x129xf32, #tpu.memory_space<vmem>>
        %scatter3A_768 = tpu.memref_squeeze %scatter3A_767 : memref<1x32x129xf32, #tpu.memory_space<vmem>> -> memref<32x129xf32, #tpu.memory_space<vmem>>
        tpu.vector_store_idx %scatter3A_768[%iota3A, %broadcast_in_dim3A_758], %get3A_763 : memref<32x129xf32, #tpu.memory_space<vmem>>[vector<16xi32>, vector<16xi32>], vector<16xf32>,
        %get3A_769 = arith.constant 1 : i32
        %get3A_770 = arith.index_cast %get3A_769 : i32 to index
        %get3A_771 = arith.index_cast %add3A_757 : i32 to index
        %get3A_772 = arith.constant 16 : index
        %get3A_773 = tpu.vector_load %arg6[%get3A_770, %get3A_771, %get3A_772] {strides = array<i32>} : memref<2x128x32xf32, #tpu.memory_space<vmem>>, vector<16xf32>,
        %scatter3A_774 = arith.constant 1 : i32
        %scatter3A_775 = arith.constant 0 : i32
        %scatter3A_776 = arith.constant 0 : i32
        %scatter3A_777 = tpu.memref_slice %arg7[%scatter3A_774, %scatter3A_775, %scatter3A_776] : memref<2x32x129xf32, #tpu.memory_space<vmem>> -> memref<1x32x129xf32, #tpu.memory_space<vmem>>
        %scatter3A_778 = tpu.memref_squeeze %scatter3A_777 : memref<1x32x129xf32, #tpu.memory_space<vmem>> -> memref<32x129xf32, #tpu.memory_space<vmem>>
        tpu.vector_store_idx %scatter3A_778[%add3A_5, %broadcast_in_dim3A_758], %get3A_773 : memref<32x129xf32, #tpu.memory_space<vmem>>[vector<16xi32>, vector<16xi32>], vector<16xf32>,
        %mul3A_779 = arith.constant 16 : i32
        %mul3A_780 = arith.muli %scan3A_406, %mul3A_779 : i32
        %add3A_781 = arith.constant 15 : i32
        %add3A_782 = arith.addi %mul3A_780, %add3A_781 : i32
        %broadcast_in_dim3A_783 = vector.broadcast %add3A_782 : i32 to vector<16xi32>
        %get3A_784 = arith.constant 1 : i32
        %get3A_785 = arith.index_cast %get3A_784 : i32 to index
        %get3A_786 = arith.index_cast %add3A_782 : i32 to index
        %get3A_787 = arith.constant 0 : index
        %get3A_788 = tpu.vector_load %arg6[%get3A_785, %get3A_786, %get3A_787] {strides = array<i32>} : memref<2x128x32xf32, #tpu.memory_space<vmem>>, vector<16xf32>,
        %scatter3A_789 = arith.constant 1 : i32
        %scatter3A_790 = arith.constant 0 : i32
        %scatter3A_791 = arith.constant 0 : i32
        %scatter3A_792 = tpu.memref_slice %arg7[%scatter3A_789, %scatter3A_790, %scatter3A_791] : memref<2x32x129xf32, #tpu.memory_space<vmem>> -> memref<1x32x129xf32, #tpu.memory_space<vmem>>
        %scatter3A_793 = tpu.memref_squeeze %scatter3A_792 : memref<1x32x129xf32, #tpu.memory_space<vmem>> -> memref<32x129xf32, #tpu.memory_space<vmem>>
        tpu.vector_store_idx %scatter3A_793[%iota3A, %broadcast_in_dim3A_783], %get3A_788 : memref<32x129xf32, #tpu.memory_space<vmem>>[vector<16xi32>, vector<16xi32>], vector<16xf32>,
        %get3A_794 = arith.constant 1 : i32
        %get3A_795 = arith.index_cast %get3A_794 : i32 to index
        %get3A_796 = arith.index_cast %add3A_782 : i32 to index
        %get3A_797 = arith.constant 16 : index
        %get3A_798 = tpu.vector_load %arg6[%get3A_795, %get3A_796, %get3A_797] {strides = array<i32>} : memref<2x128x32xf32, #tpu.memory_space<vmem>>, vector<16xf32>,
        %scatter3A_799 = arith.constant 1 : i32
        %scatter3A_800 = arith.constant 0 : i32
        %scatter3A_801 = arith.constant 0 : i32
        %scatter3A_802 = tpu.memref_slice %arg7[%scatter3A_799, %scatter3A_800, %scatter3A_801] : memref<2x32x129xf32, #tpu.memory_space<vmem>> -> memref<1x32x129xf32, #tpu.memory_space<vmem>>
        %scatter3A_803 = tpu.memref_squeeze %scatter3A_802 : memref<1x32x129xf32, #tpu.memory_space<vmem>> -> memref<32x129xf32, #tpu.memory_space<vmem>>
        tpu.vector_store_idx %scatter3A_803[%add3A_5, %broadcast_in_dim3A_783], %get3A_798 : memref<32x129xf32, #tpu.memory_space<vmem>>[vector<16xi32>, vector<16xi32>], vector<16xf32>,
      }
      %scan3A_326 = arith.constant 8 : i32
      %dma_start3A_327 = arith.constant 1 : i32
      %dma_start3A_328 = arith.constant 0 : i32
      %dma_start3A_329 = arith.constant 0 : i32
      %dma_start3A_330 = arith.constant 0 : i32
      %dma_start3A_331 = tpu.memref_slice %arg7[%dma_start3A_327, %dma_start3A_329, %dma_start3A_330] : memref<2x32x129xf32, #tpu.memory_space<vmem>> -> memref<1x8x128xf32, #tpu.memory_space<vmem>>
      %dma_start3A_332 = tpu.memref_squeeze %dma_start3A_331 : memref<1x8x128xf32, #tpu.memory_space<vmem>> -> memref<8x128xf32, #tpu.memory_space<vmem>>
      %dma_start3A_333 = arith.constant 0 : i32
      %dma_start3A_334 = arith.constant 0 : i32
      %dma_start3A_335 = tpu.memref_slice %arg4[%add3A_300, %dma_start3A_328, %add3A, %dma_start3A_333, %dma_start3A_334] : memref<200x4x32x8x128xf32, #tpu.memory_space<hbm>> -> memref<1x1x1x8x128xf32, #tpu.memory_space<hbm>>
      %dma_start3A_336 = tpu.memref_squeeze %dma_start3A_335 : memref<1x1x1x8x128xf32, #tpu.memory_space<hbm>> -> memref<8x128xf32, #tpu.memory_space<hbm>>
      %dma_start3A_337 = arith.constant 0 : i32
      %dma_start3A_338 = arith.constant 0 : i32
      %dma_start3A_339 = tpu.memref_slice %arg4[%add3A_300, %dma_start3A_328, %add3A, %dma_start3A_337, %dma_start3A_338] : memref<200x4x32x8x128xf32, #tpu.memory_space<hbm>> -> memref<1x1x1x8x128xf32, #tpu.memory_space<hbm>>
      %dma_start3A_340 = tpu.memref_squeeze %dma_start3A_339 : memref<1x1x1x8x128xf32, #tpu.memory_space<hbm>> -> memref<8x128xf32, #tpu.memory_space<hbm>>
      %dma_start3A_341 = arith.constant 0 : i32
      %dma_start3A_342 = arith.constant 0 : i32
      %dma_start3A_343 = tpu.memref_slice %arg7[%dma_start3A_327, %dma_start3A_341, %dma_start3A_342] : memref<2x32x129xf32, #tpu.memory_space<vmem>> -> memref<1x8x128xf32, #tpu.memory_space<vmem>>
      %dma_start3A_344 = tpu.memref_squeeze %dma_start3A_343 : memref<1x8x128xf32, #tpu.memory_space<vmem>> -> memref<8x128xf32, #tpu.memory_space<vmem>>
      tpu.enqueue_dma source(%dma_start3A_344 : memref<8x128xf32, #tpu.memory_space<vmem>>) target(%dma_start3A_340 : memref<8x128xf32, #tpu.memory_space<hbm>>) target_semaphore(%arg11 : memref<!tpu.dma_semaphore, #tpu.memory_space<semaphore_mem>>)
      %dma_start3A_345 = arith.constant 1 : i32
      %dma_start3A_346 = arith.constant 1 : i32
      %dma_start3A_347 = arith.constant 8 : i32
      %dma_start3A_348 = arith.constant 0 : i32
      %dma_start3A_349 = tpu.memref_slice %arg7[%dma_start3A_345, %dma_start3A_347, %dma_start3A_348] : memref<2x32x129xf32, #tpu.memory_space<vmem>> -> memref<1x8x128xf32, #tpu.memory_space<vmem>>
      %dma_start3A_350 = tpu.memref_squeeze %dma_start3A_349 : memref<1x8x128xf32, #tpu.memory_space<vmem>> -> memref<8x128xf32, #tpu.memory_space<vmem>>
      %dma_start3A_351 = arith.constant 0 : i32
      %dma_start3A_352 = arith.constant 0 : i32
      %dma_start3A_353 = tpu.memref_slice %arg4[%add3A_300, %dma_start3A_346, %add3A, %dma_start3A_351, %dma_start3A_352] : memref<200x4x32x8x128xf32, #tpu.memory_space<hbm>> -> memref<1x1x1x8x128xf32, #tpu.memory_space<hbm>>
      %dma_start3A_354 = tpu.memref_squeeze %dma_start3A_353 : memref<1x1x1x8x128xf32, #tpu.memory_space<hbm>> -> memref<8x128xf32, #tpu.memory_space<hbm>>
      %dma_start3A_355 = arith.constant 0 : i32
      %dma_start3A_356 = arith.constant 0 : i32
      %dma_start3A_357 = tpu.memref_slice %arg4[%add3A_300, %dma_start3A_346, %add3A, %dma_start3A_355, %dma_start3A_356] : memref<200x4x32x8x128xf32, #tpu.memory_space<hbm>> -> memref<1x1x1x8x128xf32, #tpu.memory_space<hbm>>
      %dma_start3A_358 = tpu.memref_squeeze %dma_start3A_357 : memref<1x1x1x8x128xf32, #tpu.memory_space<hbm>> -> memref<8x128xf32, #tpu.memory_space<hbm>>
      %dma_start3A_359 = arith.constant 8 : i32
      %dma_start3A_360 = arith.constant 0 : i32
      %dma_start3A_361 = tpu.memref_slice %arg7[%dma_start3A_345, %dma_start3A_359, %dma_start3A_360] : memref<2x32x129xf32, #tpu.memory_space<vmem>> -> memref<1x8x128xf32, #tpu.memory_space<vmem>>
      %dma_start3A_362 = tpu.memref_squeeze %dma_start3A_361 : memref<1x8x128xf32, #tpu.memory_space<vmem>> -> memref<8x128xf32, #tpu.memory_space<vmem>>
      tpu.enqueue_dma source(%dma_start3A_362 : memref<8x128xf32, #tpu.memory_space<vmem>>) target(%dma_start3A_358 : memref<8x128xf32, #tpu.memory_space<hbm>>) target_semaphore(%arg11 : memref<!tpu.dma_semaphore, #tpu.memory_space<semaphore_mem>>)
      %dma_start3A_363 = arith.constant 1 : i32
      %dma_start3A_364 = arith.constant 2 : i32
      %dma_start3A_365 = arith.constant 16 : i32
      %dma_start3A_366 = arith.constant 0 : i32
      %dma_start3A_367 = tpu.memref_slice %arg7[%dma_start3A_363, %dma_start3A_365, %dma_start3A_366] : memref<2x32x129xf32, #tpu.memory_space<vmem>> -> memref<1x8x128xf32, #tpu.memory_space<vmem>>
      %dma_start3A_368 = tpu.memref_squeeze %dma_start3A_367 : memref<1x8x128xf32, #tpu.memory_space<vmem>> -> memref<8x128xf32, #tpu.memory_space<vmem>>
      %dma_start3A_369 = arith.constant 0 : i32
      %dma_start3A_370 = arith.constant 0 : i32
      %dma_start3A_371 = tpu.memref_slice %arg4[%add3A_300, %dma_start3A_364, %add3A, %dma_start3A_369, %dma_start3A_370] : memref<200x4x32x8x128xf32, #tpu.memory_space<hbm>> -> memref<1x1x1x8x128xf32, #tpu.memory_space<hbm>>
      %dma_start3A_372 = tpu.memref_squeeze %dma_start3A_371 : memref<1x1x1x8x128xf32, #tpu.memory_space<hbm>> -> memref<8x128xf32, #tpu.memory_space<hbm>>
      %dma_start3A_373 = arith.constant 0 : i32
      %dma_start3A_374 = arith.constant 0 : i32
      %dma_start3A_375 = tpu.memref_slice %arg4[%add3A_300, %dma_start3A_364, %add3A, %dma_start3A_373, %dma_start3A_374] : memref<200x4x32x8x128xf32, #tpu.memory_space<hbm>> -> memref<1x1x1x8x128xf32, #tpu.memory_space<hbm>>
      %dma_start3A_376 = tpu.memref_squeeze %dma_start3A_375 : memref<1x1x1x8x128xf32, #tpu.memory_space<hbm>> -> memref<8x128xf32, #tpu.memory_space<hbm>>
      %dma_start3A_377 = arith.constant 16 : i32
      %dma_start3A_378 = arith.constant 0 : i32
      %dma_start3A_379 = tpu.memref_slice %arg7[%dma_start3A_363, %dma_start3A_377, %dma_start3A_378] : memref<2x32x129xf32, #tpu.memory_space<vmem>> -> memref<1x8x128xf32, #tpu.memory_space<vmem>>
      %dma_start3A_380 = tpu.memref_squeeze %dma_start3A_379 : memref<1x8x128xf32, #tpu.memory_space<vmem>> -> memref<8x128xf32, #tpu.memory_space<vmem>>
      tpu.enqueue_dma source(%dma_start3A_380 : memref<8x128xf32, #tpu.memory_space<vmem>>) target(%dma_start3A_376 : memref<8x128xf32, #tpu.memory_space<hbm>>) target_semaphore(%arg11 : memref<!tpu.dma_semaphore, #tpu.memory_space<semaphore_mem>>)
      %dma_start3A_381 = arith.constant 1 : i32
      %dma_start3A_382 = arith.constant 3 : i32
      %dma_start3A_383 = arith.constant 24 : i32
      %dma_start3A_384 = arith.constant 0 : i32
      %dma_start3A_385 = tpu.memref_slice %arg7[%dma_start3A_381, %dma_start3A_383, %dma_start3A_384] : memref<2x32x129xf32, #tpu.memory_space<vmem>> -> memref<1x8x128xf32, #tpu.memory_space<vmem>>
      %dma_start3A_386 = tpu.memref_squeeze %dma_start3A_385 : memref<1x8x128xf32, #tpu.memory_space<vmem>> -> memref<8x128xf32, #tpu.memory_space<vmem>>
      %dma_start3A_387 = arith.constant 0 : i32
      %dma_start3A_388 = arith.constant 0 : i32
      %dma_start3A_389 = tpu.memref_slice %arg4[%add3A_300, %dma_start3A_382, %add3A, %dma_start3A_387, %dma_start3A_388] : memref<200x4x32x8x128xf32, #tpu.memory_space<hbm>> -> memref<1x1x1x8x128xf32, #tpu.memory_space<hbm>>
      %dma_start3A_390 = tpu.memref_squeeze %dma_start3A_389 : memref<1x1x1x8x128xf32, #tpu.memory_space<hbm>> -> memref<8x128xf32, #tpu.memory_space<hbm>>
      %dma_start3A_391 = arith.constant 0 : i32
      %dma_start3A_392 = arith.constant 0 : i32
      %dma_start3A_393 = tpu.memref_slice %arg4[%add3A_300, %dma_start3A_382, %add3A, %dma_start3A_391, %dma_start3A_392] : memref<200x4x32x8x128xf32, #tpu.memory_space<hbm>> -> memref<1x1x1x8x128xf32, #tpu.memory_space<hbm>>
      %dma_start3A_394 = tpu.memref_squeeze %dma_start3A_393 : memref<1x1x1x8x128xf32, #tpu.memory_space<hbm>> -> memref<8x128xf32, #tpu.memory_space<hbm>>
      %dma_start3A_395 = arith.constant 24 : i32
      %dma_start3A_396 = arith.constant 0 : i32
      %dma_start3A_397 = tpu.memref_slice %arg7[%dma_start3A_381, %dma_start3A_395, %dma_start3A_396] : memref<2x32x129xf32, #tpu.memory_space<vmem>> -> memref<1x8x128xf32, #tpu.memory_space<vmem>>
      %dma_start3A_398 = tpu.memref_squeeze %dma_start3A_397 : memref<1x8x128xf32, #tpu.memory_space<vmem>> -> memref<8x128xf32, #tpu.memory_space<vmem>>
      tpu.enqueue_dma source(%dma_start3A_398 : memref<8x128xf32, #tpu.memory_space<vmem>>) target(%dma_start3A_394 : memref<8x128xf32, #tpu.memory_space<hbm>>) target_semaphore(%arg11 : memref<!tpu.dma_semaphore, #tpu.memory_space<semaphore_mem>>)
      %add3A_399 = arith.constant 2 : i32
      %add3A_400 = arith.addi %add3A_300, %add3A_399 : i32
      %lt3A_401 = arith.constant 200 : i32
      %lt3A_402 = arith.cmpi slt, %add3A_400, %lt3A_401 : i32
      %convert_element_type3A_403 = arith.extui %lt3A_402 : i1 to i32
      %cond3A_404 = arith.constant 0 : i32
      %cond3A_405 = arith.cmpi ne, %convert_element_type3A_403, %cond3A_404 : i32
      scf.if %cond3A_405 {
        %dma_start3A_406 = arith.constant 1 : i32
        %dma_start3A_407 = arith.constant 0 : i32
        %dma_start3A_408 = arith.constant 0 : i32
        %dma_start3A_409 = tpu.memref_slice %arg6[%dma_start3A_406, %dma_start3A_407, %dma_start3A_408] : memref<2x128x32xf32, #tpu.memory_space<vmem>> -> memref<1x128x32xf32, #tpu.memory_space<vmem>>
        %dma_start3A_410 = tpu.memref_squeeze %dma_start3A_409 : memref<1x128x32xf32, #tpu.memory_space<vmem>> -> memref<128x32xf32, #tpu.memory_space<vmem>>
        %dma_start3A_411 = arith.constant 0 : i32
        %dma_start3A_412 = tpu.memref_slice %arg5[%add3A_400, %dma_start3A_411] : memref<200x128xi32, #tpu.memory_space<vmem>> -> memref<1x128xi32, #tpu.memory_space<vmem>>
        %dma_start3A_413 = tpu.memref_squeeze %dma_start3A_412 : memref<1x128xi32, #tpu.memory_space<vmem>> -> memref<128xi32, #tpu.memory_space<vmem>>
        %dma_start3A_414 = arith.constant 0 : i32
        %dma_start3A_415 = arith.constant 0 : i32
        %dma_start3A_416 = tpu.memref_slice %arg2[%dma_start3A_414, %dma_start3A_415] : memref<1000001x32xf32, #tpu.memory_space<hbm>> -> memref<1000001x32xf32, #tpu.memory_space<hbm>>
        tpu.enqueue_indirect_dma source(%dma_start3A_416 : memref<1000001x32xf32, #tpu.memory_space<hbm>>) target(%dma_start3A_410 : memref<128x32xf32, #tpu.memory_space<vmem>>) offsets(%dma_start3A_413 : memref<128xi32, #tpu.memory_space<vmem>>) semaphore(%arg9 : memref<!tpu.dma_semaphore, #tpu.memory_space<semaphore_mem>>)
      } else {
      }
    }
    %scan3A_33 = arith.constant 100 : i32
    %dma_wait3A = arith.constant 0 : i32
    %dma_wait3A_34 = arith.constant 0 : i32
    %dma_wait3A_35 = arith.constant 0 : i32
    %dma_wait3A_36 = arith.constant 0 : i32
    %dma_wait3A_37 = arith.constant 0 : i32
    %dma_wait3A_38 = arith.constant 0 : i32
    %dma_wait3A_39 = tpu.memref_slice %arg7[%dma_wait3A, %dma_wait3A_37, %dma_wait3A_38] : memref<2x32x129xf32, #tpu.memory_space<vmem>> -> memref<1x8x128xf32, #tpu.memory_space<vmem>>
    %dma_wait3A_40 = tpu.memref_squeeze %dma_wait3A_39 : memref<1x8x128xf32, #tpu.memory_space<vmem>> -> memref<8x128xf32, #tpu.memory_space<vmem>>
    %dma_wait3A_41 = arith.constant 0 : i32
    %dma_wait3A_42 = arith.constant 0 : i32
    %dma_wait3A_43 = tpu.memref_slice %arg4[%dma_wait3A_34, %dma_wait3A_35, %dma_wait3A_36, %dma_wait3A_41, %dma_wait3A_42] : memref<200x4x32x8x128xf32, #tpu.memory_space<hbm>> -> memref<1x1x1x8x128xf32, #tpu.memory_space<hbm>>
    %dma_wait3A_44 = tpu.memref_squeeze %dma_wait3A_43 : memref<1x1x1x8x128xf32, #tpu.memory_space<hbm>> -> memref<8x128xf32, #tpu.memory_space<hbm>>
    %dma_wait3A_45 = arith.constant 0 : i32
    %dma_wait3A_46 = arith.constant 0 : i32
    %dma_wait3A_47 = tpu.memref_slice %arg4[%dma_wait3A_34, %dma_wait3A_35, %dma_wait3A_36, %dma_wait3A_45, %dma_wait3A_46] : memref<200x4x32x8x128xf32, #tpu.memory_space<hbm>> -> memref<1x1x1x8x128xf32, #tpu.memory_space<hbm>>
    %dma_wait3A_48 = tpu.memref_squeeze %dma_wait3A_47 : memref<1x1x1x8x128xf32, #tpu.memory_space<hbm>> -> memref<8x128xf32, #tpu.memory_space<hbm>>
    %dma_wait3A_49 = arith.constant 0 : i32
    %dma_wait3A_50 = arith.constant 0 : i32
    %dma_wait3A_51 = tpu.memref_slice %arg7[%dma_wait3A, %dma_wait3A_49, %dma_wait3A_50] : memref<2x32x129xf32, #tpu.memory_space<vmem>> -> memref<1x8x128xf32, #tpu.memory_space<vmem>>
    %dma_wait3A_52 = tpu.memref_squeeze %dma_wait3A_51 : memref<1x8x128xf32, #tpu.memory_space<vmem>> -> memref<8x128xf32, #tpu.memory_space<vmem>>
    tpu.wait_dma2 semaphore(%arg10 : memref<!tpu.dma_semaphore, #tpu.memory_space<semaphore_mem>>) src(%dma_wait3A_52 : memref<8x128xf32, #tpu.memory_space<vmem>>) dst(%dma_wait3A_48 : memref<8x128xf32, #tpu.memory_space<hbm>>)
    %dma_wait3A_53 = arith.constant 0 : i32
    %dma_wait3A_54 = arith.constant 0 : i32
    %dma_wait3A_55 = arith.constant 1 : i32
    %dma_wait3A_56 = arith.constant 0 : i32
    %dma_wait3A_57 = arith.constant 0 : i32
    %dma_wait3A_58 = arith.constant 0 : i32
    %dma_wait3A_59 = tpu.memref_slice %arg7[%dma_wait3A_53, %dma_wait3A_57, %dma_wait3A_58] : memref<2x32x129xf32, #tpu.memory_space<vmem>> -> memref<1x8x128xf32, #tpu.memory_space<vmem>>
    %dma_wait3A_60 = tpu.memref_squeeze %dma_wait3A_59 : memref<1x8x128xf32, #tpu.memory_space<vmem>> -> memref<8x128xf32, #tpu.memory_space<vmem>>
    %dma_wait3A_61 = arith.constant 0 : i32
    %dma_wait3A_62 = arith.constant 0 : i32
    %dma_wait3A_63 = tpu.memref_slice %arg4[%dma_wait3A_54, %dma_wait3A_55, %dma_wait3A_56, %dma_wait3A_61, %dma_wait3A_62] : memref<200x4x32x8x128xf32, #tpu.memory_space<hbm>> -> memref<1x1x1x8x128xf32, #tpu.memory_space<hbm>>
    %dma_wait3A_64 = tpu.memref_squeeze %dma_wait3A_63 : memref<1x1x1x8x128xf32, #tpu.memory_space<hbm>> -> memref<8x128xf32, #tpu.memory_space<hbm>>
    %dma_wait3A_65 = arith.constant 0 : i32
    %dma_wait3A_66 = arith.constant 0 : i32
    %dma_wait3A_67 = tpu.memref_slice %arg4[%dma_wait3A_54, %dma_wait3A_55, %dma_wait3A_56, %dma_wait3A_65, %dma_wait3A_66] : memref<200x4x32x8x128xf32, #tpu.memory_space<hbm>> -> memref<1x1x1x8x128xf32, #tpu.memory_space<hbm>>
    %dma_wait3A_68 = tpu.memref_squeeze %dma_wait3A_67 : memref<1x1x1x8x128xf32, #tpu.memory_space<hbm>> -> memref<8x128xf32, #tpu.memory_space<hbm>>
    %dma_wait3A_69 = arith.constant 0 : i32
    %dma_wait3A_70 = arith.constant 0 : i32
    %dma_wait3A_71 = tpu.memref_slice %arg7[%dma_wait3A_53, %dma_wait3A_69, %dma_wait3A_70] : memref<2x32x129xf32, #tpu.memory_space<vmem>> -> memref<1x8x128xf32, #tpu.memory_space<vmem>>
    %dma_wait3A_72 = tpu.memref_squeeze %dma_wait3A_71 : memref<1x8x128xf32, #tpu.memory_space<vmem>> -> memref<8x128xf32, #tpu.memory_space<vmem>>
    tpu.wait_dma2 semaphore(%arg10 : memref<!tpu.dma_semaphore, #tpu.memory_space<semaphore_mem>>) src(%dma_wait3A_72 : memref<8x128xf32, #tpu.memory_space<vmem>>) dst(%dma_wait3A_68 : memref<8x128xf32, #tpu.memory_space<hbm>>)
    %dma_wait3A_73 = arith.constant 0 : i32
    %dma_wait3A_74 = arith.constant 0 : i32
    %dma_wait3A_75 = arith.constant 2 : i32
    %dma_wait3A_76 = arith.constant 0 : i32
    %dma_wait3A_77 = arith.constant 0 : i32
    %dma_wait3A_78 = arith.constant 0 : i32
    %dma_wait3A_79 = tpu.memref_slice %arg7[%dma_wait3A_73, %dma_wait3A_77, %dma_wait3A_78] : memref<2x32x129xf32, #tpu.memory_space<vmem>> -> memref<1x8x128xf32, #tpu.memory_space<vmem>>
    %dma_wait3A_80 = tpu.memref_squeeze %dma_wait3A_79 : memref<1x8x128xf32, #tpu.memory_space<vmem>> -> memref<8x128xf32, #tpu.memory_space<vmem>>
    %dma_wait3A_81 = arith.constant 0 : i32
    %dma_wait3A_82 = arith.constant 0 : i32
    %dma_wait3A_83 = tpu.memref_slice %arg4[%dma_wait3A_74, %dma_wait3A_75, %dma_wait3A_76, %dma_wait3A_81, %dma_wait3A_82] : memref<200x4x32x8x128xf32, #tpu.memory_space<hbm>> -> memref<1x1x1x8x128xf32, #tpu.memory_space<hbm>>
    %dma_wait3A_84 = tpu.memref_squeeze %dma_wait3A_83 : memref<1x1x1x8x128xf32, #tpu.memory_space<hbm>> -> memref<8x128xf32, #tpu.memory_space<hbm>>
    %dma_wait3A_85 = arith.constant 0 : i32
    %dma_wait3A_86 = arith.constant 0 : i32
    %dma_wait3A_87 = tpu.memref_slice %arg4[%dma_wait3A_74, %dma_wait3A_75, %dma_wait3A_76, %dma_wait3A_85, %dma_wait3A_86] : memref<200x4x32x8x128xf32, #tpu.memory_space<hbm>> -> memref<1x1x1x8x128xf32, #tpu.memory_space<hbm>>
    %dma_wait3A_88 = tpu.memref_squeeze %dma_wait3A_87 : memref<1x1x1x8x128xf32, #tpu.memory_space<hbm>> -> memref<8x128xf32, #tpu.memory_space<hbm>>
    %dma_wait3A_89 = arith.constant 0 : i32
    %dma_wait3A_90 = arith.constant 0 : i32
    %dma_wait3A_91 = tpu.memref_slice %arg7[%dma_wait3A_73, %dma_wait3A_89, %dma_wait3A_90] : memref<2x32x129xf32, #tpu.memory_space<vmem>> -> memref<1x8x128xf32, #tpu.memory_space<vmem>>
    %dma_wait3A_92 = tpu.memref_squeeze %dma_wait3A_91 : memref<1x8x128xf32, #tpu.memory_space<vmem>> -> memref<8x128xf32, #tpu.memory_space<vmem>>
    tpu.wait_dma2 semaphore(%arg10 : memref<!tpu.dma_semaphore, #tpu.memory_space<semaphore_mem>>) src(%dma_wait3A_92 : memref<8x128xf32, #tpu.memory_space<vmem>>) dst(%dma_wait3A_88 : memref<8x128xf32, #tpu.memory_space<hbm>>)
    %dma_wait3A_93 = arith.constant 0 : i32
    %dma_wait3A_94 = arith.constant 0 : i32
    %dma_wait3A_95 = arith.constant 3 : i32
    %dma_wait3A_96 = arith.constant 0 : i32
    %dma_wait3A_97 = arith.constant 0 : i32
    %dma_wait3A_98 = arith.constant 0 : i32
    %dma_wait3A_99 = tpu.memref_slice %arg7[%dma_wait3A_93, %dma_wait3A_97, %dma_wait3A_98] : memref<2x32x129xf32, #tpu.memory_space<vmem>> -> memref<1x8x128xf32, #tpu.memory_space<vmem>>
    %dma_wait3A_100 = tpu.memref_squeeze %dma_wait3A_99 : memref<1x8x128xf32, #tpu.memory_space<vmem>> -> memref<8x128xf32, #tpu.memory_space<vmem>>
    %dma_wait3A_101 = arith.constant 0 : i32
    %dma_wait3A_102 = arith.constant 0 : i32
    %dma_wait3A_103 = tpu.memref_slice %arg4[%dma_wait3A_94, %dma_wait3A_95, %dma_wait3A_96, %dma_wait3A_101, %dma_wait3A_102] : memref<200x4x32x8x128xf32, #tpu.memory_space<hbm>> -> memref<1x1x1x8x128xf32, #tpu.memory_space<hbm>>
    %dma_wait3A_104 = tpu.memref_squeeze %dma_wait3A_103 : memref<1x1x1x8x128xf32, #tpu.memory_space<hbm>> -> memref<8x128xf32, #tpu.memory_space<hbm>>
    %dma_wait3A_105 = arith.constant 0 : i32
    %dma_wait3A_106 = arith.constant 0 : i32
    %dma_wait3A_107 = tpu.memref_slice %arg4[%dma_wait3A_94, %dma_wait3A_95, %dma_wait3A_96, %dma_wait3A_105, %dma_wait3A_106] : memref<200x4x32x8x128xf32, #tpu.memory_space<hbm>> -> memref<1x1x1x8x128xf32, #tpu.memory_space<hbm>>
    %dma_wait3A_108 = tpu.memref_squeeze %dma_wait3A_107 : memref<1x1x1x8x128xf32, #tpu.memory_space<hbm>> -> memref<8x128xf32, #tpu.memory_space<hbm>>
    %dma_wait3A_109 = arith.constant 0 : i32
    %dma_wait3A_110 = arith.constant 0 : i32
    %dma_wait3A_111 = tpu.memref_slice %arg7[%dma_wait3A_93, %dma_wait3A_109, %dma_wait3A_110] : memref<2x32x129xf32, #tpu.memory_space<vmem>> -> memref<1x8x128xf32, #tpu.memory_space<vmem>>
    %dma_wait3A_112 = tpu.memref_squeeze %dma_wait3A_111 : memref<1x8x128xf32, #tpu.memory_space<vmem>> -> memref<8x128xf32, #tpu.memory_space<vmem>>
    tpu.wait_dma2 semaphore(%arg10 : memref<!tpu.dma_semaphore, #tpu.memory_space<semaphore_mem>>) src(%dma_wait3A_112 : memref<8x128xf32, #tpu.memory_space<vmem>>) dst(%dma_wait3A_108 : memref<8x128xf32, #tpu.memory_space<hbm>>)
    %dma_wait3A_113 = arith.constant 1 : i32
    %dma_wait3A_114 = arith.constant 0 : i32
    %dma_wait3A_115 = arith.constant 0 : i32
    %dma_wait3A_116 = arith.constant 0 : i32
    %dma_wait3A_117 = arith.constant 0 : i32
    %dma_wait3A_118 = arith.constant 0 : i32
    %dma_wait3A_119 = tpu.memref_slice %arg7[%dma_wait3A_113, %dma_wait3A_117, %dma_wait3A_118] : memref<2x32x129xf32, #tpu.memory_space<vmem>> -> memref<1x8x128xf32, #tpu.memory_space<vmem>>
    %dma_wait3A_120 = tpu.memref_squeeze %dma_wait3A_119 : memref<1x8x128xf32, #tpu.memory_space<vmem>> -> memref<8x128xf32, #tpu.memory_space<vmem>>
    %dma_wait3A_121 = arith.constant 0 : i32
    %dma_wait3A_122 = arith.constant 0 : i32
    %dma_wait3A_123 = tpu.memref_slice %arg4[%dma_wait3A_114, %dma_wait3A_115, %dma_wait3A_116, %dma_wait3A_121, %dma_wait3A_122] : memref<200x4x32x8x128xf32, #tpu.memory_space<hbm>> -> memref<1x1x1x8x128xf32, #tpu.memory_space<hbm>>
    %dma_wait3A_124 = tpu.memref_squeeze %dma_wait3A_123 : memref<1x1x1x8x128xf32, #tpu.memory_space<hbm>> -> memref<8x128xf32, #tpu.memory_space<hbm>>
    %dma_wait3A_125 = arith.constant 0 : i32
    %dma_wait3A_126 = arith.constant 0 : i32
    %dma_wait3A_127 = tpu.memref_slice %arg4[%dma_wait3A_114, %dma_wait3A_115, %dma_wait3A_116, %dma_wait3A_125, %dma_wait3A_126] : memref<200x4x32x8x128xf32, #tpu.memory_space<hbm>> -> memref<1x1x1x8x128xf32, #tpu.memory_space<hbm>>
    %dma_wait3A_128 = tpu.memref_squeeze %dma_wait3A_127 : memref<1x1x1x8x128xf32, #tpu.memory_space<hbm>> -> memref<8x128xf32, #tpu.memory_space<hbm>>
    %dma_wait3A_129 = arith.constant 0 : i32
    %dma_wait3A_130 = arith.constant 0 : i32
    %dma_wait3A_131 = tpu.memref_slice %arg7[%dma_wait3A_113, %dma_wait3A_129, %dma_wait3A_130] : memref<2x32x129xf32, #tpu.memory_space<vmem>> -> memref<1x8x128xf32, #tpu.memory_space<vmem>>
    %dma_wait3A_132 = tpu.memref_squeeze %dma_wait3A_131 : memref<1x8x128xf32, #tpu.memory_space<vmem>> -> memref<8x128xf32, #tpu.memory_space<vmem>>
    tpu.wait_dma2 semaphore(%arg11 : memref<!tpu.dma_semaphore, #tpu.memory_space<semaphore_mem>>) src(%dma_wait3A_132 : memref<8x128xf32, #tpu.memory_space<vmem>>) dst(%dma_wait3A_128 : memref<8x128xf32, #tpu.memory_space<hbm>>)
    %dma_wait3A_133 = arith.constant 1 : i32
    %dma_wait3A_134 = arith.constant 0 : i32
    %dma_wait3A_135 = arith.constant 1 : i32
    %dma_wait3A_136 = arith.constant 0 : i32
    %dma_wait3A_137 = arith.constant 0 : i32
    %dma_wait3A_138 = arith.constant 0 : i32
    %dma_wait3A_139 = tpu.memref_slice %arg7[%dma_wait3A_133, %dma_wait3A_137, %dma_wait3A_138] : memref<2x32x129xf32, #tpu.memory_space<vmem>> -> memref<1x8x128xf32, #tpu.memory_space<vmem>>
    %dma_wait3A_140 = tpu.memref_squeeze %dma_wait3A_139 : memref<1x8x128xf32, #tpu.memory_space<vmem>> -> memref<8x128xf32, #tpu.memory_space<vmem>>
    %dma_wait3A_141 = arith.constant 0 : i32
    %dma_wait3A_142 = arith.constant 0 : i32
    %dma_wait3A_143 = tpu.memref_slice %arg4[%dma_wait3A_134, %dma_wait3A_135, %dma_wait3A_136, %dma_wait3A_141, %dma_wait3A_142] : memref<200x4x32x8x128xf32, #tpu.memory_space<hbm>> -> memref<1x1x1x8x128xf32, #tpu.memory_space<hbm>>
    %dma_wait3A_144 = tpu.memref_squeeze %dma_wait3A_143 : memref<1x1x1x8x128xf32, #tpu.memory_space<hbm>> -> memref<8x128xf32, #tpu.memory_space<hbm>>
    %dma_wait3A_145 = arith.constant 0 : i32
    %dma_wait3A_146 = arith.constant 0 : i32
    %dma_wait3A_147 = tpu.memref_slice %arg4[%dma_wait3A_134, %dma_wait3A_135, %dma_wait3A_136, %dma_wait3A_145, %dma_wait3A_146] : memref<200x4x32x8x128xf32, #tpu.memory_space<hbm>> -> memref<1x1x1x8x128xf32, #tpu.memory_space<hbm>>
    %dma_wait3A_148 = tpu.memref_squeeze %dma_wait3A_147 : memref<1x1x1x8x128xf32, #tpu.memory_space<hbm>> -> memref<8x128xf32, #tpu.memory_space<hbm>>
    %dma_wait3A_149 = arith.constant 0 : i32
    %dma_wait3A_150 = arith.constant 0 : i32
    %dma_wait3A_151 = tpu.memref_slice %arg7[%dma_wait3A_133, %dma_wait3A_149, %dma_wait3A_150] : memref<2x32x129xf32, #tpu.memory_space<vmem>> -> memref<1x8x128xf32, #tpu.memory_space<vmem>>
    %dma_wait3A_152 = tpu.memref_squeeze %dma_wait3A_151 : memref<1x8x128xf32, #tpu.memory_space<vmem>> -> memref<8x128xf32, #tpu.memory_space<vmem>>
    tpu.wait_dma2 semaphore(%arg11 : memref<!tpu.dma_semaphore, #tpu.memory_space<semaphore_mem>>) src(%dma_wait3A_152 : memref<8x128xf32, #tpu.memory_space<vmem>>) dst(%dma_wait3A_148 : memref<8x128xf32, #tpu.memory_space<hbm>>)
    %dma_wait3A_153 = arith.constant 1 : i32
    %dma_wait3A_154 = arith.constant 0 : i32
    %dma_wait3A_155 = arith.constant 2 : i32
    %dma_wait3A_156 = arith.constant 0 : i32
    %dma_wait3A_157 = arith.constant 0 : i32
    %dma_wait3A_158 = arith.constant 0 : i32
    %dma_wait3A_159 = tpu.memref_slice %arg7[%dma_wait3A_153, %dma_wait3A_157, %dma_wait3A_158] : memref<2x32x129xf32, #tpu.memory_space<vmem>> -> memref<1x8x128xf32, #tpu.memory_space<vmem>>
    %dma_wait3A_160 = tpu.memref_squeeze %dma_wait3A_159 : memref<1x8x128xf32, #tpu.memory_space<vmem>> -> memref<8x128xf32, #tpu.memory_space<vmem>>
    %dma_wait3A_161 = arith.constant 0 : i32
    %dma_wait3A_162 = arith.constant 0 : i32
    %dma_wait3A_163 = tpu.memref_slice %arg4[%dma_wait3A_154, %dma_wait3A_155, %dma_wait3A_156, %dma_wait3A_161, %dma_wait3A_162] : memref<200x4x32x8x128xf32, #tpu.memory_space<hbm>> -> memref<1x1x1x8x128xf32, #tpu.memory_space<hbm>>
    %dma_wait3A_164 = tpu.memref_squeeze %dma_wait3A_163 : memref<1x1x1x8x128xf32, #tpu.memory_space<hbm>> -> memref<8x128xf32, #tpu.memory_space<hbm>>
    %dma_wait3A_165 = arith.constant 0 : i32
    %dma_wait3A_166 = arith.constant 0 : i32
    %dma_wait3A_167 = tpu.memref_slice %arg4[%dma_wait3A_154, %dma_wait3A_155, %dma_wait3A_156, %dma_wait3A_165, %dma_wait3A_166] : memref<200x4x32x8x128xf32, #tpu.memory_space<hbm>> -> memref<1x1x1x8x128xf32, #tpu.memory_space<hbm>>
    %dma_wait3A_168 = tpu.memref_squeeze %dma_wait3A_167 : memref<1x1x1x8x128xf32, #tpu.memory_space<hbm>> -> memref<8x128xf32, #tpu.memory_space<hbm>>
    %dma_wait3A_169 = arith.constant 0 : i32
    %dma_wait3A_170 = arith.constant 0 : i32
    %dma_wait3A_171 = tpu.memref_slice %arg7[%dma_wait3A_153, %dma_wait3A_169, %dma_wait3A_170] : memref<2x32x129xf32, #tpu.memory_space<vmem>> -> memref<1x8x128xf32, #tpu.memory_space<vmem>>
    %dma_wait3A_172 = tpu.memref_squeeze %dma_wait3A_171 : memref<1x8x128xf32, #tpu.memory_space<vmem>> -> memref<8x128xf32, #tpu.memory_space<vmem>>
    tpu.wait_dma2 semaphore(%arg11 : memref<!tpu.dma_semaphore, #tpu.memory_space<semaphore_mem>>) src(%dma_wait3A_172 : memref<8x128xf32, #tpu.memory_space<vmem>>) dst(%dma_wait3A_168 : memref<8x128xf32, #tpu.memory_space<hbm>>)
    %dma_wait3A_173 = arith.constant 1 : i32
    %dma_wait3A_174 = arith.constant 0 : i32
    %dma_wait3A_175 = arith.constant 3 : i32
    %dma_wait3A_176 = arith.constant 0 : i32
    %dma_wait3A_177 = arith.constant 0 : i32
    %dma_wait3A_178 = arith.constant 0 : i32
    %dma_wait3A_179 = tpu.memref_slice %arg7[%dma_wait3A_173, %dma_wait3A_177, %dma_wait3A_178] : memref<2x32x129xf32, #tpu.memory_space<vmem>> -> memref<1x8x128xf32, #tpu.memory_space<vmem>>
    %dma_wait3A_180 = tpu.memref_squeeze %dma_wait3A_179 : memref<1x8x128xf32, #tpu.memory_space<vmem>> -> memref<8x128xf32, #tpu.memory_space<vmem>>
    %dma_wait3A_181 = arith.constant 0 : i32
    %dma_wait3A_182 = arith.constant 0 : i32
    %dma_wait3A_183 = tpu.memref_slice %arg4[%dma_wait3A_174, %dma_wait3A_175, %dma_wait3A_176, %dma_wait3A_181, %dma_wait3A_182] : memref<200x4x32x8x128xf32, #tpu.memory_space<hbm>> -> memref<1x1x1x8x128xf32, #tpu.memory_space<hbm>>
    %dma_wait3A_184 = tpu.memref_squeeze %dma_wait3A_183 : memref<1x1x1x8x128xf32, #tpu.memory_space<hbm>> -> memref<8x128xf32, #tpu.memory_space<hbm>>
    %dma_wait3A_185 = arith.constant 0 : i32
    %dma_wait3A_186 = arith.constant 0 : i32
    %dma_wait3A_187 = tpu.memref_slice %arg4[%dma_wait3A_174, %dma_wait3A_175, %dma_wait3A_176, %dma_wait3A_185, %dma_wait3A_186] : memref<200x4x32x8x128xf32, #tpu.memory_space<hbm>> -> memref<1x1x1x8x128xf32, #tpu.memory_space<hbm>>
    %dma_wait3A_188 = tpu.memref_squeeze %dma_wait3A_187 : memref<1x1x1x8x128xf32, #tpu.memory_space<hbm>> -> memref<8x128xf32, #tpu.memory_space<hbm>>
    %dma_wait3A_189 = arith.constant 0 : i32
    %dma_wait3A_190 = arith.constant 0 : i32
    %dma_wait3A_191 = tpu.memref_slice %arg7[%dma_wait3A_173, %dma_wait3A_189, %dma_wait3A_190] : memref<2x32x129xf32, #tpu.memory_space<vmem>> -> memref<1x8x128xf32, #tpu.memory_space<vmem>>
    %dma_wait3A_192 = tpu.memref_squeeze %dma_wait3A_191 : memref<1x8x128xf32, #tpu.memory_space<vmem>> -> memref<8x128xf32, #tpu.memory_space<vmem>>
    tpu.wait_dma2 semaphore(%arg11 : memref<!tpu.dma_semaphore, #tpu.memory_space<semaphore_mem>>) src(%dma_wait3A_192 : memref<8x128xf32, #tpu.memory_space<vmem>>) dst(%dma_wait3A_188 : memref<8x128xf32, #tpu.memory_space<hbm>>)
    return
  }
}

</mosaic_0001>

<sc_bundles>
// kernel: kernel.3.cloned.1.call-start
scs
__scs_entry_jumppad:
0x0: {  	(pc) =	sbr.rel $0x88, $3  }
0x1: {  	(tag) =	ssettag $0x0;
	lr =	simm.s32 $0x1  }
0x2: {  	[smem:$0x3F9F] =	sst lr;
	_ =	strace $0xD0000000  }
0x3: {  	_ = 	snop  }
0x4: {  	_ = 	snop  }
0x5: {  	_ = 	snop  }
0x6: {  	_ = 	snop  }
0x7: {  	_ = 	snop  }
__scs_overlays_trampoline_lowered:
0x8: {  	[smem:$0x3FAE] =	sst s0  }
0x9: {  	[smem:$0x3FAF] =	sst s1  }
0xa: {  	[smem:$0x3FB0] =	sst s2  }
0xb: {  	[smem:$0x3FB1] =	sst s3  }
0xc: {  	[smem:$0x3FB2] =	sst s4  }
0xd: {  	[smem:$0x3FB3] =	sst s5  }
0xe: {  	[smem:$0x3FB4] =	sst s6  }
0xf: {  	[smem:$0x3FB5] =	sst s7  }
0x10: {  	[smem:$0x3FB6] =	sst s8  }
0x11: {  	[smem:$0x3FB7] =	sst s9;
	s0 =	simm.s32 @!p0 $0x0  }
0x12: {  	s1 =	sld [smem:$0x3F9D];
	s0 =	simm.s32 @p0 $0x1  }
0x13: {  	[smem:$0x3FB8] =	sst s0;
	s0 =	simm.s32 @!p1 $0x0  }
0x14: {  	s2 =	sld [smem:$0x3F9C];
	s0 =	simm.s32 @p1 $0x1  }
0x15: {  	[smem:$0x3FB9] =	sst s0;
	s0 =	simm.s32 @!p2 $0x0  }
0x16: {  	s3 =	sld [smem:$0x3FDB];
	s0 =	simm.s32 @p2 $0x1  }
0x17: {  	s4 =	simm.s32 $0x1BF5;
	[smem:$0x3FBB] =	sst s0  }
0x18: {  	s0 =	sld [smem:$0x3F9E];
	_ =	swait.ge [sflag:s4], $0x0  }
0x19: {  	s7 =	sld [smem:$0x3F9F]  }
0x1a: {  	s8 =	sadd.s32 $0xFFFFE003, lr  }
0x1b: {  	s9 =	sadd.s32 $0xFFFFFEF7, lr;
	s5 =	simm.s32 $0xFFFFFFFF;
	p2 =	slt.u32 s8, $0xFFFFF086  }
0x1c: {  	p1 =	slt.u32 s9, $0xF7A;
	s5 =	simm.s32 @!p2 $0x0  }
0x1d: {  	s5 =	simm.s32 @p1 $0x1;
	p0 =	seq.s32 s7, s2  }
0x1e: {  	s7 =	smul.u32 @!p0 $0xF7A, s2;
	p2 =	seq.s32 @!p0 s5, $0x0  }
0x1f: {  	s9 =	smul.u32 $0xF7A, s1;
	s8 =	simm.s32 @!p0 $0x1BF5;
	p2 =	por !p2, p0  }
0x20: {  	[sflag:s8] =	ssyncset.s32 @!p0 $0xFFFFF086;
	s6 =	sadd.s32 @!p0 s3, s7;
	s7 =	simm.s32 @!p0 $0x108  }
0x21: {  	s3 =	sadd.s32 s3, s9;
	s6 =	sadd.s32 @!p0 $0x88, s6;
	s7 =	simm.s32 @p2 $0x1082  }
0x22: {  	[simem:s7], [sflag:s8] =	dma.local @!p0 [hbm:s6], $0xF7A  }
0x23: {  	s9 =	sor.u32 $0xD0000000, s2;
	s6 =	simm.s32 $0x108;
	_ =	swait.ge @!p0 [sflag:s8], $0x0  }
0x24: {  	s3 =	sadd.s32 $0x88, s3;
	s6 =	simm.s32 @!p1 $0x1082;
	[sflag:s4] =	ssyncset.s32 $0xFFFFF086  }
0x25: {  	[simem:s6], [sflag:s4] =	dma.local [hbm:s3], $0xF7A  }
0x26: {  	[smem:$0x3F9F] =	sst s1;
	(tag) =	ssettag s2;
	_ =	strace s9  }
0x27: {  	s1 =	sld [smem:$0x3FAF]  }
0x28: {  	s2 =	sld [smem:$0x3FB0]  }
0x29: {  	s4 =	sld [smem:$0x3FB2]  }
0x2a: {  	p0 =	seq.s32 s5, $0x0;
	s5 =	sld [smem:$0x3FB3]  }
0x2b: {  	s6 =	sld [smem:$0x3FB4]  }
0x2c: {  	s7 =	sld [smem:$0x3FB5]  }
0x2d: {  	s3 =	simm.s32 $0x108;
	s8 =	sld [smem:$0x3FB6]  }
0x2e: {  	s3 =	simm.s32 @!p0 $0x1082;
	s9 =	sld [smem:$0x3FB7]  }
0x2f: {  	lr =	sadd.s32 s0, s3;
	s0 =	sld [smem:$0x3FAE]  }
0x30: {  	s3 =	sld [smem:$0x3FB1]  }
0x31: {  	[smem:$0x3FBA] =	sst s10  }
0x32: {  	s10 =	sld [smem:$0x3FB8];
	_ =	sdelay $0x3  }
0x33: {  	p0 =	seq.s32 s10, $0x1;
	s10 =	sld [smem:$0x3FBA];
	_ =	sdelay $0x3  }
0x34: {  	[smem:$0x3FBA] =	sst s10  }
0x35: {  	s10 =	sld [smem:$0x3FB9];
	_ =	sdelay $0x3  }
0x36: {  	p1 =	seq.s32 s10, $0x1;
	s10 =	sld [smem:$0x3FBA];
	_ =	sdelay $0x3  }
0x37: {  	[smem:$0x3FBA] =	sst s10  }
0x38: {  	s10 =	sld [smem:$0x3FBB]  }
0x39: {  	_ = 	snop;
	(pc) =	sbr.ind lr, $3  }
0x3a: {  	_ = 	snop  }
0x3b: {  	_ = 	snop  }
0x3c: {  	p2 =	seq.s32 s10, $0x1;
	s10 =	sld [smem:$0x3FBA]  }
0x3d: {  	_ =	shalt  }
0x3e: {  	_ =	shalt  }
0x3f: {  	_ =	shalt  }
0x40: {  	_ =	shalt  }
0x41: {  	_ =	shalt  }
0x42: {  	_ =	shalt  }
0x43: {  	_ =	shalt  }
0x44: {  	_ =	shalt  }
0x45: {  	_ =	shalt  }
0x46: {  	_ =	shalt  }
0x47: {  	_ =	shalt  }
0x48: {  	_ =	shalt  }
0x49: {  	_ =	shalt  }
0x4a: {  	_ =	shalt  }
0x4b: {  	_ =	shalt  }
0x4c: {  	_ =	shalt  }
0x4d: {  	_ =	shalt  }
0x4e: {  	_ =	shalt  }
0x4f: {  	_ =	shalt  }
0x50: {  	_ =	shalt  }
0x51: {  	_ =	shalt  }
0x52: {  	_ =	shalt  }
0x53: {  	_ =	shalt  }
0x54: {  	_ =	shalt  }
0x55: {  	_ =	shalt  }
0x56: {  	_ =	shalt  }
0x57: {  	_ =	shalt  }
0x58: {  	_ =	shalt  }
0x59: {  	_ =	shalt  }
0x5a: {  	_ =	shalt  }
0x5b: {  	_ =	shalt  }
0x5c: {  	_ =	shalt  }
0x5d: {  	_ =	shalt  }
0x5e: {  	_ =	shalt  }
0x5f: {  	_ =	shalt  }
0x60: {  	_ =	shalt  }
0x61: {  	_ =	shalt  }
0x62: {  	_ =	shalt  }
0x63: {  	_ =	shalt  }
0x64: {  	_ =	shalt  }
0x65: {  	_ =	shalt  }
0x66: {  	_ =	shalt  }
0x67: {  	_ =	shalt  }
0x68: {  	_ =	shalt  }
0x69: {  	_ =	shalt  }
0x6a: {  	_ =	shalt  }
0x6b: {  	_ =	shalt  }
0x6c: {  	_ =	shalt  }
0x6d: {  	_ =	shalt  }
0x6e: {  	_ =	shalt  }
0x6f: {  	_ =	shalt  }
0x70: {  	_ =	shalt  }
0x71: {  	_ =	shalt  }
0x72: {  	_ =	shalt  }
0x73: {  	_ =	shalt  }
0x74: {  	_ =	shalt  }
0x75: {  	_ =	shalt  }
0x76: {  	_ =	shalt  }
0x77: {  	_ =	shalt  }
0x78: {  	_ =	shalt  }
0x79: {  	_ =	shalt  }
0x7a: {  	_ =	shalt  }
0x7b: {  	_ =	shalt  }
0x7c: {  	_ =	shalt  }
0x7d: {  	_ =	shalt  }
0x7e: {  	_ =	shalt  }
0x7f: {  	_ =	shalt  }
0x80: {  	_ =	shalt  }
0x81: {  	_ =	shalt  }
0x82: {  	_ =	shalt  }
0x83: {  	_ =	shalt  }
0x84: {  	_ =	shalt  }
0x85: {  	_ =	shalt  }
0x86: {  	_ =	shalt  }
0x87: {  	_ =	shalt  }
.Lfunc_end0:
.L_simem_size_0:
called_computation_lowered:
.L_overlay_start_0:
0x88: {  	s2 =	sld [smem:$0x3FD9]  }
0x89: {  	s3 =	sld [smem:$0x3FFE];
	_ =	sdelay $0x1  }
0x8a: {  	s1 =	srdreg.scid  }
0x8b: {  	s0 =	sand.u32 $0x1, s1  }
0x8c: {  	s17 =	sshll.u32 s0, $0xA;
	s2 =	sadd.s32 s3, s2  }
0x8d: {  	s2 =	sadd.s32 s2, s17  }
0x8e: {  	[smem:$0x3FC6] =	sst s2  }
0x8f: {  	_ = 	snop  }
0x90: {  	s2 =	sld [smem:$0x3FD0];
	(tm) =	ssettm $0x1  }
0x91: {  	s18 =	sld [smem:$0x3FFB];
	_ =	sdelay $0x3  }
0x92: {  	_ =	strace s18  }
0x93: {  	s3 =	sld [smem:$0x3FFC];
	_ =	sdelay $0x3  }
0x94: {  	_ =	strace s3  }
0x95: {  	s3 =	sld [smem:$0x3FFD];
	_ =	sdelay $0x3  }
0x96: {  	_ =	strace s3  }
0x97: {  	_ =	strace $0x8FFFFFFF  }
0x98: {  	s19 =	sld [smem:$0x3FDB];
	_ =	sdelay $0x1  }
0x99: {  	s4 =	simm.s32 $_scs_section_size  }
0x9a: {  	s5 =	simm.s32 $_size__tile_overlayer_lowered;
	s6 =	simm.s32 $_tile_overlayer_lowered  }
0x9b: {  	s22 =	simm.s32 $0x1BFF;
	s21 =	sshll.u32 s6, $0x1;
	s3 =	sadd.s32 s4, s19  }
0x9c: {  	s7 =	simm.s32 $0x0;
	s20 =	sshll.u32 s5, $0x1;
	s5 =	sadd.s32 s21, s3  }
0x9d: {  	[timem:s7], [sflag:s22] =	dma.local [hbm:s5], s20  }
0x9e: {  	_ =	swait.ge [sflag:s22], s20  }
0x9f: {  	s4 =	ssub.s32 $0x0, s20;
	[sflag:s22] =	ssyncset.done $0x0  }
0xa0: {  	[sflag:s22] =	ssyncadd.s32 s4;
	_ =	sdelay $0x1  }
0xa1: {  	s23 =	simm.s32 $0x1B8B  }
0xa2: {  	_ =	swait.ge [sflag:s23], $0x1  }
0xa3: {  	[sflag:s23] =	ssyncset.done $0x0  }
0xa4: {  	s25 =	simm.s32 $0x1B8E;
	s24 =	sld [smem:$0x3FFE];
	[sflag:s23] =	ssyncadd.s32 $0xFFFFFFFF  }
0xa5: {  	s26 =	simm.s32 $execute0_lowered;
	[smem:$0x3FD2] =	sst s25  }
0xa6: {  	s5 =	sshll.u32 s26, $0x1;
	_ =	strace $0x80000046;
	[dreg:$0x1] =	wrdreg $0xFFFFFFFF  }
0xa7: {  	s28 =	simm.s32 $_size_execute0_lowered;
	s3 =	sadd.s32 s3, s5;
	[dreg:$0x0] =	wrdreg $0x0  }
0xa8: {  	s5 =	sshll.u32 s28, $0x1;
	[dreg:$0x2] =	wrdreg s3  }
0xa9: {  	[dreg:$0x3] =	wrdreg s5  }
0xaa: {  	[dreg:$0x4] =	wrdreg $0xC0  }
0xab: {  	_ =	task [dreg:s7], $0x5FFFF  }
0xac: {  	[dreg:$0x1] =	wrdreg $0xFFFFFFFF  }
0xad: {  	[dreg:$0x0] =	wrdreg $0x60  }
0xae: {  	[dreg:$0x2] =	wrdreg s24  }
0xaf: {  	[dreg:$0x3] =	wrdreg s2  }
0xb0: {  	[dreg:$0x4] =	wrdreg $0x9  }
0xb1: {  	_ =	task.clear_ibuf [dreg:s7], $0x5FFFF;
	_ =	strace $0x90000046  }
0xb2: {  	s29 =	simm.s32 $0x9;
	_ =	strace $0x80000048  }
0xb3: {  	_ =	swait.ge [sflag:s29], $0x1  }
0xb4: {  	[sflag:s29] =	ssyncadd.s32 $0xFFFFFFFF  }
0xb5: {  	_ =	strace $0x90000048  }
0xb6: {  	_ =	sfence  }
0xb7: {  	s30 =	sld [smem:$0x0];
	_ =	sdelay $0x2  }
0xb8: {  	s31 =	sshll.u32 s1, $0xD;
	s1 =	sshrl.u32 s1, $0x2  }
0xb9: {  	s3 =	sand.u32 $0x4000, s31;
	s1 =	sadd.s32 s1, s30  }
0xba: {  	s0 =	sor.u32 s3, s0;
	s1 =	sshll.u32 s1, $0x11  }
0xbb: {  	s0 =	sor.u32 s1, s0  }
0xbc: {  	s0 =	sadd.s32 $0x8F2B, s0  }
0xbd: {  	[sflag:s0] =	ssyncadd.remote.s32 $0x1  }
0xbe: {  	_ =	sfence.sel $0xFFFF  }
0xbf: {  	[dreg:$0x0] =	wrdreg $0xFFFFFFFF;
	(pc) =	sbr.abs _section_cstart, $3  }
0xc0: {  	[dreg:$0x1] =	wrdreg $0xFFFFFFFF  }
0xc1: {  	_ =	task.clear_ibuf [dreg:s7], $0x2FFFF;
	_ =	strace $0x9FFFFFFF  }
0xc2: {  	(tm) =	ssettm $0x7FFFFFFF  }
0xc3: {  	_ =	shalt  }
tec
execute0_lowered:
.L_overlay_start_1:
0x0: {  	(tag) =	ssettag $0x1  }
0x1: {  	s0 =	rddreg [dreg:$0x0]  }
0x2: {  	s13 =	rddreg [dreg:$0x1]  }
0x3: {  	s1 =	srdreg.scid;
	s2 =	stileid.u32;
	s3 =	simm.s32 $0x0  }
0x4: {  	s15 =	simm.s32 $0x80;
	s20 =	simm.s32 $0x1;
	s21 =	simm.s32 $0x8400  }
0x5: {  	s14 =	simm.s32 $0x2;
	s17 =	simm.s32 $0x4;
	s18 =	simm.s32 $0x9500  }
0x6: {  	s29 =	simm.s32 $0xA1C0;
	s30 =	simm.s32 $0xA248;
	s31 =	simm.s32 $0xA2D0  }
0x7: {  	s16 =	simm.s32 $0xA468;
	s22 =	simm.s32 $0x0;
	s1 =	sand.u32 $0x1, s1  }
0x8: {  	s2 =	sshll.u32 s2, $0x1;
	[smem:$0x7FF] =	sst s3;
	s4 =	sadd.s32 $0xF42C00, s0  }
0x9: {  	v0 =	vlaneseq.u32;
	s7 =	sadd.s32 $0x1000, s13;
	s8 =	sadd.s32 $0x2000, s13;
	s9 =	sadd.s32 $0x3000, s13  }
0xa: {  	v1 =	vimm.s32 $0x0;
	vm0 =	vcmask $0x300;
	s10 =	sadd.s32 $0x4000, s13;
	s11 =	sadd.s32 $0x5000, s13;
	s12 =	sadd.s32 $0x6000, s13;
	v0 =	vmul.u32 $0x88, v0  }
0xb: {  	s13 =	sadd.s32 $0x7000, s13;
	v1 =	vsel vm0, $0x3, v1;
	s2 =	sor.u32 s1, s2;
	s1 =	ssub.s32 $0x2, s1  }
.Ltmp0:
0xc: {  	s5 =	sshll.u32 s2, $0x4;
	s6 =	sshrl.u32 s1, $0x1;
	v2 =	vadd.s32 $0x880, v0;
	v3 =	vor.u32 $0x1, v0;
	v4 =	vadd.s32 $0x881, v0;
	(pc) =	sbr.rel .LBB2_1-.Ltmp0, $4  }
0xd: {  	_ =	strace $0x80000047;
	v5 =	vor.u32 $0x2, v0;
	v6 =	vadd.s32 $0x882, v0;
	v7 =	vor.u32 $0x3, v0;
	s0 =	sadd.s32 s5, s0;
	s1 =	ssub.s32 s1, s6  }
0xe: {  	v8 =	vadd.s32 $0x883, v0;
	v9 =	vor.u32 $0x4, v0;
	v10 =	vadd.s32 $0x884, v0;
	s6 =	sshll.u32 s2, $0x7;
	s5 =	simm.s32 $0xA4F0;
	s0 =	sadd.s32 $0x600, s0  }
0xf: {  	v11 =	vor.u32 $0x5, v0;
	v12 =	vadd.s32 $0x885, v0;
	v13 =	vor.u32 $0x6, v0;
	s2 =	simm.s32 $0xA578;
	s28 =	smax.u32 s1, $0x1;
	[dreg:$0x3] =	wrdreg s0  }
0x10: {  	v14 =	vadd.s32 $0x886, v0;
	v15 =	vor.u32 $0x7, v0;
	v16 =	vadd.s32 $0x887, v0;
	s1 =	simm.s32 $0xA3E0;
	[dreg:$0x4] =	wrdreg s28;
	s0 =	simm.s32 $0xA358  }
.LBB2_12:
0x11: {  	s19 =	simm.s32 $0x3  }
0x12: {  	_ =	swait.ge [sflag:s19], $0x400  }
0x13: {  	[sflag:s19] =	ssyncset.done $0x0  }
0x14: {  	[sflag:s19] =	ssyncadd.s32 $0xFFFFFC00  }
0x15: {  	_ =	swait.ge [sflag:s19], $0x400  }
0x16: {  	[sflag:s19] =	ssyncset.done $0x0  }
0x17: {  	[sflag:s19] =	ssyncadd.s32 $0xFFFFFC00  }
0x18: {  	_ =	swait.ge [sflag:s19], $0x400  }
0x19: {  	[sflag:s19] =	ssyncset.done $0x0  }
0x1a: {  	[sflag:s19] =	ssyncadd.s32 $0xFFFFFC00  }
0x1b: {  	_ =	swait.ge [sflag:s19], $0x400  }
0x1c: {  	[sflag:s19] =	ssyncset.done $0x0  }
0x1d: {  	[sflag:s19] =	ssyncadd.s32 $0xFFFFFC00  }
0x1e: {  	_ =	swait.ge [sflag:s17], $0x400  }
0x1f: {  	[sflag:s17] =	ssyncset.done $0x0  }
0x20: {  	[sflag:s17] =	ssyncadd.s32 $0xFFFFFC00  }
0x21: {  	_ =	swait.ge [sflag:s17], $0x400  }
0x22: {  	[sflag:s17] =	ssyncset.done $0x0  }
0x23: {  	[sflag:s17] =	ssyncadd.s32 $0xFFFFFC00  }
0x24: {  	_ =	swait.ge [sflag:s17], $0x400  }
0x25: {  	[sflag:s17] =	ssyncset.done $0x0  }
0x26: {  	[sflag:s17] =	ssyncadd.s32 $0xFFFFFC00  }
0x27: {  	_ =	swait.ge [sflag:s17], $0x400  }
0x28: {  	s22 =	rddreg [dreg:$0x5]  }
0x29: {  	s28 =	rddreg [dreg:$0x4];
	s22 =	sadd.s32 $0x1, s22  }
0x2a: {  	p0 =	sne.s32 s22, s28  }
.Ltmp1:
0x2b: {  	_ = 	snop;
	(pc) =	sbr.rel @!p0 .LBB2_13-.Ltmp1, $3  }
0x2c: {  	_ =	sdelay $0x1  }
0x2d: {  	[sflag:s17] =	ssyncset.done $0x0  }
0x2e: {  	[sflag:s17] =	ssyncadd.s32 $0xFFFFFC00  }
.LBB2_1:
0x2f: {  	[dreg:$0x5] =	wrdreg s22  }
0x30: {  	s19 =	rddreg [dreg:$0x3];
	s24 =	simm.s32 $0x1000;
	s25 =	simm.s32 $0x5  }
0x31: {  	[tilespmem:s3], [sflag:$0x5] =	stream.strided.gather [hbm4b:s19+s15], $0x6400, s24, s15, $0x38;
	[tilespmem:$0xA600] =	vst v63  }
0x32: {  	_ =	swait.ge [sflag:s25], $0x6400  }
0x33: {  	[sflag:s25] =	ssyncset.done $0x0  }
0x34: {  	s26 =	simm.s32 $0x6400;
	[sflag:s25] =	ssyncadd.s32 $0xFFFF9C00  }
0x35: {  	[tilespmem:s26], [sflag:$0x1] =	stream.indirect.gather [hbm4b:s4+s15], $0x20, s3, s15, $0xb8;
	[tilespmem:$0xA600] =	vst v63  }
0x36: {  	s28 =	simm.s32 $0x7400;
	s19 =	simm.s32 $0x0  }
0x37: {  	[tilespmem:s28], [sflag:$0x2] =	stream.indirect.gather [hbm4b:s4+s15], $0x20, s15, s15, $0xb8;
	[tilespmem:$0xA600] =	vst v63  }
.LBB2_2:
0x38: {  	_ =	swait.ge [sflag:s20], $0x1000  }
0x39: {  	p0 =	seq.s32 s19, $0x0;
	[sflag:s20] =	ssyncset.done $0x0  }
0x3a: {  	s22 =	simm.s32 @!p0 $0x3;
	[sflag:s20] =	ssyncadd.s32 $0xFFFFF000  }
0x3b: {  	_ =	swait.ge @!p0 [sflag:s22], $0x400  }
0x3c: {  	[sflag:s22] =	ssyncset.done @!p0 $0x0  }
0x3d: {  	[sflag:s22] =	ssyncadd.s32 @!p0 $0xFFFFFC00  }
0x3e: {  	_ =	swait.ge @!p0 [sflag:s22], $0x400  }
0x3f: {  	[sflag:s22] =	ssyncset.done @!p0 $0x0  }
0x40: {  	[sflag:s22] =	ssyncadd.s32 @!p0 $0xFFFFFC00  }
0x41: {  	s23 =	simm.s32 $0x0;
	_ =	swait.ge @!p0 [sflag:s22], $0x400  }
0x42: {  	v17 =	vmov s23;
	[sflag:s22] =	ssyncset.done @!p0 $0x0  }
0x43: {  	v17 =	vshrl.u32 v17, $0x3;
	[sflag:s22] =	ssyncadd.s32 @!p0 $0xFFFFFC00  }
0x44: {  	v17 =	vshll.u32 v17, v1;
	_ =	swait.ge @!p0 [sflag:s22], $0x400  }
0x45: {  	v17 =	vbroadcast v17, $0x0;
	[sflag:s22] =	ssyncset.done @!p0 $0x0  }
0x46: {  	s23 =	simm.s32 $0x6500;
	[sflag:s22] =	ssyncadd.s32 @!p0 $0xFFFFFC00  }
0x47: {  	v19 =	vadd.s32 v0, v17;
	v18 =	vld [tilespmem:s23+$0xFFFFFF00];
	_ =	sdelay $0x4  }
0x48: {  	[tilespmem:v19+s21+$0x0] =	vst.idx.msk $0xffff, v18  }
0x49: {  	s25 =	simm.s32 $0x1;
	v17 =	vadd.s32 v2, v17;
	v18 =	vld [tilespmem:s23+$0xFFFFFF10]  }
0x4a: {  	v19 =	vmov s25  }
0x4b: {  	v19 =	vshrl.u32 v19, $0x3  }
0x4c: {  	v19 =	vshll.u32 v19, v1  }
0x4d: {  	v19 =	vbroadcast v19, $0x0  }
0x4e: {  	[tilespmem:v17+s21+$0x0] =	vst.idx.msk $0xffff, v18  }
0x4f: {  	v18 =	vadd.s32 v3, v19;
	v17 =	vld [tilespmem:s23+$0xFFFFFF20];
	_ =	sdelay $0x4  }
0x50: {  	[tilespmem:v18+s21+$0x0] =	vst.idx.msk $0xffff, v17  }
0x51: {  	s26 =	simm.s32 $0x2;
	v18 =	vadd.s32 v4, v19;
	v17 =	vld [tilespmem:s23+$0xFFFFFF30]  }
0x52: {  	v19 =	vmov s26  }
0x53: {  	v19 =	vshrl.u32 v19, $0x3  }
0x54: {  	v19 =	vshll.u32 v19, v1  }
0x55: {  	v19 =	vbroadcast v19, $0x0  }
0x56: {  	[tilespmem:v18+s21+$0x0] =	vst.idx.msk $0xffff, v17  }
0x57: {  	v18 =	vadd.s32 v5, v19;
	v17 =	vld [tilespmem:s23+$0xFFFFFF40];
	_ =	sdelay $0x4  }
0x58: {  	[tilespmem:v18+s21+$0x0] =	vst.idx.msk $0xffff, v17  }
0x59: {  	s28 =	simm.s32 $0x3;
	v18 =	vadd.s32 v6, v19;
	v17 =	vld [tilespmem:s23+$0xFFFFFF50]  }
0x5a: {  	v19 =	vmov s28  }
0x5b: {  	v19 =	vshrl.u32 v19, $0x3  }
0x5c: {  	v19 =	vshll.u32 v19, v1  }
0x5d: {  	v19 =	vbroadcast v19, $0x0  }
0x5e: {  	[tilespmem:v18+s21+$0x0] =	vst.idx.msk $0xffff, v17  }
0x5f: {  	v18 =	vadd.s32 v7, v19;
	v17 =	vld [tilespmem:s23+$0xFFFFFF60];
	_ =	sdelay $0x4  }
0x60: {  	[tilespmem:v18+s21+$0x0] =	vst.idx.msk $0xffff, v17  }
0x61: {  	s24 =	simm.s32 $0x4;
	v18 =	vadd.s32 v8, v19;
	v17 =	vld [tilespmem:s23+$0xFFFFFF70]  }
0x62: {  	v19 =	vmov s24  }
0x63: {  	v19 =	vshrl.u32 v19, $0x3  }
0x64: {  	v19 =	vshll.u32 v19, v1  }
0x65: {  	v19 =	vbroadcast v19, $0x0  }
0x66: {  	[tilespmem:v18+s21+$0x0] =	vst.idx.msk $0xffff, v17  }
0x67: {  	v18 =	vadd.s32 v9, v19;
	v17 =	vld [tilespmem:s23+$0xFFFFFF80];
	_ =	sdelay $0x4  }
0x68: {  	[tilespmem:v18+s21+$0x0] =	vst.idx.msk $0xffff, v17  }
0x69: {  	s25 =	simm.s32 $0x5;
	v18 =	vadd.s32 v10, v19;
	v17 =	vld [tilespmem:s23+$0xFFFFFF90]  }
0x6a: {  	v19 =	vmov s25  }
0x6b: {  	v19 =	vshrl.u32 v19, $0x3  }
0x6c: {  	v19 =	vshll.u32 v19, v1  }
0x6d: {  	v19 =	vbroadcast v19, $0x0  }
0x6e: {  	[tilespmem:v18+s21+$0x0] =	vst.idx.msk $0xffff, v17  }
0x6f: {  	v18 =	vadd.s32 v11, v19;
	v17 =	vld [tilespmem:s23+$0xFFFFFFA0];
	_ =	sdelay $0x4  }
0x70: {  	[tilespmem:v18+s21+$0x0] =	vst.idx.msk $0xffff, v17  }
0x71: {  	s26 =	simm.s32 $0x6;
	v18 =	vadd.s32 v12, v19;
	v17 =	vld [tilespmem:s23+$0xFFFFFFB0]  }
0x72: {  	v19 =	vmov s26  }
0x73: {  	v19 =	vshrl.u32 v19, $0x3  }
0x74: {  	v19 =	vshll.u32 v19, v1  }
0x75: {  	v19 =	vbroadcast v19, $0x0  }
0x76: {  	[tilespmem:v18+s21+$0x0] =	vst.idx.msk $0xffff, v17  }
0x77: {  	v18 =	vadd.s32 v13, v19;
	v17 =	vld [tilespmem:s23+$0xFFFFFFC0];
	_ =	sdelay $0x4  }
0x78: {  	[tilespmem:v18+s21+$0x0] =	vst.idx.msk $0xffff, v17  }
0x79: {  	s28 =	simm.s32 $0x7;
	v18 =	vadd.s32 v14, v19;
	v17 =	vld [tilespmem:s23+$0xFFFFFFD0]  }
0x7a: {  	v19 =	vmov s28  }
0x7b: {  	v19 =	vshrl.u32 v19, $0x3  }
0x7c: {  	v19 =	vshll.u32 v19, v1  }
0x7d: {  	v19 =	vbroadcast v19, $0x0  }
0x7e: {  	[tilespmem:v18+s21+$0x0] =	vst.idx.msk $0xffff, v17  }
0x7f: {  	v18 =	vadd.s32 v15, v19;
	v17 =	vld [tilespmem:s23+$0xFFFFFFE0];
	_ =	sdelay $0x4  }
0x80: {  	[tilespmem:v18+s21+$0x0] =	vst.idx.msk $0xffff, v17  }
0x81: {  	s24 =	simm.s32 $0x8;
	v18 =	vadd.s32 v16, v19;
	v17 =	vld [tilespmem:s23+$0xFFFFFFF0]  }
0x82: {  	v19 =	vmov s24  }
0x83: {  	v19 =	vshrl.u32 v19, $0x3  }
0x84: {  	v19 =	vshll.u32 v19, v1  }
0x85: {  	v19 =	vbroadcast v19, $0x0  }
0x86: {  	[tilespmem:v18+s21+$0x0] =	vst.idx.msk $0xffff, v17  }
0x87: {  	v18 =	vadd.s32 v0, v19;
	v17 =	vld [tilespmem:s23+$0x0];
	_ =	sdelay $0x4  }
0x88: {  	[tilespmem:v18+s21+$0x0] =	vst.idx.msk $0xffff, v17  }
0x89: {  	s25 =	simm.s32 $0x9;
	v18 =	vadd.s32 v2, v19;
	v17 =	vld [tilespmem:s23+$0x10]  }
0x8a: {  	v19 =	vmov s25  }
0x8b: {  	v19 =	vshrl.u32 v19, $0x3  }
0x8c: {  	v19 =	vshll.u32 v19, v1  }
0x8d: {  	v19 =	vbroadcast v19, $0x0  }
0x8e: {  	[tilespmem:v18+s21+$0x0] =	vst.idx.msk $0xffff, v17  }
0x8f: {  	v18 =	vadd.s32 v3, v19;
	v17 =	vld [tilespmem:s23+$0x20];
	_ =	sdelay $0x4  }
0x90: {  	[tilespmem:v18+s21+$0x0] =	vst.idx.msk $0xffff, v17  }
0x91: {  	s26 =	simm.s32 $0xA;
	v18 =	vadd.s32 v4, v19;
	v17 =	vld [tilespmem:s23+$0x30]  }
0x92: {  	v19 =	vmov s26  }
0x93: {  	v19 =	vshrl.u32 v19, $0x3  }
0x94: {  	v19 =	vshll.u32 v19, v1  }
0x95: {  	v19 =	vbroadcast v19, $0x0  }
0x96: {  	[tilespmem:v18+s21+$0x0] =	vst.idx.msk $0xffff, v17  }
0x97: {  	v18 =	vadd.s32 v5, v19;
	v17 =	vld [tilespmem:s23+$0x40];
	_ =	sdelay $0x4  }
0x98: {  	[tilespmem:v18+s21+$0x0] =	vst.idx.msk $0xffff, v17  }
0x99: {  	s28 =	simm.s32 $0xB;
	v18 =	vadd.s32 v6, v19;
	v17 =	vld [tilespmem:s23+$0x50]  }
0x9a: {  	v19 =	vmov s28  }
0x9b: {  	v19 =	vshrl.u32 v19, $0x3  }
0x9c: {  	v19 =	vshll.u32 v19, v1  }
0x9d: {  	v19 =	vbroadcast v19, $0x0  }
0x9e: {  	[tilespmem:v18+s21+$0x0] =	vst.idx.msk $0xffff, v17  }
0x9f: {  	v18 =	vadd.s32 v7, v19;
	v17 =	vld [tilespmem:s23+$0x60];
	_ =	sdelay $0x4  }
0xa0: {  	[tilespmem:v18+s21+$0x0] =	vst.idx.msk $0xffff, v17  }
0xa1: {  	s24 =	simm.s32 $0xC;
	v18 =	vadd.s32 v8, v19;
	v17 =	vld [tilespmem:s23+$0x70]  }
0xa2: {  	v19 =	vmov s24  }
0xa3: {  	v19 =	vshrl.u32 v19, $0x3  }
0xa4: {  	v19 =	vshll.u32 v19, v1  }
0xa5: {  	v19 =	vbroadcast v19, $0x0  }
0xa6: {  	[tilespmem:v18+s21+$0x0] =	vst.idx.msk $0xffff, v17  }
0xa7: {  	v18 =	vadd.s32 v9, v19;
	v17 =	vld [tilespmem:s23+$0x80];
	_ =	sdelay $0x4  }
0xa8: {  	[tilespmem:v18+s21+$0x0] =	vst.idx.msk $0xffff, v17  }
0xa9: {  	s25 =	simm.s32 $0xD;
	v18 =	vadd.s32 v10, v19;
	v17 =	vld [tilespmem:s23+$0x90]  }
0xaa: {  	v19 =	vmov s25  }
0xab: {  	v19 =	vshrl.u32 v19, $0x3  }
0xac: {  	v19 =	vshll.u32 v19, v1  }
0xad: {  	v19 =	vbroadcast v19, $0x0  }
0xae: {  	[tilespmem:v18+s21+$0x0] =	vst.idx.msk $0xffff, v17  }
0xaf: {  	v18 =	vadd.s32 v11, v19;
	v17 =	vld [tilespmem:s23+$0xA0];
	_ =	sdelay $0x4  }
0xb0: {  	[tilespmem:v18+s21+$0x0] =	vst.idx.msk $0xffff, v17  }
0xb1: {  	s26 =	simm.s32 $0xE;
	v18 =	vadd.s32 v12, v19;
	v17 =	vld [tilespmem:s23+$0xB0]  }
0xb2: {  	v19 =	vmov s26  }
0xb3: {  	v19 =	vshrl.u32 v19, $0x3  }
0xb4: {  	v19 =	vshll.u32 v19, v1  }
0xb5: {  	v19 =	vbroadcast v19, $0x0  }
0xb6: {  	[tilespmem:v18+s21+$0x0] =	vst.idx.msk $0xffff, v17  }
0xb7: {  	v18 =	vadd.s32 v13, v19;
	v17 =	vld [tilespmem:s23+$0xC0];
	_ =	sdelay $0x4  }
0xb8: {  	[tilespmem:v18+s21+$0x0] =	vst.idx.msk $0xffff, v17  }
0xb9: {  	s28 =	simm.s32 $0xF;
	v18 =	vadd.s32 v14, v19;
	v17 =	vld [tilespmem:s23+$0xD0]  }
0xba: {  	v19 =	vmov s28  }
0xbb: {  	v19 =	vshrl.u32 v19, $0x3  }
0xbc: {  	v19 =	vshll.u32 v19, v1  }
0xbd: {  	v19 =	vbroadcast v19, $0x0  }
0xbe: {  	[tilespmem:v18+s21+$0x0] =	vst.idx.msk $0xffff, v17  }
0xbf: {  	v18 =	vadd.s32 v15, v19;
	v17 =	vld [tilespmem:s23+$0xE0];
	_ =	sdelay $0x4  }
0xc0: {  	s22 =	sshll.u32 s19, $0xA;
	[tilespmem:v18+s21+$0x0] =	vst.idx.msk $0xffff, v17  }
0xc1: {  	s24 =	simm.s32 $0x1F;
	s25 =	simm.s32 $0x2F;
	s26 =	simm.s32 $0x10;
	v18 =	vadd.s32 v16, v19;
	v17 =	vld [tilespmem:s23+$0xF0]  }
.LBB2_3:
0xc2: {  	p1 =	sne.s32 s25, $0x7F;
	v19 =	vmov s26  }
0xc3: {  	v19 =	vshrl.u32 v19, $0x3  }
0xc4: {  	v19 =	vshll.u32 v19, v1  }
0xc5: {  	v19 =	vbroadcast v19, $0x0  }
0xc6: {  	s23 =	sadd.s32 $0x200, s23;
	[tilespmem:v18+s21+$0x0] =	vst.idx.msk $0xffff, v17  }
0xc7: {  	v17 =	vld [tilespmem:s23+$0xFFFFFF00];
	v18 =	vadd.s32 v0, v19;
	_ =	sdelay $0x4  }
0xc8: {  	[tilespmem:v18+s21+$0x0] =	vst.idx.msk $0xffff, v17  }
0xc9: {  	s26 =	sadd.s32 $0xFFFFFFF2, s24;
	v18 =	vadd.s32 v2, v19;
	v17 =	vld [tilespmem:s23+$0xFFFFFF10]  }
0xca: {  	v19 =	vmov s26  }
0xcb: {  	v19 =	vshrl.u32 v19, $0x3  }
0xcc: {  	v19 =	vshll.u32 v19, v1  }
0xcd: {  	v19 =	vbroadcast v19, $0x0  }
0xce: {  	[tilespmem:v18+s21+$0x0] =	vst.idx.msk $0xffff, v17  }
0xcf: {  	v18 =	vadd.s32 v3, v19;
	v17 =	vld [tilespmem:s23+$0xFFFFFF20];
	_ =	sdelay $0x4  }
0xd0: {  	[tilespmem:v18+s21+$0x0] =	vst.idx.msk $0xffff, v17  }
0xd1: {  	s26 =	sadd.s32 $0xFFFFFFF3, s24;
	v18 =	vadd.s32 v4, v19;
	v17 =	vld [tilespmem:s23+$0xFFFFFF30]  }
0xd2: {  	v19 =	vmov s26  }
0xd3: {  	v19 =	vshrl.u32 v19, $0x3  }
0xd4: {  	v19 =	vshll.u32 v19, v1  }
0xd5: {  	v19 =	vbroadcast v19, $0x0  }
0xd6: {  	[tilespmem:v18+s21+$0x0] =	vst.idx.msk $0xffff, v17  }
0xd7: {  	v18 =	vadd.s32 v5, v19;
	v17 =	vld [tilespmem:s23+$0xFFFFFF40];
	_ =	sdelay $0x4  }
0xd8: {  	[tilespmem:v18+s21+$0x0] =	vst.idx.msk $0xffff, v17  }
0xd9: {  	s26 =	sadd.s32 $0xFFFFFFF4, s24;
	v18 =	vadd.s32 v6, v19;
	v17 =	vld [tilespmem:s23+$0xFFFFFF50]  }
0xda: {  	v19 =	vmov s26  }
0xdb: {  	v19 =	vshrl.u32 v19, $0x3  }
0xdc: {  	v19 =	vshll.u32 v19, v1  }
0xdd: {  	v19 =	vbroadcast v19, $0x0  }
0xde: {  	[tilespmem:v18+s21+$0x0] =	vst.idx.msk $0xffff, v17  }
0xdf: {  	v18 =	vadd.s32 v7, v19;
	v17 =	vld [tilespmem:s23+$0xFFFFFF60];
	_ =	sdelay $0x4  }
0xe0: {  	[tilespmem:v18+s21+$0x0] =	vst.idx.msk $0xffff, v17  }
0xe1: {  	s26 =	sadd.s32 $0xFFFFFFF5, s24;
	v18 =	vadd.s32 v8, v19;
	v17 =	vld [tilespmem:s23+$0xFFFFFF70]  }
0xe2: {  	v19 =	vmov s26  }
0xe3: {  	v19 =	vshrl.u32 v19, $0x3  }
0xe4: {  	v19 =	vshll.u32 v19, v1  }
0xe5: {  	v19 =	vbroadcast v19, $0x0  }
0xe6: {  	[tilespmem:v18+s21+$0x0] =	vst.idx.msk $0xffff, v17  }
0xe7: {  	v18 =	vadd.s32 v9, v19;
	v17 =	vld [tilespmem:s23+$0xFFFFFF80];
	_ =	sdelay $0x4  }
0xe8: {  	[tilespmem:v18+s21+$0x0] =	vst.idx.msk $0xffff, v17  }
0xe9: {  	s26 =	sadd.s32 $0xFFFFFFF6, s24;
	v18 =	vadd.s32 v10, v19;
	v17 =	vld [tilespmem:s23+$0xFFFFFF90]  }
0xea: {  	v19 =	vmov s26  }
0xeb: {  	v19 =	vshrl.u32 v19, $0x3  }
0xec: {  	v19 =	vshll.u32 v19, v1  }
0xed: {  	v19 =	vbroadcast v19, $0x0  }
0xee: {  	[tilespmem:v18+s21+$0x0] =	vst.idx.msk $0xffff, v17  }
0xef: {  	v18 =	vadd.s32 v11, v19;
	v17 =	vld [tilespmem:s23+$0xFFFFFFA0];
	_ =	sdelay $0x4  }
0xf0: {  	[tilespmem:v18+s21+$0x0] =	vst.idx.msk $0xffff, v17  }
0xf1: {  	s26 =	sadd.s32 $0xFFFFFFF7, s24;
	v18 =	vadd.s32 v12, v19;
	v17 =	vld [tilespmem:s23+$0xFFFFFFB0]  }
0xf2: {  	v19 =	vmov s26  }
0xf3: {  	v19 =	vshrl.u32 v19, $0x3  }
0xf4: {  	v19 =	vshll.u32 v19, v1  }
0xf5: {  	v19 =	vbroadcast v19, $0x0  }
0xf6: {  	[tilespmem:v18+s21+$0x0] =	vst.idx.msk $0xffff, v17  }
0xf7: {  	v18 =	vadd.s32 v13, v19;
	v17 =	vld [tilespmem:s23+$0xFFFFFFC0];
	_ =	sdelay $0x4  }
0xf8: {  	[tilespmem:v18+s21+$0x0] =	vst.idx.msk $0xffff, v17  }
0xf9: {  	s26 =	sadd.s32 $0xFFFFFFF8, s24;
	v18 =	vadd.s32 v14, v19;
	v17 =	vld [tilespmem:s23+$0xFFFFFFD0]  }
0xfa: {  	v19 =	vmov s26  }
0xfb: {  	v19 =	vshrl.u32 v19, $0x3  }
0xfc: {  	v19 =	vshll.u32 v19, v1  }
0xfd: {  	v19 =	vbroadcast v19, $0x0  }
0xfe: {  	[tilespmem:v18+s21+$0x0] =	vst.idx.msk $0xffff, v17  }
0xff: {  	v18 =	vadd.s32 v15, v19;
	v17 =	vld [tilespmem:s23+$0xFFFFFFE0];
	_ =	sdelay $0x4  }
0x100: {  	[tilespmem:v18+s21+$0x0] =	vst.idx.msk $0xffff, v17  }
0x101: {  	s26 =	sadd.s32 $0xFFFFFFF9, s24;
	v18 =	vadd.s32 v16, v19;
	v17 =	vld [tilespmem:s23+$0xFFFFFFF0]  }
0x102: {  	v19 =	vmov s26  }
0x103: {  	v19 =	vshrl.u32 v19, $0x3  }
0x104: {  	v19 =	vshll.u32 v19, v1  }
0x105: {  	v19 =	vbroadcast v19, $0x0  }
0x106: {  	[tilespmem:v18+s21+$0x0] =	vst.idx.msk $0xffff, v17  }
0x107: {  	v18 =	vadd.s32 v0, v19;
	v17 =	vld [tilespmem:s23+$0x0];
	_ =	sdelay $0x4  }
0x108: {  	[tilespmem:v18+s21+$0x0] =	vst.idx.msk $0xffff, v17  }
0x109: {  	s26 =	sadd.s32 $0xFFFFFFFA, s24;
	v18 =	vadd.s32 v2, v19;
	v17 =	vld [tilespmem:s23+$0x10]  }
0x10a: {  	v19 =	vmov s26  }
0x10b: {  	v19 =	vshrl.u32 v19, $0x3  }
0x10c: {  	v19 =	vshll.u32 v19, v1  }
0x10d: {  	v19 =	vbroadcast v19, $0x0  }
0x10e: {  	[tilespmem:v18+s21+$0x0] =	vst.idx.msk $0xffff, v17  }
0x10f: {  	v18 =	vadd.s32 v3, v19;
	v17 =	vld [tilespmem:s23+$0x20];
	_ =	sdelay $0x4  }
0x110: {  	[tilespmem:v18+s21+$0x0] =	vst.idx.msk $0xffff, v17  }
0x111: {  	s26 =	sadd.s32 $0xFFFFFFFB, s24;
	v18 =	vadd.s32 v4, v19;
	v17 =	vld [tilespmem:s23+$0x30]  }
0x112: {  	v19 =	vmov s26  }
0x113: {  	v19 =	vshrl.u32 v19, $0x3  }
0x114: {  	v19 =	vshll.u32 v19, v1  }
0x115: {  	v19 =	vbroadcast v19, $0x0  }
0x116: {  	[tilespmem:v18+s21+$0x0] =	vst.idx.msk $0xffff, v17  }
0x117: {  	v18 =	vadd.s32 v5, v19;
	v17 =	vld [tilespmem:s23+$0x40];
	_ =	sdelay $0x4  }
0x118: {  	[tilespmem:v18+s21+$0x0] =	vst.idx.msk $0xffff, v17  }
0x119: {  	s26 =	sadd.s32 $0xFFFFFFFC, s24;
	v18 =	vadd.s32 v6, v19;
	v17 =	vld [tilespmem:s23+$0x50]  }
0x11a: {  	v19 =	vmov s26  }
0x11b: {  	v19 =	vshrl.u32 v19, $0x3  }
0x11c: {  	v19 =	vshll.u32 v19, v1  }
0x11d: {  	v19 =	vbroadcast v19, $0x0  }
0x11e: {  	[tilespmem:v18+s21+$0x0] =	vst.idx.msk $0xffff, v17  }
0x11f: {  	v18 =	vadd.s32 v7, v19;
	v17 =	vld [tilespmem:s23+$0x60];
	_ =	sdelay $0x4  }
0x120: {  	[tilespmem:v18+s21+$0x0] =	vst.idx.msk $0xffff, v17  }
0x121: {  	s26 =	sadd.s32 $0xFFFFFFFD, s24;
	v18 =	vadd.s32 v8, v19;
	v17 =	vld [tilespmem:s23+$0x70]  }
0x122: {  	v19 =	vmov s26  }
0x123: {  	v19 =	vshrl.u32 v19, $0x3  }
0x124: {  	v19 =	vshll.u32 v19, v1  }
0x125: {  	v19 =	vbroadcast v19, $0x0  }
0x126: {  	[tilespmem:v18+s21+$0x0] =	vst.idx.msk $0xffff, v17  }
0x127: {  	v18 =	vadd.s32 v9, v19;
	v17 =	vld [tilespmem:s23+$0x80];
	_ =	sdelay $0x4  }
0x128: {  	[tilespmem:v18+s21+$0x0] =	vst.idx.msk $0xffff, v17  }
0x129: {  	s26 =	sadd.s32 $0xFFFFFFFE, s24;
	v18 =	vadd.s32 v10, v19;
	v17 =	vld [tilespmem:s23+$0x90]  }
0x12a: {  	v19 =	vmov s26  }
0x12b: {  	v19 =	vshrl.u32 v19, $0x3  }
0x12c: {  	v19 =	vshll.u32 v19, v1  }
0x12d: {  	v19 =	vbroadcast v19, $0x0  }
0x12e: {  	[tilespmem:v18+s21+$0x0] =	vst.idx.msk $0xffff, v17  }
0x12f: {  	v18 =	vadd.s32 v11, v19;
	v17 =	vld [tilespmem:s23+$0xA0];
	_ =	sdelay $0x4  }
0x130: {  	[tilespmem:v18+s21+$0x0] =	vst.idx.msk $0xffff, v17  }
0x131: {  	s26 =	sadd.s32 $0xFFFFFFFF, s24;
	v18 =	vadd.s32 v12, v19;
	v17 =	vld [tilespmem:s23+$0xB0]  }
0x132: {  	v19 =	vmov s26  }
0x133: {  	v19 =	vshrl.u32 v19, $0x3  }
0x134: {  	v19 =	vshll.u32 v19, v1  }
0x135: {  	v19 =	vbroadcast v19, $0x0  }
0x136: {  	[tilespmem:v18+s21+$0x0] =	vst.idx.msk $0xffff, v17  }
0x137: {  	v18 =	vadd.s32 v13, v19;
	v17 =	vld [tilespmem:s23+$0xC0];
	_ =	sdelay $0x4  }
0x138: {  	[tilespmem:v18+s21+$0x0] =	vst.idx.msk $0xffff, v17  }
0x139: {  	v18 =	vadd.s32 v14, v19;
	v17 =	vld [tilespmem:s23+$0xD0]  }
0x13a: {  	v19 =	vmov s24;
	s24 =	smov.u32 s25  }
0x13b: {  	v19 =	vshrl.u32 v19, $0x3  }
0x13c: {  	v19 =	vshll.u32 v19, v1  }
0x13d: {  	v19 =	vbroadcast v19, $0x0  }
0x13e: {  	[tilespmem:v18+s21+$0x0] =	vst.idx.msk $0xffff, v17  }
0x13f: {  	v18 =	vadd.s32 v15, v19;
	v17 =	vld [tilespmem:s23+$0xE0];
	_ =	sdelay $0x1  }
.Ltmp2:
0x140: {  	(pc) =	sbr.rel @p1 .LBB2_3-.Ltmp2, $3  }
0x141: {  	_ =	sdelay $0x1  }
0x142: {  	[tilespmem:v18+s21+$0x0] =	vst.idx.msk $0xffff, v17  }
0x143: {  	s25 =	sadd.s32 $0x10, s25;
	s26 =	sadd.s32 $0xFFFFFFF1, s24;
	v18 =	vadd.s32 v16, v19;
	v17 =	vld [tilespmem:s23+$0xF0]  }
0x144: {  	v19 =	vmov s26  }
0x145: {  	v19 =	vshrl.u32 v19, $0x3  }
0x146: {  	v19 =	vshll.u32 v19, v1  }
0x147: {  	v19 =	vbroadcast v19, $0x0  }
0x148: {  	s23 =	sadd.s32 $0x200, s23;
	[tilespmem:v18+s21+$0x0] =	vst.idx.msk $0xffff, v17  }
0x149: {  	v17 =	vld [tilespmem:s23+$0xFFFFFF00];
	v18 =	vadd.s32 v0, v19;
	_ =	sdelay $0x4  }
0x14a: {  	[tilespmem:v18+s21+$0x0] =	vst.idx.msk $0xffff, v17  }
0x14b: {  	s25 =	sadd.s32 $0xFFFFFFF2, s24;
	v18 =	vadd.s32 v2, v19;
	v17 =	vld [tilespmem:s23+$0xFFFFFF10]  }
0x14c: {  	v19 =	vmov s25  }
0x14d: {  	v19 =	vshrl.u32 v19, $0x3  }
0x14e: {  	v19 =	vshll.u32 v19, v1  }
0x14f: {  	v19 =	vbroadcast v19, $0x0  }
0x150: {  	[tilespmem:v18+s21+$0x0] =	vst.idx.msk $0xffff, v17  }
0x151: {  	v18 =	vadd.s32 v3, v19;
	v17 =	vld [tilespmem:s23+$0xFFFFFF20];
	_ =	sdelay $0x4  }
0x152: {  	[tilespmem:v18+s21+$0x0] =	vst.idx.msk $0xffff, v17  }
0x153: {  	s28 =	sadd.s32 $0xFFFFFFF3, s24;
	v18 =	vadd.s32 v4, v19;
	v17 =	vld [tilespmem:s23+$0xFFFFFF30]  }
0x154: {  	v19 =	vmov s28  }
0x155: {  	v19 =	vshrl.u32 v19, $0x3  }
0x156: {  	v19 =	vshll.u32 v19, v1  }
0x157: {  	v19 =	vbroadcast v19, $0x0  }
0x158: {  	[tilespmem:v18+s21+$0x0] =	vst.idx.msk $0xffff, v17  }
0x159: {  	v18 =	vadd.s32 v5, v19;
	v17 =	vld [tilespmem:s23+$0xFFFFFF40];
	_ =	sdelay $0x4  }
0x15a: {  	[tilespmem:v18+s21+$0x0] =	vst.idx.msk $0xffff, v17  }
0x15b: {  	s26 =	sadd.s32 $0xFFFFFFF4, s24;
	v18 =	vadd.s32 v6, v19;
	v17 =	vld [tilespmem:s23+$0xFFFFFF50]  }
0x15c: {  	v19 =	vmov s26  }
0x15d: {  	v19 =	vshrl.u32 v19, $0x3  }
0x15e: {  	v19 =	vshll.u32 v19, v1  }
0x15f: {  	v19 =	vbroadcast v19, $0x0  }
0x160: {  	[tilespmem:v18+s21+$0x0] =	vst.idx.msk $0xffff, v17  }
0x161: {  	v18 =	vadd.s32 v7, v19;
	v17 =	vld [tilespmem:s23+$0xFFFFFF60];
	_ =	sdelay $0x4  }
0x162: {  	[tilespmem:v18+s21+$0x0] =	vst.idx.msk $0xffff, v17  }
0x163: {  	s28 =	sadd.s32 $0xFFFFFFF5, s24;
	v18 =	vadd.s32 v8, v19;
	v17 =	vld [tilespmem:s23+$0xFFFFFF70]  }
0x164: {  	v19 =	vmov s28  }
0x165: {  	v19 =	vshrl.u32 v19, $0x3  }
0x166: {  	v19 =	vshll.u32 v19, v1  }
0x167: {  	v19 =	vbroadcast v19, $0x0  }
0x168: {  	[tilespmem:v18+s21+$0x0] =	vst.idx.msk $0xffff, v17  }
0x169: {  	v18 =	vadd.s32 v9, v19;
	v17 =	vld [tilespmem:s23+$0xFFFFFF80];
	_ =	sdelay $0x4  }
0x16a: {  	[tilespmem:v18+s21+$0x0] =	vst.idx.msk $0xffff, v17  }
0x16b: {  	s26 =	sadd.s32 $0xFFFFFFF6, s24;
	v18 =	vadd.s32 v10, v19;
	v17 =	vld [tilespmem:s23+$0xFFFFFF90]  }
0x16c: {  	v19 =	vmov s26  }
0x16d: {  	v19 =	vshrl.u32 v19, $0x3  }
0x16e: {  	v19 =	vshll.u32 v19, v1  }
0x16f: {  	v19 =	vbroadcast v19, $0x0  }
0x170: {  	[tilespmem:v18+s21+$0x0] =	vst.idx.msk $0xffff, v17  }
0x171: {  	v18 =	vadd.s32 v11, v19;
	v17 =	vld [tilespmem:s23+$0xFFFFFFA0];
	_ =	sdelay $0x4  }
0x172: {  	[tilespmem:v18+s21+$0x0] =	vst.idx.msk $0xffff, v17  }
0x173: {  	s28 =	sadd.s32 $0xFFFFFFF7, s24;
	v18 =	vadd.s32 v12, v19;
	v17 =	vld [tilespmem:s23+$0xFFFFFFB0]  }
0x174: {  	v19 =	vmov s28  }
0x175: {  	v19 =	vshrl.u32 v19, $0x3  }
0x176: {  	v19 =	vshll.u32 v19, v1  }
0x177: {  	v19 =	vbroadcast v19, $0x0  }
0x178: {  	[tilespmem:v18+s21+$0x0] =	vst.idx.msk $0xffff, v17  }
0x179: {  	v18 =	vadd.s32 v13, v19;
	v17 =	vld [tilespmem:s23+$0xFFFFFFC0];
	_ =	sdelay $0x4  }
0x17a: {  	[tilespmem:v18+s21+$0x0] =	vst.idx.msk $0xffff, v17  }
0x17b: {  	s26 =	sadd.s32 $0xFFFFFFF8, s24;
	v18 =	vadd.s32 v14, v19;
	v17 =	vld [tilespmem:s23+$0xFFFFFFD0]  }
0x17c: {  	v19 =	vmov s26  }
0x17d: {  	v19 =	vshrl.u32 v19, $0x3  }
0x17e: {  	v19 =	vshll.u32 v19, v1  }
0x17f: {  	v19 =	vbroadcast v19, $0x0  }
0x180: {  	[tilespmem:v18+s21+$0x0] =	vst.idx.msk $0xffff, v17  }
0x181: {  	v18 =	vadd.s32 v15, v19;
	v17 =	vld [tilespmem:s23+$0xFFFFFFE0];
	_ =	sdelay $0x4  }
0x182: {  	[tilespmem:v18+s21+$0x0] =	vst.idx.msk $0xffff, v17  }
0x183: {  	s28 =	sadd.s32 $0xFFFFFFF9, s24;
	v18 =	vadd.s32 v16, v19;
	v17 =	vld [tilespmem:s23+$0xFFFFFFF0]  }
0x184: {  	v19 =	vmov s28  }
0x185: {  	v19 =	vshrl.u32 v19, $0x3  }
0x186: {  	v19 =	vshll.u32 v19, v1  }
0x187: {  	v19 =	vbroadcast v19, $0x0  }
0x188: {  	[tilespmem:v18+s21+$0x0] =	vst.idx.msk $0xffff, v17  }
0x189: {  	v18 =	vadd.s32 v0, v19;
	v17 =	vld [tilespmem:s23+$0x0];
	_ =	sdelay $0x4  }
0x18a: {  	[tilespmem:v18+s21+$0x0] =	vst.idx.msk $0xffff, v17  }
0x18b: {  	s26 =	sadd.s32 $0xFFFFFFFA, s24;
	v18 =	vadd.s32 v2, v19;
	v17 =	vld [tilespmem:s23+$0x10]  }
0x18c: {  	v19 =	vmov s26  }
0x18d: {  	v19 =	vshrl.u32 v19, $0x3  }
0x18e: {  	v19 =	vshll.u32 v19, v1  }
0x18f: {  	v19 =	vbroadcast v19, $0x0  }
0x190: {  	[tilespmem:v18+s21+$0x0] =	vst.idx.msk $0xffff, v17  }
0x191: {  	v18 =	vadd.s32 v3, v19;
	v17 =	vld [tilespmem:s23+$0x20];
	_ =	sdelay $0x4  }
0x192: {  	[tilespmem:v18+s21+$0x0] =	vst.idx.msk $0xffff, v17  }
0x193: {  	s28 =	sadd.s32 $0xFFFFFFFB, s24;
	v18 =	vadd.s32 v4, v19;
	v17 =	vld [tilespmem:s23+$0x30]  }
0x194: {  	v19 =	vmov s28  }
0x195: {  	v19 =	vshrl.u32 v19, $0x3  }
0x196: {  	v19 =	vshll.u32 v19, v1  }
0x197: {  	v19 =	vbroadcast v19, $0x0  }
0x198: {  	[tilespmem:v18+s21+$0x0] =	vst.idx.msk $0xffff, v17  }
0x199: {  	v18 =	vadd.s32 v5, v19;
	v17 =	vld [tilespmem:s23+$0x40];
	_ =	sdelay $0x4  }
0x19a: {  	[tilespmem:v18+s21+$0x0] =	vst.idx.msk $0xffff, v17  }
0x19b: {  	s26 =	sadd.s32 $0xFFFFFFFC, s24;
	v18 =	vadd.s32 v6, v19;
	v17 =	vld [tilespmem:s23+$0x50]  }
0x19c: {  	v19 =	vmov s26  }
0x19d: {  	v19 =	vshrl.u32 v19, $0x3  }
0x19e: {  	v19 =	vshll.u32 v19, v1  }
0x19f: {  	v19 =	vbroadcast v19, $0x0  }
0x1a0: {  	[tilespmem:v18+s21+$0x0] =	vst.idx.msk $0xffff, v17  }
0x1a1: {  	v18 =	vadd.s32 v7, v19;
	v17 =	vld [tilespmem:s23+$0x60];
	_ =	sdelay $0x4  }
0x1a2: {  	[tilespmem:v18+s21+$0x0] =	vst.idx.msk $0xffff, v17  }
0x1a3: {  	s28 =	sadd.s32 $0xFFFFFFFD, s24;
	v18 =	vadd.s32 v8, v19;
	v17 =	vld [tilespmem:s23+$0x70]  }
0x1a4: {  	v19 =	vmov s28  }
0x1a5: {  	v19 =	vshrl.u32 v19, $0x3  }
0x1a6: {  	v19 =	vshll.u32 v19, v1  }
0x1a7: {  	v19 =	vbroadcast v19, $0x0  }
0x1a8: {  	[tilespmem:v18+s21+$0x0] =	vst.idx.msk $0xffff, v17  }
0x1a9: {  	v18 =	vadd.s32 v9, v19;
	v17 =	vld [tilespmem:s23+$0x80];
	_ =	sdelay $0x4  }
0x1aa: {  	[tilespmem:v18+s21+$0x0] =	vst.idx.msk $0xffff, v17  }
0x1ab: {  	s26 =	sadd.s32 $0xFFFFFFFE, s24;
	v18 =	vadd.s32 v10, v19;
	v17 =	vld [tilespmem:s23+$0x90]  }
0x1ac: {  	v19 =	vmov s26  }
0x1ad: {  	v19 =	vshrl.u32 v19, $0x3  }
0x1ae: {  	v19 =	vshll.u32 v19, v1  }
0x1af: {  	v19 =	vbroadcast v19, $0x0  }
0x1b0: {  	[tilespmem:v18+s21+$0x0] =	vst.idx.msk $0xffff, v17  }
0x1b1: {  	v18 =	vadd.s32 v11, v19;
	v17 =	vld [tilespmem:s23+$0xA0];
	_ =	sdelay $0x4  }
0x1b2: {  	[tilespmem:v18+s21+$0x0] =	vst.idx.msk $0xffff, v17  }
0x1b3: {  	s28 =	sadd.s32 $0xFFFFFFFF, s24;
	v18 =	vadd.s32 v12, v19;
	v17 =	vld [tilespmem:s23+$0xB0]  }
0x1b4: {  	v19 =	vmov s28  }
0x1b5: {  	v19 =	vshrl.u32 v19, $0x3  }
0x1b6: {  	v19 =	vshll.u32 v19, v1  }
0x1b7: {  	v19 =	vbroadcast v19, $0x0  }
0x1b8: {  	[tilespmem:v18+s21+$0x0] =	vst.idx.msk $0xffff, v17  }
0x1b9: {  	v18 =	vadd.s32 v13, v19;
	v17 =	vld [tilespmem:s23+$0xC0];
	_ =	sdelay $0x4  }
0x1ba: {  	[tilespmem:v18+s21+$0x0] =	vst.idx.msk $0xffff, v17  }
0x1bb: {  	v18 =	vadd.s32 v14, v19;
	v17 =	vld [tilespmem:s23+$0xD0]  }
0x1bc: {  	v19 =	vmov s24  }
0x1bd: {  	v19 =	vshrl.u32 v19, $0x3  }
0x1be: {  	v19 =	vshll.u32 v19, v1  }
0x1bf: {  	v19 =	vbroadcast v19, $0x0  }
0x1c0: {  	[tilespmem:v18+s21+$0x0] =	vst.idx.msk $0xffff, v17  }
0x1c1: {  	v18 =	vadd.s32 v15, v19;
	v17 =	vld [tilespmem:s23+$0xE0];
	_ =	sdelay $0x4  }
0x1c2: {  	[tilespmem:v18+s21+$0x0] =	vst.idx.msk $0xffff, v17  }
0x1c3: {  	v18 =	vadd.s32 v16, v19;
	v17 =	vld [tilespmem:s23+$0xF0];
	_ =	sdelay $0x2  }
0x1c4: {  	s24 =	sshll.u32 s19, $0xF  }
0x1c5: {  	s25 =	rddreg [dreg:$0x1];
	s23 =	sor.u32 s6, s24  }
0x1c6: {  	s24 =	sadd.s32 s25, s23;
	[tilespmem:v18+s21+$0x0] =	vst.idx.msk $0xffff, v17  }
0x1c7: {  	[hbm4b:s24+s3] =	stream.linear.scatter [tilespmem:s21], [sflag:$0x3], $0x80, $0x38;
	[tilespmem:$0xA600] =	vst v63  }
0x1c8: {  	s28 =	simm.s32 $0x8488;
	s26 =	sadd.s32 $0x10, s24  }
0x1c9: {  	[hbm4b:s26+s3] =	stream.linear.scatter [tilespmem:s28], [sflag:$0x3], $0x80, $0x38;
	[tilespmem:$0xA600] =	vst v63  }
0x1ca: {  	s26 =	sadd.s32 $0x20, s24;
	s28 =	simm.s32 $0x8510  }
0x1cb: {  	[hbm4b:s26+s3] =	stream.linear.scatter [tilespmem:s28], [sflag:$0x3], $0x80, $0x38;
	[tilespmem:$0xA600] =	vst v63  }
0x1cc: {  	s26 =	sadd.s32 $0x30, s24;
	s28 =	simm.s32 $0x8598  }
0x1cd: {  	[hbm4b:s26+s3] =	stream.linear.scatter [tilespmem:s28], [sflag:$0x3], $0x80, $0x38;
	[tilespmem:$0xA600] =	vst v63  }
0x1ce: {  	s26 =	sadd.s32 $0x40, s24;
	s28 =	simm.s32 $0x8620  }
0x1cf: {  	[hbm4b:s26+s3] =	stream.linear.scatter [tilespmem:s28], [sflag:$0x3], $0x80, $0x38;
	[tilespmem:$0xA600] =	vst v63  }
0x1d0: {  	s26 =	sadd.s32 $0x50, s24;
	s28 =	simm.s32 $0x86A8  }
0x1d1: {  	[hbm4b:s26+s3] =	stream.linear.scatter [tilespmem:s28], [sflag:$0x3], $0x80, $0x38;
	[tilespmem:$0xA600] =	vst v63  }
0x1d2: {  	s26 =	sadd.s32 $0x60, s24;
	s28 =	simm.s32 $0x8730  }
0x1d3: {  	[hbm4b:s26+s3] =	stream.linear.scatter [tilespmem:s28], [sflag:$0x3], $0x80, $0x38;
	[tilespmem:$0xA600] =	vst v63  }
0x1d4: {  	s24 =	sadd.s32 $0x70, s24;
	s26 =	simm.s32 $0x87B8  }
0x1d5: {  	[hbm4b:s24+s3] =	stream.linear.scatter [tilespmem:s26], [sflag:$0x3], $0x80, $0x38;
	[tilespmem:$0xA600] =	vst v63  }
0x1d6: {  	s28 =	simm.s32 $0x8840;
	s24 =	sadd.s32 s23, s7  }
0x1d7: {  	[hbm4b:s24+s3] =	stream.linear.scatter [tilespmem:s28], [sflag:$0x3], $0x80, $0x38;
	[tilespmem:$0xA600] =	vst v63  }
0x1d8: {  	s26 =	sadd.s32 $0x10, s24;
	s28 =	simm.s32 $0x88C8  }
0x1d9: {  	[hbm4b:s26+s3] =	stream.linear.scatter [tilespmem:s28], [sflag:$0x3], $0x80, $0x38;
	[tilespmem:$0xA600] =	vst v63  }
0x1da: {  	s26 =	sadd.s32 $0x20, s24;
	s28 =	simm.s32 $0x8950  }
0x1db: {  	[hbm4b:s26+s3] =	stream.linear.scatter [tilespmem:s28], [sflag:$0x3], $0x80, $0x38;
	[tilespmem:$0xA600] =	vst v63  }
0x1dc: {  	s26 =	sadd.s32 $0x30, s24;
	s28 =	simm.s32 $0x89D8  }
0x1dd: {  	[hbm4b:s26+s3] =	stream.linear.scatter [tilespmem:s28], [sflag:$0x3], $0x80, $0x38;
	[tilespmem:$0xA600] =	vst v63  }
0x1de: {  	s26 =	sadd.s32 $0x40, s24;
	s28 =	simm.s32 $0x8A60  }
0x1df: {  	[hbm4b:s26+s3] =	stream.linear.scatter [tilespmem:s28], [sflag:$0x3], $0x80, $0x38;
	[tilespmem:$0xA600] =	vst v63  }
0x1e0: {  	s26 =	sadd.s32 $0x50, s24;
	s28 =	simm.s32 $0x8AE8  }
0x1e1: {  	[hbm4b:s26+s3] =	stream.linear.scatter [tilespmem:s28], [sflag:$0x3], $0x80, $0x38;
	[tilespmem:$0xA600] =	vst v63  }
0x1e2: {  	s26 =	sadd.s32 $0x60, s24;
	s28 =	simm.s32 $0x8B70  }
0x1e3: {  	[hbm4b:s26+s3] =	stream.linear.scatter [tilespmem:s28], [sflag:$0x3], $0x80, $0x38;
	[tilespmem:$0xA600] =	vst v63  }
0x1e4: {  	s24 =	sadd.s32 $0x70, s24;
	s26 =	simm.s32 $0x8BF8  }
0x1e5: {  	[hbm4b:s24+s3] =	stream.linear.scatter [tilespmem:s26], [sflag:$0x3], $0x80, $0x38;
	[tilespmem:$0xA600] =	vst v63  }
0x1e6: {  	s28 =	simm.s32 $0x8C80;
	s24 =	sadd.s32 s23, s8  }
0x1e7: {  	[hbm4b:s24+s3] =	stream.linear.scatter [tilespmem:s28], [sflag:$0x3], $0x80, $0x38;
	[tilespmem:$0xA600] =	vst v63  }
0x1e8: {  	s26 =	sadd.s32 $0x10, s24;
	s28 =	simm.s32 $0x8D08  }
0x1e9: {  	[hbm4b:s26+s3] =	stream.linear.scatter [tilespmem:s28], [sflag:$0x3], $0x80, $0x38;
	[tilespmem:$0xA600] =	vst v63  }
0x1ea: {  	s26 =	sadd.s32 $0x20, s24;
	s28 =	simm.s32 $0x8D90  }
0x1eb: {  	[hbm4b:s26+s3] =	stream.linear.scatter [tilespmem:s28], [sflag:$0x3], $0x80, $0x38;
	[tilespmem:$0xA600] =	vst v63  }
0x1ec: {  	s26 =	sadd.s32 $0x30, s24;
	s28 =	simm.s32 $0x8E18  }
0x1ed: {  	[hbm4b:s26+s3] =	stream.linear.scatter [tilespmem:s28], [sflag:$0x3], $0x80, $0x38;
	[tilespmem:$0xA600] =	vst v63  }
0x1ee: {  	s26 =	sadd.s32 $0x40, s24;
	s28 =	simm.s32 $0x8EA0  }
0x1ef: {  	[hbm4b:s26+s3] =	stream.linear.scatter [tilespmem:s28], [sflag:$0x3], $0x80, $0x38;
	[tilespmem:$0xA600] =	vst v63  }
0x1f0: {  	s26 =	sadd.s32 $0x50, s24;
	s28 =	simm.s32 $0x8F28  }
0x1f1: {  	[hbm4b:s26+s3] =	stream.linear.scatter [tilespmem:s28], [sflag:$0x3], $0x80, $0x38;
	[tilespmem:$0xA600] =	vst v63  }
0x1f2: {  	s26 =	sadd.s32 $0x60, s24;
	s28 =	simm.s32 $0x8FB0  }
0x1f3: {  	[hbm4b:s26+s3] =	stream.linear.scatter [tilespmem:s28], [sflag:$0x3], $0x80, $0x38;
	[tilespmem:$0xA600] =	vst v63  }
0x1f4: {  	s24 =	sadd.s32 $0x70, s24;
	s26 =	simm.s32 $0x9038  }
0x1f5: {  	[hbm4b:s24+s3] =	stream.linear.scatter [tilespmem:s26], [sflag:$0x3], $0x80, $0x38;
	[tilespmem:$0xA600] =	vst v63  }
0x1f6: {  	s28 =	simm.s32 $0x90C0;
	s24 =	sadd.s32 s23, s9  }
0x1f7: {  	[hbm4b:s24+s3] =	stream.linear.scatter [tilespmem:s28], [sflag:$0x3], $0x80, $0x38;
	[tilespmem:$0xA600] =	vst v63  }
0x1f8: {  	s26 =	sadd.s32 $0x10, s24;
	s28 =	simm.s32 $0x9148  }
0x1f9: {  	[hbm4b:s26+s3] =	stream.linear.scatter [tilespmem:s28], [sflag:$0x3], $0x80, $0x38;
	[tilespmem:$0xA600] =	vst v63  }
0x1fa: {  	s26 =	sadd.s32 $0x20, s24;
	s28 =	simm.s32 $0x91D0  }
0x1fb: {  	[hbm4b:s26+s3] =	stream.linear.scatter [tilespmem:s28], [sflag:$0x3], $0x80, $0x38;
	[tilespmem:$0xA600] =	vst v63  }
0x1fc: {  	s26 =	sadd.s32 $0x30, s24;
	s28 =	simm.s32 $0x9258  }
0x1fd: {  	[hbm4b:s26+s3] =	stream.linear.scatter [tilespmem:s28], [sflag:$0x3], $0x80, $0x38;
	[tilespmem:$0xA600] =	vst v63  }
0x1fe: {  	s26 =	sadd.s32 $0x40, s24;
	s28 =	simm.s32 $0x92E0  }
0x1ff: {  	[hbm4b:s26+s3] =	stream.linear.scatter [tilespmem:s28], [sflag:$0x3], $0x80, $0x38;
	[tilespmem:$0xA600] =	vst v63  }
0x200: {  	p1 =	sne.s32 s19, $0x63;
	s26 =	sadd.s32 $0x50, s24;
	s28 =	simm.s32 $0x9368  }
0x201: {  	[hbm4b:s26+s3] =	stream.linear.scatter [tilespmem:s28], [sflag:$0x3], $0x80, $0x38;
	[tilespmem:$0xA600] =	vst v63  }
.Ltmp3:
0x202: {  	_ = 	snop;
	(pc) =	sbr.rel @p1 .LBB2_6-.Ltmp3, $4  }
0x203: {  	s26 =	sadd.s32 $0x60, s24;
	s28 =	simm.s32 $0x93F0  }
0x204: {  	[hbm4b:s26+s3] =	stream.linear.scatter [tilespmem:s28], [sflag:$0x3], $0x80, $0x38;
	[tilespmem:$0xA600] =	vst v63  }
0x205: {  	s24 =	sadd.s32 $0x70, s24;
	s28 =	simm.s32 $0x9478  }
0x206: {  	[hbm4b:s24+s3] =	stream.linear.scatter [tilespmem:s28], [sflag:$0x3], $0x80, $0x38;
	[tilespmem:$0xA600] =	vst v63  }
.Ltmp4:
0x207: {  	(pc) =	sbr.rel .LBB2_7-.Ltmp4, $4  }
0x208: {  	_ = 	snop  }
0x209: {  	_ =	swait.ge [sflag:s14], $0x1000  }
0x20a: {  	[sflag:s14] =	ssyncset.done $0x0  }
0x20b: {  	[sflag:s14] =	ssyncadd.s32 $0xFFFFF000  }
.LBB2_6:
0x20c: {  	s24 =	sshrl.u32 s22, $0x2  }
.Ltmp5:
0x20d: {  	s25 =	simm.s32 $0x6400;
	s24 =	sadd.s32 $0x100, s24;
	(pc) =	sbr.rel @p0 .LBB2_8-.Ltmp5, $4  }
0x20e: {  	[tilespmem:s25], [sflag:$0x1] =	stream.indirect.gather [hbm4b:s4+s15], $0x20, s24, s15, $0xb8;
	[tilespmem:$0xA600] =	vst v63  }
0x20f: {  	_ =	swait.ge [sflag:s14], $0x1000  }
0x210: {  	[sflag:s14] =	ssyncset.done $0x0  }
0x211: {  	[sflag:s14] =	ssyncadd.s32 $0xFFFFF000  }
.LBB2_7:
0x212: {  	_ =	swait.ge [sflag:s17], $0x400  }
0x213: {  	[sflag:s17] =	ssyncset.done $0x0  }
0x214: {  	[sflag:s17] =	ssyncadd.s32 $0xFFFFFC00  }
0x215: {  	_ =	swait.ge [sflag:s17], $0x400  }
0x216: {  	[sflag:s17] =	ssyncset.done $0x0  }
0x217: {  	[sflag:s17] =	ssyncadd.s32 $0xFFFFFC00  }
0x218: {  	_ =	swait.ge [sflag:s17], $0x400  }
0x219: {  	[sflag:s17] =	ssyncset.done $0x0  }
0x21a: {  	[sflag:s17] =	ssyncadd.s32 $0xFFFFFC00  }
0x21b: {  	_ =	swait.ge [sflag:s17], $0x400  }
0x21c: {  	[sflag:s17] =	ssyncset.done $0x0  }
0x21d: {  	[sflag:s17] =	ssyncadd.s32 $0xFFFFFC00  }
.LBB2_8:
0x21e: {  	s24 =	simm.s32 $0x0  }
0x21f: {  	v17 =	vmov s24  }
0x220: {  	v17 =	vshrl.u32 v17, $0x3  }
0x221: {  	v17 =	vshll.u32 v17, v1  }
0x222: {  	v17 =	vbroadcast v17, $0x0  }
0x223: {  	s24 =	simm.s32 $0x75F0  }
0x224: {  	v18 =	vld [tilespmem:s24+$0xFFFFFE10];
	v19 =	vadd.s32 v0, v17;
	_ =	sdelay $0x4  }
0x225: {  	[tilespmem:v19+s18+$0x0] =	vst.idx.msk $0xffff, v18  }
0x226: {  	s25 =	simm.s32 $0x1;
	v17 =	vadd.s32 v2, v17;
	v18 =	vld [tilespmem:s24+$0xFFFFFE20]  }
0x227: {  	v19 =	vmov s25  }
0x228: {  	v19 =	vshrl.u32 v19, $0x3  }
0x229: {  	v19 =	vshll.u32 v19, v1  }
0x22a: {  	v19 =	vbroadcast v19, $0x0  }
0x22b: {  	[tilespmem:v17+s18+$0x0] =	vst.idx.msk $0xffff, v18  }
0x22c: {  	v18 =	vadd.s32 v3, v19;
	v17 =	vld [tilespmem:s24+$0xFFFFFE30];
	_ =	sdelay $0x4  }
0x22d: {  	[tilespmem:v18+s18+$0x0] =	vst.idx.msk $0xffff, v17  }
0x22e: {  	s26 =	simm.s32 $0x2;
	v18 =	vadd.s32 v4, v19;
	v17 =	vld [tilespmem:s24+$0xFFFFFE40]  }
0x22f: {  	v19 =	vmov s26  }
0x230: {  	v19 =	vshrl.u32 v19, $0x3  }
0x231: {  	v19 =	vshll.u32 v19, v1  }
0x232: {  	v19 =	vbroadcast v19, $0x0  }
0x233: {  	[tilespmem:v18+s18+$0x0] =	vst.idx.msk $0xffff, v17  }
0x234: {  	v18 =	vadd.s32 v5, v19;
	v17 =	vld [tilespmem:s24+$0xFFFFFE50];
	_ =	sdelay $0x4  }
0x235: {  	[tilespmem:v18+s18+$0x0] =	vst.idx.msk $0xffff, v17  }
0x236: {  	s26 =	simm.s32 $0x3;
	v18 =	vadd.s32 v6, v19;
	v17 =	vld [tilespmem:s24+$0xFFFFFE60]  }
0x237: {  	v19 =	vmov s26  }
0x238: {  	v19 =	vshrl.u32 v19, $0x3  }
0x239: {  	v19 =	vshll.u32 v19, v1  }
0x23a: {  	v19 =	vbroadcast v19, $0x0  }
0x23b: {  	[tilespmem:v18+s18+$0x0] =	vst.idx.msk $0xffff, v17  }
0x23c: {  	v18 =	vadd.s32 v7, v19;
	v17 =	vld [tilespmem:s24+$0xFFFFFE70];
	_ =	sdelay $0x4  }
0x23d: {  	[tilespmem:v18+s18+$0x0] =	vst.idx.msk $0xffff, v17  }
0x23e: {  	s26 =	simm.s32 $0x4;
	v18 =	vadd.s32 v8, v19;
	v17 =	vld [tilespmem:s24+$0xFFFFFE80]  }
0x23f: {  	v19 =	vmov s26  }
0x240: {  	v19 =	vshrl.u32 v19, $0x3  }
0x241: {  	v19 =	vshll.u32 v19, v1  }
0x242: {  	v19 =	vbroadcast v19, $0x0  }
0x243: {  	[tilespmem:v18+s18+$0x0] =	vst.idx.msk $0xffff, v17  }
0x244: {  	v18 =	vadd.s32 v9, v19;
	v17 =	vld [tilespmem:s24+$0xFFFFFE90];
	_ =	sdelay $0x4  }
0x245: {  	[tilespmem:v18+s18+$0x0] =	vst.idx.msk $0xffff, v17  }
0x246: {  	s26 =	simm.s32 $0x5;
	v18 =	vadd.s32 v10, v19;
	v17 =	vld [tilespmem:s24+$0xFFFFFEA0]  }
0x247: {  	v19 =	vmov s26  }
0x248: {  	v19 =	vshrl.u32 v19, $0x3  }
0x249: {  	v19 =	vshll.u32 v19, v1  }
0x24a: {  	v19 =	vbroadcast v19, $0x0  }
0x24b: {  	[tilespmem:v18+s18+$0x0] =	vst.idx.msk $0xffff, v17  }
0x24c: {  	v18 =	vadd.s32 v11, v19;
	v17 =	vld [tilespmem:s24+$0xFFFFFEB0];
	_ =	sdelay $0x4  }
0x24d: {  	[tilespmem:v18+s18+$0x0] =	vst.idx.msk $0xffff, v17  }
0x24e: {  	s26 =	simm.s32 $0x6;
	v18 =	vadd.s32 v12, v19;
	v17 =	vld [tilespmem:s24+$0xFFFFFEC0]  }
0x24f: {  	v19 =	vmov s26  }
0x250: {  	v19 =	vshrl.u32 v19, $0x3  }
0x251: {  	v19 =	vshll.u32 v19, v1  }
0x252: {  	v19 =	vbroadcast v19, $0x0  }
0x253: {  	[tilespmem:v18+s18+$0x0] =	vst.idx.msk $0xffff, v17  }
0x254: {  	v18 =	vadd.s32 v13, v19;
	v17 =	vld [tilespmem:s24+$0xFFFFFED0];
	_ =	sdelay $0x4  }
0x255: {  	[tilespmem:v18+s18+$0x0] =	vst.idx.msk $0xffff, v17  }
0x256: {  	s26 =	simm.s32 $0x7;
	v18 =	vadd.s32 v14, v19;
	v17 =	vld [tilespmem:s24+$0xFFFFFEE0]  }
0x257: {  	v19 =	vmov s26  }
0x258: {  	v19 =	vshrl.u32 v19, $0x3  }
0x259: {  	v19 =	vshll.u32 v19, v1  }
0x25a: {  	v19 =	vbroadcast v19, $0x0  }
0x25b: {  	[tilespmem:v18+s18+$0x0] =	vst.idx.msk $0xffff, v17  }
0x25c: {  	v18 =	vadd.s32 v15, v19;
	v17 =	vld [tilespmem:s24+$0xFFFFFEF0];
	_ =	sdelay $0x4  }
0x25d: {  	[tilespmem:v18+s18+$0x0] =	vst.idx.msk $0xffff, v17  }
0x25e: {  	s26 =	simm.s32 $0x8;
	v18 =	vadd.s32 v16, v19;
	v17 =	vld [tilespmem:s24+$0xFFFFFF00]  }
0x25f: {  	v19 =	vmov s26  }
0x260: {  	v19 =	vshrl.u32 v19, $0x3  }
0x261: {  	v19 =	vshll.u32 v19, v1  }
0x262: {  	v19 =	vbroadcast v19, $0x0  }
0x263: {  	[tilespmem:v18+s18+$0x0] =	vst.idx.msk $0xffff, v17  }
0x264: {  	v18 =	vadd.s32 v0, v19;
	v17 =	vld [tilespmem:s24+$0xFFFFFF10];
	_ =	sdelay $0x4  }
0x265: {  	[tilespmem:v18+s18+$0x0] =	vst.idx.msk $0xffff, v17  }
0x266: {  	s26 =	simm.s32 $0x9;
	v18 =	vadd.s32 v2, v19;
	v17 =	vld [tilespmem:s24+$0xFFFFFF20]  }
0x267: {  	v19 =	vmov s26  }
0x268: {  	v19 =	vshrl.u32 v19, $0x3  }
0x269: {  	v19 =	vshll.u32 v19, v1  }
0x26a: {  	v19 =	vbroadcast v19, $0x0  }
0x26b: {  	[tilespmem:v18+s18+$0x0] =	vst.idx.msk $0xffff, v17  }
0x26c: {  	v18 =	vadd.s32 v3, v19;
	v17 =	vld [tilespmem:s24+$0xFFFFFF30];
	_ =	sdelay $0x4  }
0x26d: {  	[tilespmem:v18+s18+$0x0] =	vst.idx.msk $0xffff, v17  }
0x26e: {  	s26 =	simm.s32 $0xA;
	v18 =	vadd.s32 v4, v19;
	v17 =	vld [tilespmem:s24+$0xFFFFFF40]  }
0x26f: {  	v19 =	vmov s26  }
0x270: {  	v19 =	vshrl.u32 v19, $0x3  }
0x271: {  	v19 =	vshll.u32 v19, v1  }
0x272: {  	v19 =	vbroadcast v19, $0x0  }
0x273: {  	[tilespmem:v18+s18+$0x0] =	vst.idx.msk $0xffff, v17  }
0x274: {  	v18 =	vadd.s32 v5, v19;
	v17 =	vld [tilespmem:s24+$0xFFFFFF50];
	_ =	sdelay $0x4  }
0x275: {  	[tilespmem:v18+s18+$0x0] =	vst.idx.msk $0xffff, v17  }
0x276: {  	s26 =	simm.s32 $0xB;
	v18 =	vadd.s32 v6, v19;
	v17 =	vld [tilespmem:s24+$0xFFFFFF60]  }
0x277: {  	v19 =	vmov s26  }
0x278: {  	v19 =	vshrl.u32 v19, $0x3  }
0x279: {  	v19 =	vshll.u32 v19, v1  }
0x27a: {  	v19 =	vbroadcast v19, $0x0  }
0x27b: {  	[tilespmem:v18+s18+$0x0] =	vst.idx.msk $0xffff, v17  }
0x27c: {  	v18 =	vadd.s32 v7, v19;
	v17 =	vld [tilespmem:s24+$0xFFFFFF70];
	_ =	sdelay $0x4  }
0x27d: {  	[tilespmem:v18+s18+$0x0] =	vst.idx.msk $0xffff, v17  }
0x27e: {  	s26 =	simm.s32 $0xC;
	v18 =	vadd.s32 v8, v19;
	v17 =	vld [tilespmem:s24+$0xFFFFFF80]  }
0x27f: {  	v19 =	vmov s26  }
0x280: {  	v19 =	vshrl.u32 v19, $0x3  }
0x281: {  	v19 =	vshll.u32 v19, v1  }
0x282: {  	v19 =	vbroadcast v19, $0x0  }
0x283: {  	[tilespmem:v18+s18+$0x0] =	vst.idx.msk $0xffff, v17  }
0x284: {  	v18 =	vadd.s32 v9, v19;
	v17 =	vld [tilespmem:s24+$0xFFFFFF90];
	_ =	sdelay $0x4  }
0x285: {  	[tilespmem:v18+s18+$0x0] =	vst.idx.msk $0xffff, v17  }
0x286: {  	s26 =	simm.s32 $0xD;
	v18 =	vadd.s32 v10, v19;
	v17 =	vld [tilespmem:s24+$0xFFFFFFA0]  }
0x287: {  	v19 =	vmov s26  }
0x288: {  	v19 =	vshrl.u32 v19, $0x3  }
0x289: {  	v19 =	vshll.u32 v19, v1  }
0x28a: {  	v19 =	vbroadcast v19, $0x0  }
0x28b: {  	[tilespmem:v18+s18+$0x0] =	vst.idx.msk $0xffff, v17  }
0x28c: {  	v18 =	vadd.s32 v11, v19;
	v17 =	vld [tilespmem:s24+$0xFFFFFFB0];
	_ =	sdelay $0x4  }
0x28d: {  	[tilespmem:v18+s18+$0x0] =	vst.idx.msk $0xffff, v17  }
0x28e: {  	s26 =	simm.s32 $0xE;
	v18 =	vadd.s32 v12, v19;
	v17 =	vld [tilespmem:s24+$0xFFFFFFC0]  }
0x28f: {  	v19 =	vmov s26  }
0x290: {  	v19 =	vshrl.u32 v19, $0x3  }
0x291: {  	v19 =	vshll.u32 v19, v1  }
0x292: {  	v19 =	vbroadcast v19, $0x0  }
0x293: {  	[tilespmem:v18+s18+$0x0] =	vst.idx.msk $0xffff, v17  }
0x294: {  	v18 =	vadd.s32 v13, v19;
	v17 =	vld [tilespmem:s24+$0xFFFFFFD0];
	_ =	sdelay $0x4  }
0x295: {  	[tilespmem:v18+s18+$0x0] =	vst.idx.msk $0xffff, v17  }
0x296: {  	s26 =	simm.s32 $0xF;
	v18 =	vadd.s32 v14, v19;
	v17 =	vld [tilespmem:s24+$0xFFFFFFE0]  }
0x297: {  	v19 =	vmov s26  }
0x298: {  	v19 =	vshrl.u32 v19, $0x3  }
0x299: {  	v19 =	vshll.u32 v19, v1  }
0x29a: {  	v19 =	vbroadcast v19, $0x0  }
0x29b: {  	[tilespmem:v18+s18+$0x0] =	vst.idx.msk $0xffff, v17  }
0x29c: {  	v18 =	vadd.s32 v15, v19;
	v17 =	vld [tilespmem:s24+$0xFFFFFFF0];
	_ =	sdelay $0x4  }
0x29d: {  	[tilespmem:v18+s18+$0x0] =	vst.idx.msk $0xffff, v17  }
0x29e: {  	s28 =	simm.s32 $0x10;
	s25 =	simm.s32 $0x1F;
	s26 =	simm.s32 $0x2F;
	v18 =	vadd.s32 v16, v19;
	v17 =	vld [tilespmem:s24+$0x0]  }
.LBB2_9:
0x29f: {  	p0 =	sne.s32 s26, $0x7F;
	v19 =	vmov s28  }
0x2a0: {  	v19 =	vshrl.u32 v19, $0x3  }
0x2a1: {  	v19 =	vshll.u32 v19, v1  }
0x2a2: {  	v19 =	vbroadcast v19, $0x0  }
0x2a3: {  	s24 =	sadd.s32 $0x200, s24;
	[tilespmem:v18+s18+$0x0] =	vst.idx.msk $0xffff, v17  }
0x2a4: {  	v17 =	vld [tilespmem:s24+$0xFFFFFE10];
	v18 =	vadd.s32 v0, v19;
	_ =	sdelay $0x4  }
0x2a5: {  	[tilespmem:v18+s18+$0x0] =	vst.idx.msk $0xffff, v17  }
0x2a6: {  	s28 =	sadd.s32 $0xFFFFFFF2, s25;
	v18 =	vadd.s32 v2, v19;
	v17 =	vld [tilespmem:s24+$0xFFFFFE20]  }
0x2a7: {  	v19 =	vmov s28  }
0x2a8: {  	v19 =	vshrl.u32 v19, $0x3  }
0x2a9: {  	v19 =	vshll.u32 v19, v1  }
0x2aa: {  	v19 =	vbroadcast v19, $0x0  }
0x2ab: {  	[tilespmem:v18+s18+$0x0] =	vst.idx.msk $0xffff, v17  }
0x2ac: {  	v18 =	vadd.s32 v3, v19;
	v17 =	vld [tilespmem:s24+$0xFFFFFE30];
	_ =	sdelay $0x4  }
0x2ad: {  	[tilespmem:v18+s18+$0x0] =	vst.idx.msk $0xffff, v17  }
0x2ae: {  	s28 =	sadd.s32 $0xFFFFFFF3, s25;
	v18 =	vadd.s32 v4, v19;
	v17 =	vld [tilespmem:s24+$0xFFFFFE40]  }
0x2af: {  	v19 =	vmov s28  }
0x2b0: {  	v19 =	vshrl.u32 v19, $0x3  }
0x2b1: {  	v19 =	vshll.u32 v19, v1  }
0x2b2: {  	v19 =	vbroadcast v19, $0x0  }
0x2b3: {  	[tilespmem:v18+s18+$0x0] =	vst.idx.msk $0xffff, v17  }
0x2b4: {  	v18 =	vadd.s32 v5, v19;
	v17 =	vld [tilespmem:s24+$0xFFFFFE50];
	_ =	sdelay $0x4  }
0x2b5: {  	[tilespmem:v18+s18+$0x0] =	vst.idx.msk $0xffff, v17  }
0x2b6: {  	s28 =	sadd.s32 $0xFFFFFFF4, s25;
	v18 =	vadd.s32 v6, v19;
	v17 =	vld [tilespmem:s24+$0xFFFFFE60]  }
0x2b7: {  	v19 =	vmov s28  }
0x2b8: {  	v19 =	vshrl.u32 v19, $0x3  }
0x2b9: {  	v19 =	vshll.u32 v19, v1  }
0x2ba: {  	v19 =	vbroadcast v19, $0x0  }
0x2bb: {  	[tilespmem:v18+s18+$0x0] =	vst.idx.msk $0xffff, v17  }
0x2bc: {  	v18 =	vadd.s32 v7, v19;
	v17 =	vld [tilespmem:s24+$0xFFFFFE70];
	_ =	sdelay $0x4  }
0x2bd: {  	[tilespmem:v18+s18+$0x0] =	vst.idx.msk $0xffff, v17  }
0x2be: {  	s28 =	sadd.s32 $0xFFFFFFF5, s25;
	v18 =	vadd.s32 v8, v19;
	v17 =	vld [tilespmem:s24+$0xFFFFFE80]  }
0x2bf: {  	v19 =	vmov s28  }
0x2c0: {  	v19 =	vshrl.u32 v19, $0x3  }
0x2c1: {  	v19 =	vshll.u32 v19, v1  }
0x2c2: {  	v19 =	vbroadcast v19, $0x0  }
0x2c3: {  	[tilespmem:v18+s18+$0x0] =	vst.idx.msk $0xffff, v17  }
0x2c4: {  	v18 =	vadd.s32 v9, v19;
	v17 =	vld [tilespmem:s24+$0xFFFFFE90];
	_ =	sdelay $0x4  }
0x2c5: {  	[tilespmem:v18+s18+$0x0] =	vst.idx.msk $0xffff, v17  }
0x2c6: {  	s28 =	sadd.s32 $0xFFFFFFF6, s25;
	v18 =	vadd.s32 v10, v19;
	v17 =	vld [tilespmem:s24+$0xFFFFFEA0]  }
0x2c7: {  	v19 =	vmov s28  }
0x2c8: {  	v19 =	vshrl.u32 v19, $0x3  }
0x2c9: {  	v19 =	vshll.u32 v19, v1  }
0x2ca: {  	v19 =	vbroadcast v19, $0x0  }
0x2cb: {  	[tilespmem:v18+s18+$0x0] =	vst.idx.msk $0xffff, v17  }
0x2cc: {  	v18 =	vadd.s32 v11, v19;
	v17 =	vld [tilespmem:s24+$0xFFFFFEB0];
	_ =	sdelay $0x4  }
0x2cd: {  	[tilespmem:v18+s18+$0x0] =	vst.idx.msk $0xffff, v17  }
0x2ce: {  	s28 =	sadd.s32 $0xFFFFFFF7, s25;
	v18 =	vadd.s32 v12, v19;
	v17 =	vld [tilespmem:s24+$0xFFFFFEC0]  }
0x2cf: {  	v19 =	vmov s28  }
0x2d0: {  	v19 =	vshrl.u32 v19, $0x3  }
0x2d1: {  	v19 =	vshll.u32 v19, v1  }
0x2d2: {  	v19 =	vbroadcast v19, $0x0  }
0x2d3: {  	[tilespmem:v18+s18+$0x0] =	vst.idx.msk $0xffff, v17  }
0x2d4: {  	v18 =	vadd.s32 v13, v19;
	v17 =	vld [tilespmem:s24+$0xFFFFFED0];
	_ =	sdelay $0x4  }
0x2d5: {  	[tilespmem:v18+s18+$0x0] =	vst.idx.msk $0xffff, v17  }
0x2d6: {  	s28 =	sadd.s32 $0xFFFFFFF8, s25;
	v18 =	vadd.s32 v14, v19;
	v17 =	vld [tilespmem:s24+$0xFFFFFEE0]  }
0x2d7: {  	v19 =	vmov s28  }
0x2d8: {  	v19 =	vshrl.u32 v19, $0x3  }
0x2d9: {  	v19 =	vshll.u32 v19, v1  }
0x2da: {  	v19 =	vbroadcast v19, $0x0  }
0x2db: {  	[tilespmem:v18+s18+$0x0] =	vst.idx.msk $0xffff, v17  }
0x2dc: {  	v18 =	vadd.s32 v15, v19;
	v17 =	vld [tilespmem:s24+$0xFFFFFEF0];
	_ =	sdelay $0x4  }
0x2dd: {  	[tilespmem:v18+s18+$0x0] =	vst.idx.msk $0xffff, v17  }
0x2de: {  	s28 =	sadd.s32 $0xFFFFFFF9, s25;
	v18 =	vadd.s32 v16, v19;
	v17 =	vld [tilespmem:s24+$0xFFFFFF00]  }
0x2df: {  	v19 =	vmov s28  }
0x2e0: {  	v19 =	vshrl.u32 v19, $0x3  }
0x2e1: {  	v19 =	vshll.u32 v19, v1  }
0x2e2: {  	v19 =	vbroadcast v19, $0x0  }
0x2e3: {  	[tilespmem:v18+s18+$0x0] =	vst.idx.msk $0xffff, v17  }
0x2e4: {  	v18 =	vadd.s32 v0, v19;
	v17 =	vld [tilespmem:s24+$0xFFFFFF10];
	_ =	sdelay $0x4  }
0x2e5: {  	[tilespmem:v18+s18+$0x0] =	vst.idx.msk $0xffff, v17  }
0x2e6: {  	s28 =	sadd.s32 $0xFFFFFFFA, s25;
	v18 =	vadd.s32 v2, v19;
	v17 =	vld [tilespmem:s24+$0xFFFFFF20]  }
0x2e7: {  	v19 =	vmov s28  }
0x2e8: {  	v19 =	vshrl.u32 v19, $0x3  }
0x2e9: {  	v19 =	vshll.u32 v19, v1  }
0x2ea: {  	v19 =	vbroadcast v19, $0x0  }
0x2eb: {  	[tilespmem:v18+s18+$0x0] =	vst.idx.msk $0xffff, v17  }
0x2ec: {  	v18 =	vadd.s32 v3, v19;
	v17 =	vld [tilespmem:s24+$0xFFFFFF30];
	_ =	sdelay $0x4  }
0x2ed: {  	[tilespmem:v18+s18+$0x0] =	vst.idx.msk $0xffff, v17  }
0x2ee: {  	s28 =	sadd.s32 $0xFFFFFFFB, s25;
	v18 =	vadd.s32 v4, v19;
	v17 =	vld [tilespmem:s24+$0xFFFFFF40]  }
0x2ef: {  	v19 =	vmov s28  }
0x2f0: {  	v19 =	vshrl.u32 v19, $0x3  }
0x2f1: {  	v19 =	vshll.u32 v19, v1  }
0x2f2: {  	v19 =	vbroadcast v19, $0x0  }
0x2f3: {  	[tilespmem:v18+s18+$0x0] =	vst.idx.msk $0xffff, v17  }
0x2f4: {  	v18 =	vadd.s32 v5, v19;
	v17 =	vld [tilespmem:s24+$0xFFFFFF50];
	_ =	sdelay $0x4  }
0x2f5: {  	[tilespmem:v18+s18+$0x0] =	vst.idx.msk $0xffff, v17  }
0x2f6: {  	s28 =	sadd.s32 $0xFFFFFFFC, s25;
	v18 =	vadd.s32 v6, v19;
	v17 =	vld [tilespmem:s24+$0xFFFFFF60]  }
0x2f7: {  	v19 =	vmov s28  }
0x2f8: {  	v19 =	vshrl.u32 v19, $0x3  }
0x2f9: {  	v19 =	vshll.u32 v19, v1  }
0x2fa: {  	v19 =	vbroadcast v19, $0x0  }
0x2fb: {  	[tilespmem:v18+s18+$0x0] =	vst.idx.msk $0xffff, v17  }
0x2fc: {  	v18 =	vadd.s32 v7, v19;
	v17 =	vld [tilespmem:s24+$0xFFFFFF70];
	_ =	sdelay $0x4  }
0x2fd: {  	[tilespmem:v18+s18+$0x0] =	vst.idx.msk $0xffff, v17  }
0x2fe: {  	s28 =	sadd.s32 $0xFFFFFFFD, s25;
	v18 =	vadd.s32 v8, v19;
	v17 =	vld [tilespmem:s24+$0xFFFFFF80]  }
0x2ff: {  	v19 =	vmov s28  }
0x300: {  	v19 =	vshrl.u32 v19, $0x3  }
0x301: {  	v19 =	vshll.u32 v19, v1  }
0x302: {  	v19 =	vbroadcast v19, $0x0  }
0x303: {  	[tilespmem:v18+s18+$0x0] =	vst.idx.msk $0xffff, v17  }
0x304: {  	v18 =	vadd.s32 v9, v19;
	v17 =	vld [tilespmem:s24+$0xFFFFFF90];
	_ =	sdelay $0x4  }
0x305: {  	[tilespmem:v18+s18+$0x0] =	vst.idx.msk $0xffff, v17  }
0x306: {  	s28 =	sadd.s32 $0xFFFFFFFE, s25;
	v18 =	vadd.s32 v10, v19;
	v17 =	vld [tilespmem:s24+$0xFFFFFFA0]  }
0x307: {  	v19 =	vmov s28  }
0x308: {  	v19 =	vshrl.u32 v19, $0x3  }
0x309: {  	v19 =	vshll.u32 v19, v1  }
0x30a: {  	v19 =	vbroadcast v19, $0x0  }
0x30b: {  	[tilespmem:v18+s18+$0x0] =	vst.idx.msk $0xffff, v17  }
0x30c: {  	v18 =	vadd.s32 v11, v19;
	v17 =	vld [tilespmem:s24+$0xFFFFFFB0];
	_ =	sdelay $0x4  }
0x30d: {  	[tilespmem:v18+s18+$0x0] =	vst.idx.msk $0xffff, v17  }
0x30e: {  	s28 =	sadd.s32 $0xFFFFFFFF, s25;
	v18 =	vadd.s32 v12, v19;
	v17 =	vld [tilespmem:s24+$0xFFFFFFC0]  }
0x30f: {  	v19 =	vmov s28  }
0x310: {  	v19 =	vshrl.u32 v19, $0x3  }
0x311: {  	v19 =	vshll.u32 v19, v1  }
0x312: {  	v19 =	vbroadcast v19, $0x0  }
0x313: {  	[tilespmem:v18+s18+$0x0] =	vst.idx.msk $0xffff, v17  }
0x314: {  	v18 =	vadd.s32 v13, v19;
	v17 =	vld [tilespmem:s24+$0xFFFFFFD0];
	_ =	sdelay $0x4  }
0x315: {  	[tilespmem:v18+s18+$0x0] =	vst.idx.msk $0xffff, v17  }
0x316: {  	v18 =	vadd.s32 v14, v19;
	v17 =	vld [tilespmem:s24+$0xFFFFFFE0]  }
0x317: {  	v19 =	vmov s25;
	s25 =	smov.u32 s26  }
0x318: {  	v19 =	vshrl.u32 v19, $0x3  }
0x319: {  	v19 =	vshll.u32 v19, v1  }
0x31a: {  	v19 =	vbroadcast v19, $0x0  }
0x31b: {  	[tilespmem:v18+s18+$0x0] =	vst.idx.msk $0xffff, v17  }
0x31c: {  	v18 =	vadd.s32 v15, v19;
	v17 =	vld [tilespmem:s24+$0xFFFFFFF0];
	_ =	sdelay $0x1  }
.Ltmp6:
0x31d: {  	(pc) =	sbr.rel @p0 .LBB2_9-.Ltmp6, $3  }
0x31e: {  	_ =	sdelay $0x1  }
0x31f: {  	[tilespmem:v18+s18+$0x0] =	vst.idx.msk $0xffff, v17  }
0x320: {  	s26 =	sadd.s32 $0x10, s26;
	s28 =	sadd.s32 $0xFFFFFFF1, s25;
	v18 =	vadd.s32 v16, v19;
	v17 =	vld [tilespmem:s24+$0x0]  }
0x321: {  	v19 =	vmov s28  }
0x322: {  	v19 =	vshrl.u32 v19, $0x3  }
0x323: {  	v19 =	vshll.u32 v19, v1  }
0x324: {  	v19 =	vbroadcast v19, $0x0  }
0x325: {  	s24 =	sadd.s32 $0x200, s24;
	[tilespmem:v18+s18+$0x0] =	vst.idx.msk $0xffff, v17  }
0x326: {  	v17 =	vld [tilespmem:s24+$0xFFFFFE10];
	v18 =	vadd.s32 v0, v19;
	_ =	sdelay $0x4  }
0x327: {  	[tilespmem:v18+s18+$0x0] =	vst.idx.msk $0xffff, v17  }
0x328: {  	s26 =	sadd.s32 $0xFFFFFFF2, s25;
	v18 =	vadd.s32 v2, v19;
	v17 =	vld [tilespmem:s24+$0xFFFFFE20]  }
0x329: {  	v19 =	vmov s26  }
0x32a: {  	v19 =	vshrl.u32 v19, $0x3  }
0x32b: {  	v19 =	vshll.u32 v19, v1  }
0x32c: {  	v19 =	vbroadcast v19, $0x0  }
0x32d: {  	[tilespmem:v18+s18+$0x0] =	vst.idx.msk $0xffff, v17  }
0x32e: {  	v18 =	vadd.s32 v3, v19;
	v17 =	vld [tilespmem:s24+$0xFFFFFE30];
	_ =	sdelay $0x4  }
0x32f: {  	[tilespmem:v18+s18+$0x0] =	vst.idx.msk $0xffff, v17  }
0x330: {  	s28 =	sadd.s32 $0xFFFFFFF3, s25;
	v18 =	vadd.s32 v4, v19;
	v17 =	vld [tilespmem:s24+$0xFFFFFE40]  }
0x331: {  	v19 =	vmov s28  }
0x332: {  	v19 =	vshrl.u32 v19, $0x3  }
0x333: {  	v19 =	vshll.u32 v19, v1  }
0x334: {  	v19 =	vbroadcast v19, $0x0  }
0x335: {  	[tilespmem:v18+s18+$0x0] =	vst.idx.msk $0xffff, v17  }
0x336: {  	v18 =	vadd.s32 v5, v19;
	v17 =	vld [tilespmem:s24+$0xFFFFFE50];
	_ =	sdelay $0x4  }
0x337: {  	[tilespmem:v18+s18+$0x0] =	vst.idx.msk $0xffff, v17  }
0x338: {  	s28 =	sadd.s32 $0xFFFFFFF4, s25;
	v18 =	vadd.s32 v6, v19;
	v17 =	vld [tilespmem:s24+$0xFFFFFE60]  }
0x339: {  	v19 =	vmov s28  }
0x33a: {  	v19 =	vshrl.u32 v19, $0x3  }
0x33b: {  	v19 =	vshll.u32 v19, v1  }
0x33c: {  	v19 =	vbroadcast v19, $0x0  }
0x33d: {  	[tilespmem:v18+s18+$0x0] =	vst.idx.msk $0xffff, v17  }
0x33e: {  	v18 =	vadd.s32 v7, v19;
	v17 =	vld [tilespmem:s24+$0xFFFFFE70];
	_ =	sdelay $0x4  }
0x33f: {  	[tilespmem:v18+s18+$0x0] =	vst.idx.msk $0xffff, v17  }
0x340: {  	s28 =	sadd.s32 $0xFFFFFFF5, s25;
	v18 =	vadd.s32 v8, v19;
	v17 =	vld [tilespmem:s24+$0xFFFFFE80]  }
0x341: {  	v19 =	vmov s28  }
0x342: {  	v19 =	vshrl.u32 v19, $0x3  }
0x343: {  	v19 =	vshll.u32 v19, v1  }
0x344: {  	v19 =	vbroadcast v19, $0x0  }
0x345: {  	[tilespmem:v18+s18+$0x0] =	vst.idx.msk $0xffff, v17  }
0x346: {  	v18 =	vadd.s32 v9, v19;
	v17 =	vld [tilespmem:s24+$0xFFFFFE90];
	_ =	sdelay $0x4  }
0x347: {  	[tilespmem:v18+s18+$0x0] =	vst.idx.msk $0xffff, v17  }
0x348: {  	s28 =	sadd.s32 $0xFFFFFFF6, s25;
	v18 =	vadd.s32 v10, v19;
	v17 =	vld [tilespmem:s24+$0xFFFFFEA0]  }
0x349: {  	v19 =	vmov s28  }
0x34a: {  	v19 =	vshrl.u32 v19, $0x3  }
0x34b: {  	v19 =	vshll.u32 v19, v1  }
0x34c: {  	v19 =	vbroadcast v19, $0x0  }
0x34d: {  	[tilespmem:v18+s18+$0x0] =	vst.idx.msk $0xffff, v17  }
0x34e: {  	v18 =	vadd.s32 v11, v19;
	v17 =	vld [tilespmem:s24+$0xFFFFFEB0];
	_ =	sdelay $0x4  }
0x34f: {  	[tilespmem:v18+s18+$0x0] =	vst.idx.msk $0xffff, v17  }
0x350: {  	s28 =	sadd.s32 $0xFFFFFFF7, s25;
	v18 =	vadd.s32 v12, v19;
	v17 =	vld [tilespmem:s24+$0xFFFFFEC0]  }
0x351: {  	v19 =	vmov s28  }
0x352: {  	v19 =	vshrl.u32 v19, $0x3  }
0x353: {  	v19 =	vshll.u32 v19, v1  }
0x354: {  	v19 =	vbroadcast v19, $0x0  }
0x355: {  	[tilespmem:v18+s18+$0x0] =	vst.idx.msk $0xffff, v17  }
0x356: {  	v18 =	vadd.s32 v13, v19;
	v17 =	vld [tilespmem:s24+$0xFFFFFED0];
	_ =	sdelay $0x4  }
0x357: {  	[tilespmem:v18+s18+$0x0] =	vst.idx.msk $0xffff, v17  }
0x358: {  	s28 =	sadd.s32 $0xFFFFFFF8, s25;
	v18 =	vadd.s32 v14, v19;
	v17 =	vld [tilespmem:s24+$0xFFFFFEE0]  }
0x359: {  	v19 =	vmov s28  }
0x35a: {  	v19 =	vshrl.u32 v19, $0x3  }
0x35b: {  	v19 =	vshll.u32 v19, v1  }
0x35c: {  	v19 =	vbroadcast v19, $0x0  }
0x35d: {  	[tilespmem:v18+s18+$0x0] =	vst.idx.msk $0xffff, v17  }
0x35e: {  	v18 =	vadd.s32 v15, v19;
	v17 =	vld [tilespmem:s24+$0xFFFFFEF0];
	_ =	sdelay $0x4  }
0x35f: {  	[tilespmem:v18+s18+$0x0] =	vst.idx.msk $0xffff, v17  }
0x360: {  	s28 =	sadd.s32 $0xFFFFFFF9, s25;
	v18 =	vadd.s32 v16, v19;
	v17 =	vld [tilespmem:s24+$0xFFFFFF00]  }
0x361: {  	v19 =	vmov s28  }
0x362: {  	v19 =	vshrl.u32 v19, $0x3  }
0x363: {  	v19 =	vshll.u32 v19, v1  }
0x364: {  	v19 =	vbroadcast v19, $0x0  }
0x365: {  	[tilespmem:v18+s18+$0x0] =	vst.idx.msk $0xffff, v17  }
0x366: {  	v18 =	vadd.s32 v0, v19;
	v17 =	vld [tilespmem:s24+$0xFFFFFF10];
	_ =	sdelay $0x4  }
0x367: {  	[tilespmem:v18+s18+$0x0] =	vst.idx.msk $0xffff, v17  }
0x368: {  	s28 =	sadd.s32 $0xFFFFFFFA, s25;
	v18 =	vadd.s32 v2, v19;
	v17 =	vld [tilespmem:s24+$0xFFFFFF20]  }
0x369: {  	v19 =	vmov s28  }
0x36a: {  	v19 =	vshrl.u32 v19, $0x3  }
0x36b: {  	v19 =	vshll.u32 v19, v1  }
0x36c: {  	v19 =	vbroadcast v19, $0x0  }
0x36d: {  	[tilespmem:v18+s18+$0x0] =	vst.idx.msk $0xffff, v17  }
0x36e: {  	v18 =	vadd.s32 v3, v19;
	v17 =	vld [tilespmem:s24+$0xFFFFFF30];
	_ =	sdelay $0x4  }
0x36f: {  	[tilespmem:v18+s18+$0x0] =	vst.idx.msk $0xffff, v17  }
0x370: {  	s28 =	sadd.s32 $0xFFFFFFFB, s25;
	v18 =	vadd.s32 v4, v19;
	v17 =	vld [tilespmem:s24+$0xFFFFFF40]  }
0x371: {  	v19 =	vmov s28  }
0x372: {  	v19 =	vshrl.u32 v19, $0x3  }
0x373: {  	v19 =	vshll.u32 v19, v1  }
0x374: {  	v19 =	vbroadcast v19, $0x0  }
0x375: {  	[tilespmem:v18+s18+$0x0] =	vst.idx.msk $0xffff, v17  }
0x376: {  	v18 =	vadd.s32 v5, v19;
	v17 =	vld [tilespmem:s24+$0xFFFFFF50];
	_ =	sdelay $0x4  }
0x377: {  	[tilespmem:v18+s18+$0x0] =	vst.idx.msk $0xffff, v17  }
0x378: {  	s28 =	sadd.s32 $0xFFFFFFFC, s25;
	v18 =	vadd.s32 v6, v19;
	v17 =	vld [tilespmem:s24+$0xFFFFFF60]  }
0x379: {  	v19 =	vmov s28  }
0x37a: {  	v19 =	vshrl.u32 v19, $0x3  }
0x37b: {  	v19 =	vshll.u32 v19, v1  }
0x37c: {  	v19 =	vbroadcast v19, $0x0  }
0x37d: {  	[tilespmem:v18+s18+$0x0] =	vst.idx.msk $0xffff, v17  }
0x37e: {  	v18 =	vadd.s32 v7, v19;
	v17 =	vld [tilespmem:s24+$0xFFFFFF70];
	_ =	sdelay $0x4  }
0x37f: {  	[tilespmem:v18+s18+$0x0] =	vst.idx.msk $0xffff, v17  }
0x380: {  	s28 =	sadd.s32 $0xFFFFFFFD, s25;
	v18 =	vadd.s32 v8, v19;
	v17 =	vld [tilespmem:s24+$0xFFFFFF80]  }
0x381: {  	v19 =	vmov s28  }
0x382: {  	v19 =	vshrl.u32 v19, $0x3  }
0x383: {  	v19 =	vshll.u32 v19, v1  }
0x384: {  	v19 =	vbroadcast v19, $0x0  }
0x385: {  	[tilespmem:v18+s18+$0x0] =	vst.idx.msk $0xffff, v17  }
0x386: {  	v18 =	vadd.s32 v9, v19;
	v17 =	vld [tilespmem:s24+$0xFFFFFF90];
	_ =	sdelay $0x4  }
0x387: {  	[tilespmem:v18+s18+$0x0] =	vst.idx.msk $0xffff, v17  }
0x388: {  	s28 =	sadd.s32 $0xFFFFFFFE, s25;
	v18 =	vadd.s32 v10, v19;
	v17 =	vld [tilespmem:s24+$0xFFFFFFA0]  }
0x389: {  	v19 =	vmov s28  }
0x38a: {  	v19 =	vshrl.u32 v19, $0x3  }
0x38b: {  	v19 =	vshll.u32 v19, v1  }
0x38c: {  	v19 =	vbroadcast v19, $0x0  }
0x38d: {  	[tilespmem:v18+s18+$0x0] =	vst.idx.msk $0xffff, v17  }
0x38e: {  	v18 =	vadd.s32 v11, v19;
	v17 =	vld [tilespmem:s24+$0xFFFFFFB0];
	_ =	sdelay $0x4  }
0x38f: {  	[tilespmem:v18+s18+$0x0] =	vst.idx.msk $0xffff, v17  }
0x390: {  	s28 =	sadd.s32 $0xFFFFFFFF, s25;
	v18 =	vadd.s32 v12, v19;
	v17 =	vld [tilespmem:s24+$0xFFFFFFC0]  }
0x391: {  	v19 =	vmov s28  }
0x392: {  	v19 =	vshrl.u32 v19, $0x3  }
0x393: {  	v19 =	vshll.u32 v19, v1  }
0x394: {  	v19 =	vbroadcast v19, $0x0  }
0x395: {  	[tilespmem:v18+s18+$0x0] =	vst.idx.msk $0xffff, v17  }
0x396: {  	v18 =	vadd.s32 v13, v19;
	v17 =	vld [tilespmem:s24+$0xFFFFFFD0];
	_ =	sdelay $0x4  }
0x397: {  	[tilespmem:v18+s18+$0x0] =	vst.idx.msk $0xffff, v17  }
0x398: {  	v18 =	vadd.s32 v14, v19;
	v17 =	vld [tilespmem:s24+$0xFFFFFFE0]  }
0x399: {  	v19 =	vmov s25  }
0x39a: {  	v19 =	vshrl.u32 v19, $0x3  }
0x39b: {  	v19 =	vshll.u32 v19, v1  }
0x39c: {  	v19 =	vbroadcast v19, $0x0  }
0x39d: {  	[tilespmem:v18+s18+$0x0] =	vst.idx.msk $0xffff, v17  }
0x39e: {  	v18 =	vadd.s32 v15, v19;
	v17 =	vld [tilespmem:s24+$0xFFFFFFF0];
	_ =	sdelay $0x4  }
0x39f: {  	[tilespmem:v18+s18+$0x0] =	vst.idx.msk $0xffff, v17  }
0x3a0: {  	v18 =	vadd.s32 v16, v19;
	v17 =	vld [tilespmem:s24+$0x0];
	_ =	sdelay $0x4  }
0x3a1: {  	s24 =	sadd.s32 s23, s10;
	[tilespmem:v18+s18+$0x0] =	vst.idx.msk $0xffff, v17  }
0x3a2: {  	[hbm4b:s24+s3] =	stream.linear.scatter [tilespmem:s18], [sflag:$0x4], $0x80, $0x38;
	[tilespmem:$0xA600] =	vst v63  }
0x3a3: {  	s28 =	simm.s32 $0x9588;
	s26 =	sadd.s32 $0x10, s24  }
0x3a4: {  	[hbm4b:s26+s3] =	stream.linear.scatter [tilespmem:s28], [sflag:$0x4], $0x80, $0x38;
	[tilespmem:$0xA600] =	vst v63  }
0x3a5: {  	s26 =	sadd.s32 $0x20, s24;
	s28 =	simm.s32 $0x9610  }
0x3a6: {  	[hbm4b:s26+s3] =	stream.linear.scatter [tilespmem:s28], [sflag:$0x4], $0x80, $0x38;
	[tilespmem:$0xA600] =	vst v63  }
0x3a7: {  	s26 =	sadd.s32 $0x30, s24;
	s28 =	simm.s32 $0x9698  }
0x3a8: {  	[hbm4b:s26+s3] =	stream.linear.scatter [tilespmem:s28], [sflag:$0x4], $0x80, $0x38;
	[tilespmem:$0xA600] =	vst v63  }
0x3a9: {  	s26 =	sadd.s32 $0x40, s24;
	s28 =	simm.s32 $0x9720  }
0x3aa: {  	[hbm4b:s26+s3] =	stream.linear.scatter [tilespmem:s28], [sflag:$0x4], $0x80, $0x38;
	[tilespmem:$0xA600] =	vst v63  }
0x3ab: {  	s26 =	sadd.s32 $0x50, s24;
	s28 =	simm.s32 $0x97A8  }
0x3ac: {  	[hbm4b:s26+s3] =	stream.linear.scatter [tilespmem:s28], [sflag:$0x4], $0x80, $0x38;
	[tilespmem:$0xA600] =	vst v63  }
0x3ad: {  	s26 =	sadd.s32 $0x60, s24;
	s28 =	simm.s32 $0x9830  }
0x3ae: {  	[hbm4b:s26+s3] =	stream.linear.scatter [tilespmem:s28], [sflag:$0x4], $0x80, $0x38;
	[tilespmem:$0xA600] =	vst v63  }
0x3af: {  	s24 =	sadd.s32 $0x70, s24;
	s26 =	simm.s32 $0x98B8  }
0x3b0: {  	[hbm4b:s24+s3] =	stream.linear.scatter [tilespmem:s26], [sflag:$0x4], $0x80, $0x38;
	[tilespmem:$0xA600] =	vst v63  }
0x3b1: {  	s28 =	simm.s32 $0x9940;
	s24 =	sadd.s32 s23, s11  }
0x3b2: {  	[hbm4b:s24+s3] =	stream.linear.scatter [tilespmem:s28], [sflag:$0x4], $0x80, $0x38;
	[tilespmem:$0xA600] =	vst v63  }
0x3b3: {  	s26 =	sadd.s32 $0x10, s24;
	s28 =	simm.s32 $0x99C8  }
0x3b4: {  	[hbm4b:s26+s3] =	stream.linear.scatter [tilespmem:s28], [sflag:$0x4], $0x80, $0x38;
	[tilespmem:$0xA600] =	vst v63  }
0x3b5: {  	s26 =	sadd.s32 $0x20, s24;
	s28 =	simm.s32 $0x9A50  }
0x3b6: {  	[hbm4b:s26+s3] =	stream.linear.scatter [tilespmem:s28], [sflag:$0x4], $0x80, $0x38;
	[tilespmem:$0xA600] =	vst v63  }
0x3b7: {  	s26 =	sadd.s32 $0x30, s24;
	s28 =	simm.s32 $0x9AD8  }
0x3b8: {  	[hbm4b:s26+s3] =	stream.linear.scatter [tilespmem:s28], [sflag:$0x4], $0x80, $0x38;
	[tilespmem:$0xA600] =	vst v63  }
0x3b9: {  	s26 =	sadd.s32 $0x40, s24;
	s28 =	simm.s32 $0x9B60  }
0x3ba: {  	[hbm4b:s26+s3] =	stream.linear.scatter [tilespmem:s28], [sflag:$0x4], $0x80, $0x38;
	[tilespmem:$0xA600] =	vst v63  }
0x3bb: {  	s26 =	sadd.s32 $0x50, s24;
	s28 =	simm.s32 $0x9BE8  }
0x3bc: {  	[hbm4b:s26+s3] =	stream.linear.scatter [tilespmem:s28], [sflag:$0x4], $0x80, $0x38;
	[tilespmem:$0xA600] =	vst v63  }
0x3bd: {  	s26 =	sadd.s32 $0x60, s24;
	s28 =	simm.s32 $0x9C70  }
0x3be: {  	[hbm4b:s26+s3] =	stream.linear.scatter [tilespmem:s28], [sflag:$0x4], $0x80, $0x38;
	[tilespmem:$0xA600] =	vst v63  }
0x3bf: {  	s24 =	sadd.s32 $0x70, s24;
	s26 =	simm.s32 $0x9CF8  }
0x3c0: {  	[hbm4b:s24+s3] =	stream.linear.scatter [tilespmem:s26], [sflag:$0x4], $0x80, $0x38;
	[tilespmem:$0xA600] =	vst v63  }
0x3c1: {  	s28 =	simm.s32 $0x9D80;
	s24 =	sadd.s32 s23, s12  }
0x3c2: {  	[hbm4b:s24+s3] =	stream.linear.scatter [tilespmem:s28], [sflag:$0x4], $0x80, $0x38;
	[tilespmem:$0xA600] =	vst v63  }
0x3c3: {  	s26 =	sadd.s32 $0x10, s24;
	s28 =	simm.s32 $0x9E08  }
0x3c4: {  	[hbm4b:s26+s3] =	stream.linear.scatter [tilespmem:s28], [sflag:$0x4], $0x80, $0x38;
	[tilespmem:$0xA600] =	vst v63  }
0x3c5: {  	s26 =	sadd.s32 $0x20, s24;
	s28 =	simm.s32 $0x9E90  }
0x3c6: {  	[hbm4b:s26+s3] =	stream.linear.scatter [tilespmem:s28], [sflag:$0x4], $0x80, $0x38;
	[tilespmem:$0xA600] =	vst v63  }
0x3c7: {  	s26 =	sadd.s32 $0x30, s24;
	s28 =	simm.s32 $0x9F18  }
0x3c8: {  	[hbm4b:s26+s3] =	stream.linear.scatter [tilespmem:s28], [sflag:$0x4], $0x80, $0x38;
	[tilespmem:$0xA600] =	vst v63  }
0x3c9: {  	s26 =	sadd.s32 $0x40, s24;
	s28 =	simm.s32 $0x9FA0  }
0x3ca: {  	[hbm4b:s26+s3] =	stream.linear.scatter [tilespmem:s28], [sflag:$0x4], $0x80, $0x38;
	[tilespmem:$0xA600] =	vst v63  }
0x3cb: {  	s26 =	sadd.s32 $0x50, s24;
	s28 =	simm.s32 $0xA028  }
0x3cc: {  	[hbm4b:s26+s3] =	stream.linear.scatter [tilespmem:s28], [sflag:$0x4], $0x80, $0x38;
	[tilespmem:$0xA600] =	vst v63  }
0x3cd: {  	s26 =	sadd.s32 $0x60, s24;
	s28 =	simm.s32 $0xA0B0  }
0x3ce: {  	[hbm4b:s26+s3] =	stream.linear.scatter [tilespmem:s28], [sflag:$0x4], $0x80, $0x38;
	[tilespmem:$0xA600] =	vst v63  }
0x3cf: {  	s24 =	sadd.s32 $0x70, s24;
	s28 =	simm.s32 $0xA138  }
0x3d0: {  	[hbm4b:s24+s3] =	stream.linear.scatter [tilespmem:s28], [sflag:$0x4], $0x80, $0x38;
	[tilespmem:$0xA600] =	vst v63  }
0x3d1: {  	s23 =	sadd.s32 s23, s13  }
0x3d2: {  	[hbm4b:s23+s3] =	stream.linear.scatter [tilespmem:s29], [sflag:$0x4], $0x80, $0x38;
	[tilespmem:$0xA600] =	vst v63  }
0x3d3: {  	s25 =	sadd.s32 $0x10, s23  }
0x3d4: {  	[hbm4b:s25+s3] =	stream.linear.scatter [tilespmem:s30], [sflag:$0x4], $0x80, $0x38;
	[tilespmem:$0xA600] =	vst v63  }
0x3d5: {  	s26 =	sadd.s32 $0x20, s23  }
0x3d6: {  	[hbm4b:s26+s3] =	stream.linear.scatter [tilespmem:s31], [sflag:$0x4], $0x80, $0x38;
	[tilespmem:$0xA600] =	vst v63  }
0x3d7: {  	s28 =	sadd.s32 $0x30, s23  }
0x3d8: {  	[hbm4b:s28+s3] =	stream.linear.scatter [tilespmem:s0], [sflag:$0x4], $0x80, $0x38;
	[tilespmem:$0xA600] =	vst v63  }
0x3d9: {  	s25 =	sadd.s32 $0x40, s23  }
0x3da: {  	[hbm4b:s25+s3] =	stream.linear.scatter [tilespmem:s1], [sflag:$0x4], $0x80, $0x38;
	[tilespmem:$0xA600] =	vst v63  }
0x3db: {  	p0 =	seq.s32 s19, $0x63;
	s26 =	sadd.s32 $0x50, s23  }
0x3dc: {  	[hbm4b:s26+s3] =	stream.linear.scatter [tilespmem:s16], [sflag:$0x4], $0x80, $0x38;
	[tilespmem:$0xA600] =	vst v63  }
.Ltmp7:
0x3dd: {  	_ = 	snop;
	(pc) =	sbr.rel @p0 .LBB2_12-.Ltmp7, $4  }
0x3de: {  	s28 =	sadd.s32 $0x60, s23  }
0x3df: {  	[hbm4b:s28+s3] =	stream.linear.scatter [tilespmem:s5], [sflag:$0x4], $0x80, $0x38;
	[tilespmem:$0xA600] =	vst v63  }
0x3e0: {  	s23 =	sadd.s32 $0x70, s23  }
0x3e1: {  	[hbm4b:s23+s3] =	stream.linear.scatter [tilespmem:s2], [sflag:$0x4], $0x80, $0x38;
	[tilespmem:$0xA600] =	vst v63  }
.Ltmp8:
0x3e2: {  	(pc) =	sbr.rel .LBB2_2-.Ltmp8, $4  }
0x3e3: {  	_ = 	snop  }
0x3e4: {  	s22 =	sshrl.u32 s22, $0x2  }
0x3e5: {  	s23 =	simm.s32 $0x7400;
	s19 =	sadd.s32 $0x1, s19;
	s22 =	sadd.s32 $0x180, s22  }
0x3e6: {  	[tilespmem:s23], [sflag:$0x2] =	stream.indirect.gather [hbm4b:s4+s15], $0x20, s22, s15, $0xb8;
	[tilespmem:$0xA600] =	vst v63  }
.LBB2_13:
0x3e7: {  	_ =	sfence.sel $0x180000  }
0x3e8: {  	[bflag:$0x0] =	sbarrier.arrive $0xFFFF  }
0x3e9: {  	_ =	strace $0x90000047  }
0x3ea: {  	s0 =	stileid.u32;
	[bflag:$0x2] =	sbarrier.arrive $0xFFFF  }
0x3eb: {  	p0 =	sne.s32 s0, $0x0;
	s0 =	rddreg [dreg:$0x2]  }
0x3ec: {  	s0 =	sadd.s32 @!p0 $0x100000, s0  }
0x3ed: {  	[sflag:s0] =	ssyncadd.tile.s32 @!p0 $0x1;
	_ =	shalt  }
.Lfunc_end2:
_tile_overlayer_lowered:
.L_overlay_start_2:
0x3ee: {  	(tag) =	ssettag $0x2  }
0x3ef: {  	s0 =	rddreg [dreg:$0x0];
	s2 =	stileid.u32  }
0x3f0: {  	s1 =	rddreg [dreg:$0x1];
	p0 =	sne.s32 s2, $0x0  }
0x3f1: {  	s3 =	rddreg [dreg:$0x2];
	[bflag:$0x3] =	sbarrier.arrive $0xFFFF;
	s2 =	simm.s32 @!p0 $0x1C05  }
0x3f2: {  	[timem:s3], [sflag:s2] =	dma.local @!p0 [hbm:s0], s1  }
0x3f3: {  	s0 =	simm.s32 @!p0 $0x5  }
0x3f4: {  	_ =	swait.ge @!p0 [sflag:s0], s1  }
0x3f5: {  	s1 =	ssub.s32 @!p0 $0x0, s1;
	[sflag:s0] =	ssyncset.done @!p0 $0x0  }
0x3f6: {  	[sflag:s0] =	ssyncadd.s32 @!p0 s1  }
0x3f7: {  	[bflag:$0x3] =	sbarrier.arrive $0xFFFF  }
0x3f8: {  	_ =	shalt  }

</sc_bundles>
